<compile_context>
chip_gen: v7x
topology: tpu7x:2x2x1
jax: 0.10.2.dev20260603
libtpu: 0.0.44.dev20260713+nightly
codegen_flags: <defaults>
</compile_context>

<pallas_src>
import functools

import jax
import jax.numpy as jnp
from jax import lax
from jax.experimental import pallas as pl
from jax.experimental.pallas import tpu as pltpu
from jax.experimental.pallas import tpu_sc as plsc

N = 10000
E = 320000
DIM = 128


_ROWS = 2000
_GRID = N // _ROWS
_PROWS = 2000
_PGRID = N // _PROWS


def _pre_body(h_ref, c_ref, uft_ref, ufb_ref, gc_ref):
    fh = jnp.dot(h_ref[...], uft_ref[...], preferred_element_type=jnp.float32)
    g = jax.nn.sigmoid(fh + ufb_ref[...])
    gc_ref[...] = g * c_ref[...]


def _pre(h, c, uft, ufb):
    return pl.pallas_call(
        _pre_body,
        grid=(_GRID,),
        in_specs=[
            pl.BlockSpec((_ROWS, DIM), lambda i: (i, 0)),
            pl.BlockSpec((_ROWS, DIM), lambda i: (i, 0)),
            pl.BlockSpec((DIM, DIM), lambda i: (0, 0)),
            pl.BlockSpec((1, DIM), lambda i: (0, 0)),
        ],
        out_specs=pl.BlockSpec((_ROWS, DIM), lambda i: (i, 0)),
        out_shape=jax.ShapeDtypeStruct((N, DIM), jnp.float32),
    )(h, c, uft, ufb)



_NSUB = 16
_CHUNK = 160
_NCHUNK = 125
_EDGES_PER_SUB = _NCHUNK * _CHUNK
_APAD = 10240
_ROWS_PER_SUB = _APAD // _NSUB

@functools.cache
def _build_sc_segment_sum():
    mesh = plsc.VectorSubcoreMesh(core_axis_name="c", subcore_axis_name="s")
    return pl.kernel(
        _sc_segment_sum_body,
        out_type=jax.ShapeDtypeStruct((2, _APAD, DIM), jnp.float32),
        mesh=mesh,
        scratch_types=[
            pltpu.VMEM((_CHUNK,), jnp.int32),
            pltpu.VMEM((_CHUNK,), jnp.int32),
            pltpu.VMEM((_CHUNK // 2,), jnp.int32),
            pltpu.VMEM((_CHUNK // 2,), jnp.int32),
            pltpu.VMEM((_CHUNK // 2,), jnp.int32),
            pltpu.VMEM((_CHUNK // 2,), jnp.int32),
            pltpu.VMEM((_CHUNK, DIM), jnp.float32),
            pltpu.VMEM((_CHUNK, DIM), jnp.float32),
            pltpu.VMEM_SHARED((_APAD, DIM), jnp.float32),
        ] + [pltpu.SemaphoreType.DMA] * 10,
    )


def _sc_segment_sum_body(h_hbm, gc_hbm, src_hbm, dst_hbm, out_hbm,
                         sbuf0, sbuf1, dbuf0l, dbuf0h, dbuf1l, dbuf1h,
                         rows0, rows1, acc,
                         gsem0, gsem1, ssem0, ssem1, is0, is1, id0, id1,
                         g2sem0, g2sem1):
    c = lax.axis_index("c")
    s = lax.axis_index("s")
    sbuf = (sbuf0, sbuf1)
    dbuf = ((dbuf0l, dbuf0h), (dbuf1l, dbuf1h))
    rows = (rows0, rows1)
    gsem = (gsem0, gsem1)
    ssem = (ssem0, ssem1)
    ssem2 = (g2sem0, g2sem1)
    isem = (is0, is1)
    idsem = (id0, id1)
    base = s * _EDGES_PER_SUB
    _H = _CHUNK // 2

    def src_start(t, b):
        pltpu.async_copy(src_hbm.at[pl.ds(base + t * _CHUNK, _CHUNK)],
                         sbuf[b], isem[b])

    def src_wait(b):
        pltpu.make_async_copy(src_hbm.at[pl.ds(base, _CHUNK)],
                              sbuf[b], isem[b]).wait()

    def dst_start(t, b):
        for j in range(2):
            pltpu.async_copy(
                dst_hbm.at[pl.ds(base + t * _CHUNK + j * _H, _H)],
                dbuf[b][j], idsem[b])

    def dst_wait(b):
        for j in range(2):
            pltpu.make_async_copy(dst_hbm.at[pl.ds(base, _H)],
                                  dbuf[b][j], idsem[b]).wait()

    src_start(0, 0)
    dst_start(0, 0)
    src_start(1, 1)
    dst_start(1, 1)

    def _zero_body(i, _):
        r = i // (DIM // 16)
        k = (i % (DIM // 16)) * 16
        rows0[r, pl.ds(k, 16)] = jnp.zeros((16,), jnp.float32)
        return _

    lax.fori_loop(0, _CHUNK * (DIM // 16), _zero_body, None)

    def _zcopy_body(k, _):
        pltpu.sync_copy(rows0,
                        acc.at[pl.ds(s * _ROWS_PER_SUB + k * _CHUNK, _CHUNK)])
        return _

    lax.fori_loop(0, _ROWS_PER_SUB // _CHUNK, _zcopy_body, None)
    plsc.subcore_barrier()

    def _edge_loop(table_hbm):
        q = 40
        gs = (gsem, ssem2)

        def gather_start(b):
            for j in range(_CHUNK // q):
                pltpu.async_copy(table_hbm.at[sbuf[b].at[pl.ds(j * q, q)]],
                                 rows[b].at[pl.ds(j * q, q)], gs[j % 2][b])

        def gather_wait(b, js):
            for j in js:
                pltpu.make_async_copy(table_hbm.at[sbuf[b].at[pl.ds(j * q, q)]],
                                      rows[b].at[pl.ds(j * q, q)],
                                      gs[j % 2][b]).wait()

        src_wait(0)
        dst_wait(0)
        gather_start(0)

        def _step(t, b, *, idx_next, gather_next):
            scs = []
            for j in range(2):
                gather_wait(b, (2 * j, 2 * j + 1))
                scs.append(
                    pltpu.async_copy(rows[b].at[pl.ds(j * _H, _H)],
                                     acc.at[dbuf[b][j]], ssem[b], add=True))
            if idx_next:
                src_start(t + 2, b)
            if gather_next:
                src_wait(1 - b)
                dst_wait(1 - b)
                gather_start(1 - b)
            for sc in scs:
                sc.wait()
            if idx_next:
                dst_start(t + 2, b)

        def _edge_body(i, _):
            _step(i * 2, 0, idx_next=True, gather_next=True)
            _step(i * 2 + 1, 1, idx_next=True, gather_next=True)
            return _

        lax.fori_loop(0, (_NCHUNK - 3) // 2, _edge_body, None)
        _step(_NCHUNK - 3, 0, idx_next=True, gather_next=True)
        _step(_NCHUNK - 2, 1, idx_next=False, gather_next=True)
        _step(_NCHUNK - 1, 0, idx_next=False, gather_next=False)

    @pl.when(c == 0)
    def _():
        _edge_loop(h_hbm)

    @pl.when(c == 1)
    def _():
        _edge_loop(gc_hbm)

    plsc.subcore_barrier()

    def _wb_body(k, _):
        row = s * _ROWS_PER_SUB + k * _CHUNK
        pltpu.sync_copy(acc.at[pl.ds(row, _CHUNK)], rows0)
        pltpu.sync_copy(rows0, out_hbm.at[c, pl.ds(row, _CHUNK)])
        return _

    lax.fori_loop(0, _ROWS_PER_SUB // _CHUNK, _wb_body, None)



def _post_body(hs_ref, ca_ref, x_ref, w3t_ref, ut_ref, b_ref, h_ref, c_ref):
    sm = jnp.dot(hs_ref[0], ut_ref[...], preferred_element_type=jnp.float32)
    ix = jnp.dot(x_ref[...], w3t_ref[...], preferred_element_type=jnp.float32)
    iou = ix + sm + b_ref[...]
    i = jax.nn.sigmoid(iou[:, :DIM])
    o = jax.nn.sigmoid(iou[:, DIM:2 * DIM])
    u = jnp.tanh(iou[:, 2 * DIM:])
    c_new = i * u + ca_ref[0]
    h_ref[...] = o * jnp.tanh(c_new)
    c_ref[...] = c_new


def _post(agg, x, w3t, ut, b):
    return pl.pallas_call(
        _post_body,
        grid=(_PGRID,),
        in_specs=[
            pl.BlockSpec((1, _PROWS, DIM), lambda i: (0, i, 0)),
            pl.BlockSpec((1, _PROWS, DIM), lambda i: (1, i, 0)),
            pl.BlockSpec((_PROWS, DIM), lambda i: (i, 0)),
            pl.BlockSpec((DIM, 3 * DIM), lambda i: (0, 0)),
            pl.BlockSpec((DIM, 3 * DIM), lambda i: (0, 0)),
            pl.BlockSpec((1, 3 * DIM), lambda i: (0, 0)),
        ],
        out_specs=[
            pl.BlockSpec((_PROWS, DIM), lambda i: (i, 0)),
            pl.BlockSpec((_PROWS, DIM), lambda i: (i, 0)),
        ],
        out_shape=[
            jax.ShapeDtypeStruct((N, DIM), jnp.float32),
            jax.ShapeDtypeStruct((N, DIM), jnp.float32),
        ],
    )(agg, agg, x, w3t, ut, b)



@jax.jit
def kernel(x, h, c, edge_index, W_iouf, U_iou, b_iou, U_f_W, U_f_b):
    src = edge_index[0].astype(jnp.int32)
    dst = edge_index[1].astype(jnp.int32)

    w3t = W_iouf[:3 * DIM].T
    uft = U_f_W.T
    ufb = U_f_b.reshape(1, DIM)
    ut = U_iou.T

    gc = _pre(h, c, uft, ufb)
    agg = _build_sc_segment_sum()(h, gc, src, dst)
    h_new, c_new = _post(agg, x, w3t, ut, b_iou)
    return h_new, c_new

# --- scband reference (transcript-rebuilt; emitter-appended) ---
"""Pipeline reference for scband-child-sum-tree-lstmop-12644383719723 (READ-ONLY COPY).

The authoritative reference and input builder live on the scoring server;
editing this copy changes nothing except your own understanding.
"""

import jax, jax.numpy as jnp
import numpy as np

N = 10000
E = 320000
DIM = 128

def setup_inputs(seed: int = 0) -> dict:
    key = jax.random.key(seed)
    ks = [jax.random.fold_in(key, i) for i in range(16)]
    x = jax.random.normal(ks[0], (N, DIM), dtype=jnp.float32)
    h = jax.random.normal(ks[1], (N, DIM), dtype=jnp.float32)
    c = jax.random.normal(ks[2], (N, DIM), dtype=jnp.float32)
    edge_index = jax.random.randint(ks[3], (2, E), 0, N, dtype=jnp.int64)
    # learned parameters (match torch nn.Linear weight layouts: [out, in])
    W_iouf = jax.random.normal(ks[4], (4 * DIM, DIM), dtype=jnp.float32) * 0.05
    U_iou = jax.random.normal(ks[5], (3 * DIM, DIM), dtype=jnp.float32) * 0.05
    b_iou = jnp.zeros((1, 3 * DIM), dtype=jnp.float32)
    U_f_W = jax.random.normal(ks[6], (DIM, DIM), dtype=jnp.float32) * 0.05
    U_f_b = jax.random.normal(ks[7], (DIM,), dtype=jnp.float32) * 0.05
    return {"x": x, "h": h, "c": c, "edge_index": edge_index,
            "W_iouf": W_iouf, "U_iou": U_iou, "b_iou": b_iou,
            "U_f_W": U_f_W, "U_f_b": U_f_b}

def reference(x, h, c, edge_index, W_iouf, U_iou, b_iou, U_f_W, U_f_b):
    n = x.shape[0]
    dim = x.shape[1]
    src = edge_index[0]
    dst = edge_index[1]
    # per-node input transform (W_iouf produces 4*dim; apply() consumes the iou part)
    iouf = x @ W_iouf.T
    iou_x = iouf[:, :3 * dim]
    # message: gather child states along edges
    h_src = jnp.take(h, src, axis=0)
    c_src = jnp.take(c, src, axis=0)
    # reduce: child-sum of hidden states per parent
    h_sum = jax.ops.segment_sum(h_src, dst, num_segments=n)
    # per-child forget gate, then weighted sum of child cells per parent
    f = jax.nn.sigmoid(h_src @ U_f_W.T + U_f_b)
    c_agg = jax.ops.segment_sum(f * c_src, dst, num_segments=n)
    s = h_sum @ U_iou.T
    # apply
    iou = iou_x + s + b_iou
    i, o, u = jnp.split(iou, 3, axis=-1)
    i = jax.nn.sigmoid(i)
    o = jax.nn.sigmoid(o)
    u = jnp.tanh(u)
    c_new = i * u + c_agg
    h_new = o * jnp.tanh(c_new)
    return h_new, c_new

if __name__ == "__main__":
    import jax
    _d = setup_inputs()
    print(jax.jit(kernel)(*tuple(_d.values())))

</pallas_src>

<mosaic_0001>
#map = affine_map<(d0, d1) -> (0, 0)>
#map1 = affine_map<(d0, d1) -> (0)>
#map2 = affine_map<(d0, d1) -> (0, 0, 0)>
module attributes {stable_mosaic.version = 14 : i64} {
  func.func @_sc_segment_sum_body(%arg0: i32, %arg1: i32, %arg2: memref<10000x128xf32, #tpu.memory_space<hbm>>, %arg3: memref<10000x128xf32, #tpu.memory_space<hbm>>, %arg4: memref<320000xi32, #tpu.memory_space<hbm>>, %arg5: memref<320000xi32, #tpu.memory_space<hbm>>, %arg6: memref<2x10240x128xf32, #tpu.memory_space<hbm>>, %arg7: memref<160xi32, #tpu.memory_space<vmem>>, %arg8: memref<160xi32, #tpu.memory_space<vmem>>, %arg9: memref<80xi32, #tpu.memory_space<vmem>>, %arg10: memref<80xi32, #tpu.memory_space<vmem>>, %arg11: memref<80xi32, #tpu.memory_space<vmem>>, %arg12: memref<80xi32, #tpu.memory_space<vmem>>, %arg13: memref<160x128xf32, #tpu.memory_space<vmem>>, %arg14: memref<160x128xf32, #tpu.memory_space<vmem>>, %arg15: memref<10240x128xf32, #tpu.memory_space<vmem_shared>>, %arg16: memref<!tpu.dma_semaphore, #tpu.memory_space<semaphore_mem>>, %arg17: memref<!tpu.dma_semaphore, #tpu.memory_space<semaphore_mem>>, %arg18: memref<!tpu.dma_semaphore, #tpu.memory_space<semaphore_mem>>, %arg19: memref<!tpu.dma_semaphore, #tpu.memory_space<semaphore_mem>>, %arg20: memref<!tpu.dma_semaphore, #tpu.memory_space<semaphore_mem>>, %arg21: memref<!tpu.dma_semaphore, #tpu.memory_space<semaphore_mem>>, %arg22: memref<!tpu.dma_semaphore, #tpu.memory_space<semaphore_mem>>, %arg23: memref<!tpu.dma_semaphore, #tpu.memory_space<semaphore_mem>>, %arg24: memref<!tpu.dma_semaphore, #tpu.memory_space<semaphore_mem>>, %arg25: memref<!tpu.dma_semaphore, #tpu.memory_space<semaphore_mem>>) attributes {dimension_semantics = [#tpu.dimension_semantics<core_parallel>, #tpu.dimension_semantics<subcore_parallel>], iteration_bounds = array<i64: 2, 16>, scalar_prefetch = 0 : i64, scratch_operands = 19 : i64, tpu.core_type = #tpu.core_type<sc_vector_subcore>, window_params = [{transform_indices = #map}, {transform_indices = #map}, {transform_indices = #map1}, {transform_indices = #map1}, {transform_indices = #map2}]} {
    %mul3A = arith.constant 20000 : i32
    %mul3A_0 = arith.muli %arg1, %mul3A : i32
    %add3A = arith.constant 0 : i32
    %add3A_1 = arith.addi %mul3A_0, %add3A : i32
    %dma_start3A = tpu.memref_slice %arg4[%add3A_1] : memref<320000xi32, #tpu.memory_space<hbm>> -> memref<160xi32, #tpu.memory_space<hbm>>
    %dma_start3A_2 = tpu.memref_slice %arg4[%add3A_1] : memref<320000xi32, #tpu.memory_space<hbm>> -> memref<160xi32, #tpu.memory_space<hbm>>
    tpu.enqueue_dma source(%dma_start3A_2 : memref<160xi32, #tpu.memory_space<hbm>>) target(%arg7 : memref<160xi32, #tpu.memory_space<vmem>>) target_semaphore(%arg20 : memref<!tpu.dma_semaphore, #tpu.memory_space<semaphore_mem>>)
    %add3A_3 = arith.constant 0 : i32
    %add3A_4 = arith.addi %mul3A_0, %add3A_3 : i32
    %add3A_5 = arith.constant 0 : i32
    %add3A_6 = arith.addi %add3A_4, %add3A_5 : i32
    %dma_start3A_7 = tpu.memref_slice %arg5[%add3A_6] : memref<320000xi32, #tpu.memory_space<hbm>> -> memref<80xi32, #tpu.memory_space<hbm>>
    %dma_start3A_8 = tpu.memref_slice %arg5[%add3A_6] : memref<320000xi32, #tpu.memory_space<hbm>> -> memref<80xi32, #tpu.memory_space<hbm>>
    tpu.enqueue_dma source(%dma_start3A_8 : memref<80xi32, #tpu.memory_space<hbm>>) target(%arg9 : memref<80xi32, #tpu.memory_space<vmem>>) target_semaphore(%arg22 : memref<!tpu.dma_semaphore, #tpu.memory_space<semaphore_mem>>)
    %add3A_9 = arith.constant 0 : i32
    %add3A_10 = arith.addi %mul3A_0, %add3A_9 : i32
    %add3A_11 = arith.constant 80 : i32
    %add3A_12 = arith.addi %add3A_10, %add3A_11 : i32
    %dma_start3A_13 = tpu.memref_slice %arg5[%add3A_12] : memref<320000xi32, #tpu.memory_space<hbm>> -> memref<80xi32, #tpu.memory_space<hbm>>
    %dma_start3A_14 = tpu.memref_slice %arg5[%add3A_12] : memref<320000xi32, #tpu.memory_space<hbm>> -> memref<80xi32, #tpu.memory_space<hbm>>
    tpu.enqueue_dma source(%dma_start3A_14 : memref<80xi32, #tpu.memory_space<hbm>>) target(%arg10 : memref<80xi32, #tpu.memory_space<vmem>>) target_semaphore(%arg22 : memref<!tpu.dma_semaphore, #tpu.memory_space<semaphore_mem>>)
    %add3A_15 = arith.constant 160 : i32
    %add3A_16 = arith.addi %mul3A_0, %add3A_15 : i32
    %dma_start3A_17 = tpu.memref_slice %arg4[%add3A_16] : memref<320000xi32, #tpu.memory_space<hbm>> -> memref<160xi32, #tpu.memory_space<hbm>>
    %dma_start3A_18 = tpu.memref_slice %arg4[%add3A_16] : memref<320000xi32, #tpu.memory_space<hbm>> -> memref<160xi32, #tpu.memory_space<hbm>>
    tpu.enqueue_dma source(%dma_start3A_18 : memref<160xi32, #tpu.memory_space<hbm>>) target(%arg8 : memref<160xi32, #tpu.memory_space<vmem>>) target_semaphore(%arg21 : memref<!tpu.dma_semaphore, #tpu.memory_space<semaphore_mem>>)
    %add3A_19 = arith.constant 160 : i32
    %add3A_20 = arith.addi %mul3A_0, %add3A_19 : i32
    %add3A_21 = arith.constant 0 : i32
    %add3A_22 = arith.addi %add3A_20, %add3A_21 : i32
    %dma_start3A_23 = tpu.memref_slice %arg5[%add3A_22] : memref<320000xi32, #tpu.memory_space<hbm>> -> memref<80xi32, #tpu.memory_space<hbm>>
    %dma_start3A_24 = tpu.memref_slice %arg5[%add3A_22] : memref<320000xi32, #tpu.memory_space<hbm>> -> memref<80xi32, #tpu.memory_space<hbm>>
    tpu.enqueue_dma source(%dma_start3A_24 : memref<80xi32, #tpu.memory_space<hbm>>) target(%arg11 : memref<80xi32, #tpu.memory_space<vmem>>) target_semaphore(%arg23 : memref<!tpu.dma_semaphore, #tpu.memory_space<semaphore_mem>>)
    %add3A_25 = arith.constant 160 : i32
    %add3A_26 = arith.addi %mul3A_0, %add3A_25 : i32
    %add3A_27 = arith.constant 80 : i32
    %add3A_28 = arith.addi %add3A_26, %add3A_27 : i32
    %dma_start3A_29 = tpu.memref_slice %arg5[%add3A_28] : memref<320000xi32, #tpu.memory_space<hbm>> -> memref<80xi32, #tpu.memory_space<hbm>>
    %dma_start3A_30 = tpu.memref_slice %arg5[%add3A_28] : memref<320000xi32, #tpu.memory_space<hbm>> -> memref<80xi32, #tpu.memory_space<hbm>>
    tpu.enqueue_dma source(%dma_start3A_30 : memref<80xi32, #tpu.memory_space<hbm>>) target(%arg12 : memref<80xi32, #tpu.memory_space<vmem>>) target_semaphore(%arg23 : memref<!tpu.dma_semaphore, #tpu.memory_space<semaphore_mem>>)
    %scan3A = arith.constant 0 : i32
    %scan3A_31 = arith.constant 1280 : i32
    %scan3A_32 = arith.addi %scan3A, %scan3A_31 : i32
    %scan3A_33 = arith.constant 1 : i32
    scf.for %scan3A_53 = %scan3A to %scan3A_32 step %scan3A_33  : i32 {
      %jit3A = arith.constant 8 : i32
      %div3A = arith.divsi %scan3A_53, %jit3A : i32
      %sign3A = arith.constant 0 : i32
      %sign3A_54 = arith.cmpi sgt, %scan3A_53, %sign3A : i32
      %sign3A_55 = arith.extui %sign3A_54 : i1 to i32
      %sign3A_56 = arith.constant 0 : i32
      %sign3A_57 = arith.cmpi slt, %scan3A_53, %sign3A_56 : i32
      %sign3A_58 = arith.extui %sign3A_57 : i1 to i32
      %sign3A_59 = arith.subi %sign3A_55, %sign3A_58 : i32
      %sign3A_60 = arith.constant 0 : i32
      %sign3A_61 = arith.cmpi sgt, %jit3A, %sign3A_60 : i32
      %sign3A_62 = arith.extui %sign3A_61 : i1 to i32
      %sign3A_63 = arith.constant 0 : i32
      %sign3A_64 = arith.cmpi slt, %jit3A, %sign3A_63 : i32
      %sign3A_65 = arith.extui %sign3A_64 : i1 to i32
      %sign3A_66 = arith.subi %sign3A_62, %sign3A_65 : i32
      %ne3A = arith.cmpi ne, %sign3A_59, %sign3A_66 : i32
      %rem3A = arith.remsi %scan3A_53, %jit3A : i32
      %ne3A_67 = arith.constant 0 : i32
      %ne3A_68 = arith.cmpi ne, %rem3A, %ne3A_67 : i32
      %and3A = arith.andi %ne3A, %ne3A_68 : i1
      %sub3A = arith.constant 1 : i32
      %sub3A_69 = arith.subi %div3A, %sub3A : i32
      %select_n3A = arith.select %and3A, %sub3A_69, %div3A : i32
      %jit3A_70 = arith.constant 8 : i32
      %eq3A_71 = arith.constant 0 : i32
      %eq3A_72 = arith.cmpi eq, %jit3A_70, %eq3A_71 : i32
      %jit3A_73 = arith.constant 1 : i32
      %select_n3A_74 = arith.select %eq3A_72, %jit3A_73, %jit3A_70 : i32
      %rem3A_75 = arith.remsi %scan3A_53, %select_n3A_74 : i32
      %ne3A_76 = arith.constant 0 : i32
      %ne3A_77 = arith.cmpi ne, %rem3A_75, %ne3A_76 : i32
      %lt3A = arith.constant 0 : i32
      %lt3A_78 = arith.cmpi slt, %rem3A_75, %lt3A : i32
      %lt3A_79 = arith.constant 0 : i32
      %lt3A_80 = arith.cmpi slt, %select_n3A_74, %lt3A_79 : i32
      %ne3A_81 = arith.xori %lt3A_78, %lt3A_80 : i1
      %and3A_82 = arith.andi %ne3A_81, %ne3A_77 : i1
      %add3A_83 = arith.addi %rem3A_75, %select_n3A_74 : i32
      %select_n3A_84 = arith.select %and3A_82, %add3A_83, %rem3A_75 : i32
      %mul3A_85 = arith.constant 16 : i32
      %mul3A_86 = arith.muli %select_n3A_84, %mul3A_85 : i32
      %broadcast_in_dim3A = arith.constant 0.000000e+00 : f32
      %broadcast_in_dim3A_87 = vector.broadcast %broadcast_in_dim3A : f32 to vector<16xf32>
      %swap3A = arith.index_cast %select_n3A : i32 to index
      %swap3A_88 = arith.index_cast %mul3A_86 : i32 to index
      %swap3A_89 = tpu.vector_load %arg13[%swap3A, %swap3A_88] {strides = array<i32>} : memref<160x128xf32, #tpu.memory_space<vmem>>, vector<1x16xf32>,
      %swap3A_90 = vector.shape_cast %swap3A_89 : vector<1x16xf32> to vector<16xf32>
      %swap3A_91 = vector.shape_cast %broadcast_in_dim3A_87 : vector<16xf32> to vector<1x16xf32>
      tpu.vector_store %arg13[%swap3A, %swap3A_88], %swap3A_91 {strides = array<i32>} : memref<160x128xf32, #tpu.memory_space<vmem>>, vector<1x16xf32>,
    }
    %scan3A_34 = arith.constant 1280 : i32
    %scan3A_35 = arith.constant 0 : i32
    %scan3A_36 = arith.constant 4 : i32
    %scan3A_37 = arith.addi %scan3A_35, %scan3A_36 : i32
    %scan3A_38 = arith.constant 1 : i32
    scf.for %scan3A_53 = %scan3A_35 to %scan3A_37 step %scan3A_38  : i32 {
      %mul3A_54 = arith.constant 640 : i32
      %mul3A_55 = arith.muli %arg1, %mul3A_54 : i32
      %mul3A_56 = arith.constant 160 : i32
      %mul3A_57 = arith.muli %scan3A_53, %mul3A_56 : i32
      %add3A_58 = arith.addi %mul3A_55, %mul3A_57 : i32
      "tpu.region"() ({
        %run_scoped3A = tpu.sem_alloc : memref<!tpu.dma_semaphore, #tpu.memory_space<semaphore_mem>>
        %dma_start3A_59 = arith.constant 0 : i32
        %dma_start3A_60 = tpu.memref_slice %arg15[%add3A_58, %dma_start3A_59] : memref<10240x128xf32, #tpu.memory_space<vmem_shared>> -> memref<160x128xf32, #tpu.memory_space<vmem_shared>>
        %dma_start3A_61 = arith.constant 0 : i32
        %dma_start3A_62 = tpu.memref_slice %arg15[%add3A_58, %dma_start3A_61] : memref<10240x128xf32, #tpu.memory_space<vmem_shared>> -> memref<160x128xf32, #tpu.memory_space<vmem_shared>>
        tpu.enqueue_dma source(%arg13 : memref<160x128xf32, #tpu.memory_space<vmem>>) target(%dma_start3A_62 : memref<160x128xf32, #tpu.memory_space<vmem_shared>>) target_semaphore(%run_scoped3A : memref<!tpu.dma_semaphore, #tpu.memory_space<semaphore_mem>>)
        %dma_wait3A = arith.constant 0 : i32
        %dma_wait3A_63 = tpu.memref_slice %arg15[%add3A_58, %dma_wait3A] : memref<10240x128xf32, #tpu.memory_space<vmem_shared>> -> memref<160x128xf32, #tpu.memory_space<vmem_shared>>
        %dma_wait3A_64 = arith.constant 0 : i32
        %dma_wait3A_65 = tpu.memref_slice %arg15[%add3A_58, %dma_wait3A_64] : memref<10240x128xf32, #tpu.memory_space<vmem_shared>> -> memref<160x128xf32, #tpu.memory_space<vmem_shared>>
        tpu.wait_dma2 semaphore(%run_scoped3A : memref<!tpu.dma_semaphore, #tpu.memory_space<semaphore_mem>>) src(%arg13 : memref<160x128xf32, #tpu.memory_space<vmem>>) dst(%dma_wait3A_65 : memref<160x128xf32, #tpu.memory_space<vmem_shared>>)
        tpu.yield
      }) : () -> ()
    }
    %scan3A_39 = arith.constant 4 : i32
    %barrier3A = arith.constant 0 : index
    tpu.barrier barrier_id(%barrier3A)
    %eq3A = arith.constant 0 : i32
    %eq3A_40 = arith.cmpi eq, %arg0, %eq3A : i32
    %convert_element_type3A = arith.extui %eq3A_40 : i1 to i32
    %cond3A = arith.constant 0 : i32
    %cond3A_41 = arith.cmpi ne, %convert_element_type3A, %cond3A : i32
    scf.if %cond3A_41 {
      %dma_wait3A = tpu.memref_slice %arg4[%mul3A_0] : memref<320000xi32, #tpu.memory_space<hbm>> -> memref<160xi32, #tpu.memory_space<hbm>>
      %dma_wait3A_53 = tpu.memref_slice %arg4[%mul3A_0] : memref<320000xi32, #tpu.memory_space<hbm>> -> memref<160xi32, #tpu.memory_space<hbm>>
      tpu.wait_dma2 semaphore(%arg20 : memref<!tpu.dma_semaphore, #tpu.memory_space<semaphore_mem>>) src(%dma_wait3A_53 : memref<160xi32, #tpu.memory_space<hbm>>) dst(%arg7 : memref<160xi32, #tpu.memory_space<vmem>>)
      %dma_wait3A_54 = tpu.memref_slice %arg5[%mul3A_0] : memref<320000xi32, #tpu.memory_space<hbm>> -> memref<80xi32, #tpu.memory_space<hbm>>
      %dma_wait3A_55 = tpu.memref_slice %arg5[%mul3A_0] : memref<320000xi32, #tpu.memory_space<hbm>> -> memref<80xi32, #tpu.memory_space<hbm>>
      tpu.wait_dma2 semaphore(%arg22 : memref<!tpu.dma_semaphore, #tpu.memory_space<semaphore_mem>>) src(%dma_wait3A_55 : memref<80xi32, #tpu.memory_space<hbm>>) dst(%arg9 : memref<80xi32, #tpu.memory_space<vmem>>)
      %dma_wait3A_56 = tpu.memref_slice %arg5[%mul3A_0] : memref<320000xi32, #tpu.memory_space<hbm>> -> memref<80xi32, #tpu.memory_space<hbm>>
      %dma_wait3A_57 = tpu.memref_slice %arg5[%mul3A_0] : memref<320000xi32, #tpu.memory_space<hbm>> -> memref<80xi32, #tpu.memory_space<hbm>>
      tpu.wait_dma2 semaphore(%arg22 : memref<!tpu.dma_semaphore, #tpu.memory_space<semaphore_mem>>) src(%dma_wait3A_57 : memref<80xi32, #tpu.memory_space<hbm>>) dst(%arg10 : memref<80xi32, #tpu.memory_space<vmem>>)
      %dma_start3A_58 = arith.constant 0 : i32
      %dma_start3A_59 = arith.constant 0 : i32
      %dma_start3A_60 = tpu.memref_slice %arg13[%dma_start3A_58, %dma_start3A_59] : memref<160x128xf32, #tpu.memory_space<vmem>> -> memref<40x128xf32, #tpu.memory_space<vmem>>
      %dma_start3A_61 = arith.constant 0 : i32
      %dma_start3A_62 = tpu.memref_slice %arg7[%dma_start3A_61] : memref<160xi32, #tpu.memory_space<vmem>> -> memref<40xi32, #tpu.memory_space<vmem>>
      %dma_start3A_63 = arith.constant 0 : i32
      %dma_start3A_64 = arith.constant 0 : i32
      %dma_start3A_65 = tpu.memref_slice %arg2[%dma_start3A_63, %dma_start3A_64] : memref<10000x128xf32, #tpu.memory_space<hbm>> -> memref<10000x128xf32, #tpu.memory_space<hbm>>
      tpu.enqueue_indirect_dma source(%dma_start3A_65 : memref<10000x128xf32, #tpu.memory_space<hbm>>) target(%dma_start3A_60 : memref<40x128xf32, #tpu.memory_space<vmem>>) offsets(%dma_start3A_62 : memref<40xi32, #tpu.memory_space<vmem>>) semaphore(%arg16 : memref<!tpu.dma_semaphore, #tpu.memory_space<semaphore_mem>>)
      %dma_start3A_66 = arith.constant 40 : i32
      %dma_start3A_67 = arith.constant 0 : i32
      %dma_start3A_68 = tpu.memref_slice %arg13[%dma_start3A_66, %dma_start3A_67] : memref<160x128xf32, #tpu.memory_space<vmem>> -> memref<40x128xf32, #tpu.memory_space<vmem>>
      %dma_start3A_69 = arith.constant 40 : i32
      %dma_start3A_70 = tpu.memref_slice %arg7[%dma_start3A_69] : memref<160xi32, #tpu.memory_space<vmem>> -> memref<40xi32, #tpu.memory_space<vmem>>
      %dma_start3A_71 = arith.constant 0 : i32
      %dma_start3A_72 = arith.constant 0 : i32
      %dma_start3A_73 = tpu.memref_slice %arg2[%dma_start3A_71, %dma_start3A_72] : memref<10000x128xf32, #tpu.memory_space<hbm>> -> memref<10000x128xf32, #tpu.memory_space<hbm>>
      tpu.enqueue_indirect_dma source(%dma_start3A_73 : memref<10000x128xf32, #tpu.memory_space<hbm>>) target(%dma_start3A_68 : memref<40x128xf32, #tpu.memory_space<vmem>>) offsets(%dma_start3A_70 : memref<40xi32, #tpu.memory_space<vmem>>) semaphore(%arg24 : memref<!tpu.dma_semaphore, #tpu.memory_space<semaphore_mem>>)
      %dma_start3A_74 = arith.constant 80 : i32
      %dma_start3A_75 = arith.constant 0 : i32
      %dma_start3A_76 = tpu.memref_slice %arg13[%dma_start3A_74, %dma_start3A_75] : memref<160x128xf32, #tpu.memory_space<vmem>> -> memref<40x128xf32, #tpu.memory_space<vmem>>
      %dma_start3A_77 = arith.constant 80 : i32
      %dma_start3A_78 = tpu.memref_slice %arg7[%dma_start3A_77] : memref<160xi32, #tpu.memory_space<vmem>> -> memref<40xi32, #tpu.memory_space<vmem>>
      %dma_start3A_79 = arith.constant 0 : i32
      %dma_start3A_80 = arith.constant 0 : i32
      %dma_start3A_81 = tpu.memref_slice %arg2[%dma_start3A_79, %dma_start3A_80] : memref<10000x128xf32, #tpu.memory_space<hbm>> -> memref<10000x128xf32, #tpu.memory_space<hbm>>
      tpu.enqueue_indirect_dma source(%dma_start3A_81 : memref<10000x128xf32, #tpu.memory_space<hbm>>) target(%dma_start3A_76 : memref<40x128xf32, #tpu.memory_space<vmem>>) offsets(%dma_start3A_78 : memref<40xi32, #tpu.memory_space<vmem>>) semaphore(%arg16 : memref<!tpu.dma_semaphore, #tpu.memory_space<semaphore_mem>>)
      %dma_start3A_82 = arith.constant 120 : i32
      %dma_start3A_83 = arith.constant 0 : i32
      %dma_start3A_84 = tpu.memref_slice %arg13[%dma_start3A_82, %dma_start3A_83] : memref<160x128xf32, #tpu.memory_space<vmem>> -> memref<40x128xf32, #tpu.memory_space<vmem>>
      %dma_start3A_85 = arith.constant 120 : i32
      %dma_start3A_86 = tpu.memref_slice %arg7[%dma_start3A_85] : memref<160xi32, #tpu.memory_space<vmem>> -> memref<40xi32, #tpu.memory_space<vmem>>
      %dma_start3A_87 = arith.constant 0 : i32
      %dma_start3A_88 = arith.constant 0 : i32
      %dma_start3A_89 = tpu.memref_slice %arg2[%dma_start3A_87, %dma_start3A_88] : memref<10000x128xf32, #tpu.memory_space<hbm>> -> memref<10000x128xf32, #tpu.memory_space<hbm>>
      tpu.enqueue_indirect_dma source(%dma_start3A_89 : memref<10000x128xf32, #tpu.memory_space<hbm>>) target(%dma_start3A_84 : memref<40x128xf32, #tpu.memory_space<vmem>>) offsets(%dma_start3A_86 : memref<40xi32, #tpu.memory_space<vmem>>) semaphore(%arg24 : memref<!tpu.dma_semaphore, #tpu.memory_space<semaphore_mem>>)
      %scan3A_90 = arith.constant 0 : i32
      %scan3A_91 = arith.constant 61 : i32
      %scan3A_92 = arith.addi %scan3A_90, %scan3A_91 : i32
      %scan3A_93 = arith.constant 1 : i32
      scf.for %scan3A_355 = %scan3A_90 to %scan3A_92 step %scan3A_93  : i32 {
        %mul3A_356 = arith.constant 2 : i32
        %mul3A_357 = arith.muli %scan3A_355, %mul3A_356 : i32
        %dma_wait3A_358 = arith.constant 0 : i32
        %dma_wait3A_359 = arith.constant 0 : i32
        %dma_wait3A_360 = tpu.memref_slice %arg13[%dma_wait3A_358, %dma_wait3A_359] : memref<160x128xf32, #tpu.memory_space<vmem>> -> memref<40x128xf32, #tpu.memory_space<vmem>>
        %dma_wait3A_361 = arith.constant 0 : i32
        %dma_wait3A_362 = tpu.memref_slice %arg7[%dma_wait3A_361] : memref<160xi32, #tpu.memory_space<vmem>> -> memref<40xi32, #tpu.memory_space<vmem>>
        %dma_wait3A_363 = arith.constant 0 : i32
        %dma_wait3A_364 = arith.constant 0 : i32
        %dma_wait3A_365 = tpu.memref_slice %arg2[%dma_wait3A_363, %dma_wait3A_364] : memref<10000x128xf32, #tpu.memory_space<hbm>> -> memref<10000x128xf32, #tpu.memory_space<hbm>>
        tpu.wait_indirect_dma semaphore(%arg16 : memref<!tpu.dma_semaphore, #tpu.memory_space<semaphore_mem>>) src(%dma_wait3A_365 : memref<10000x128xf32, #tpu.memory_space<hbm>>) dst(%dma_wait3A_360 : memref<40x128xf32, #tpu.memory_space<vmem>>)
        %dma_wait3A_366 = arith.constant 40 : i32
        %dma_wait3A_367 = arith.constant 0 : i32
        %dma_wait3A_368 = tpu.memref_slice %arg13[%dma_wait3A_366, %dma_wait3A_367] : memref<160x128xf32, #tpu.memory_space<vmem>> -> memref<40x128xf32, #tpu.memory_space<vmem>>
        %dma_wait3A_369 = arith.constant 40 : i32
        %dma_wait3A_370 = tpu.memref_slice %arg7[%dma_wait3A_369] : memref<160xi32, #tpu.memory_space<vmem>> -> memref<40xi32, #tpu.memory_space<vmem>>
        %dma_wait3A_371 = arith.constant 0 : i32
        %dma_wait3A_372 = arith.constant 0 : i32
        %dma_wait3A_373 = tpu.memref_slice %arg2[%dma_wait3A_371, %dma_wait3A_372] : memref<10000x128xf32, #tpu.memory_space<hbm>> -> memref<10000x128xf32, #tpu.memory_space<hbm>>
        tpu.wait_indirect_dma semaphore(%arg24 : memref<!tpu.dma_semaphore, #tpu.memory_space<semaphore_mem>>) src(%dma_wait3A_373 : memref<10000x128xf32, #tpu.memory_space<hbm>>) dst(%dma_wait3A_368 : memref<40x128xf32, #tpu.memory_space<vmem>>)
        %dma_start3A_374 = arith.constant 0 : i32
        %dma_start3A_375 = arith.constant 0 : i32
        %dma_start3A_376 = tpu.memref_slice %arg13[%dma_start3A_374, %dma_start3A_375] : memref<160x128xf32, #tpu.memory_space<vmem>> -> memref<80x128xf32, #tpu.memory_space<vmem>>
        %dma_start3A_377 = arith.constant 0 : i32
        %dma_start3A_378 = arith.constant 0 : i32
        %dma_start3A_379 = tpu.memref_slice %arg15[%dma_start3A_377, %dma_start3A_378] : memref<10240x128xf32, #tpu.memory_space<vmem_shared>> -> memref<10240x128xf32, #tpu.memory_space<vmem_shared>>
        tpu.enqueue_indirect_dma source(%dma_start3A_376 : memref<80x128xf32, #tpu.memory_space<vmem>>) target(%dma_start3A_379 : memref<10240x128xf32, #tpu.memory_space<vmem_shared>>) offsets(%arg9 : memref<80xi32, #tpu.memory_space<vmem>>) semaphore(%arg18 : memref<!tpu.dma_semaphore, #tpu.memory_space<semaphore_mem>>) {add = true}
        %dma_wait3A_380 = arith.constant 80 : i32
        %dma_wait3A_381 = arith.constant 0 : i32
        %dma_wait3A_382 = tpu.memref_slice %arg13[%dma_wait3A_380, %dma_wait3A_381] : memref<160x128xf32, #tpu.memory_space<vmem>> -> memref<40x128xf32, #tpu.memory_space<vmem>>
        %dma_wait3A_383 = arith.constant 80 : i32
        %dma_wait3A_384 = tpu.memref_slice %arg7[%dma_wait3A_383] : memref<160xi32, #tpu.memory_space<vmem>> -> memref<40xi32, #tpu.memory_space<vmem>>
        %dma_wait3A_385 = arith.constant 0 : i32
        %dma_wait3A_386 = arith.constant 0 : i32
        %dma_wait3A_387 = tpu.memref_slice %arg2[%dma_wait3A_385, %dma_wait3A_386] : memref<10000x128xf32, #tpu.memory_space<hbm>> -> memref<10000x128xf32, #tpu.memory_space<hbm>>
        tpu.wait_indirect_dma semaphore(%arg16 : memref<!tpu.dma_semaphore, #tpu.memory_space<semaphore_mem>>) src(%dma_wait3A_387 : memref<10000x128xf32, #tpu.memory_space<hbm>>) dst(%dma_wait3A_382 : memref<40x128xf32, #tpu.memory_space<vmem>>)
        %dma_wait3A_388 = arith.constant 120 : i32
        %dma_wait3A_389 = arith.constant 0 : i32
        %dma_wait3A_390 = tpu.memref_slice %arg13[%dma_wait3A_388, %dma_wait3A_389] : memref<160x128xf32, #tpu.memory_space<vmem>> -> memref<40x128xf32, #tpu.memory_space<vmem>>
        %dma_wait3A_391 = arith.constant 120 : i32
        %dma_wait3A_392 = tpu.memref_slice %arg7[%dma_wait3A_391] : memref<160xi32, #tpu.memory_space<vmem>> -> memref<40xi32, #tpu.memory_space<vmem>>
        %dma_wait3A_393 = arith.constant 0 : i32
        %dma_wait3A_394 = arith.constant 0 : i32
        %dma_wait3A_395 = tpu.memref_slice %arg2[%dma_wait3A_393, %dma_wait3A_394] : memref<10000x128xf32, #tpu.memory_space<hbm>> -> memref<10000x128xf32, #tpu.memory_space<hbm>>
        tpu.wait_indirect_dma semaphore(%arg24 : memref<!tpu.dma_semaphore, #tpu.memory_space<semaphore_mem>>) src(%dma_wait3A_395 : memref<10000x128xf32, #tpu.memory_space<hbm>>) dst(%dma_wait3A_390 : memref<40x128xf32, #tpu.memory_space<vmem>>)
        %dma_start3A_396 = arith.constant 80 : i32
        %dma_start3A_397 = arith.constant 0 : i32
        %dma_start3A_398 = tpu.memref_slice %arg13[%dma_start3A_396, %dma_start3A_397] : memref<160x128xf32, #tpu.memory_space<vmem>> -> memref<80x128xf32, #tpu.memory_space<vmem>>
        %dma_start3A_399 = arith.constant 0 : i32
        %dma_start3A_400 = arith.constant 0 : i32
        %dma_start3A_401 = tpu.memref_slice %arg15[%dma_start3A_399, %dma_start3A_400] : memref<10240x128xf32, #tpu.memory_space<vmem_shared>> -> memref<10240x128xf32, #tpu.memory_space<vmem_shared>>
        tpu.enqueue_indirect_dma source(%dma_start3A_398 : memref<80x128xf32, #tpu.memory_space<vmem>>) target(%dma_start3A_401 : memref<10240x128xf32, #tpu.memory_space<vmem_shared>>) offsets(%arg10 : memref<80xi32, #tpu.memory_space<vmem>>) semaphore(%arg18 : memref<!tpu.dma_semaphore, #tpu.memory_space<semaphore_mem>>) {add = true}
        %add3A_402 = arith.constant 2 : i32
        %add3A_403 = arith.addi %mul3A_357, %add3A_402 : i32
        %mul3A_404 = arith.constant 160 : i32
        %mul3A_405 = arith.muli %add3A_403, %mul3A_404 : i32
        %add3A_406 = arith.addi %mul3A_0, %mul3A_405 : i32
        %dma_start3A_407 = tpu.memref_slice %arg4[%add3A_406] : memref<320000xi32, #tpu.memory_space<hbm>> -> memref<160xi32, #tpu.memory_space<hbm>>
        %dma_start3A_408 = tpu.memref_slice %arg4[%add3A_406] : memref<320000xi32, #tpu.memory_space<hbm>> -> memref<160xi32, #tpu.memory_space<hbm>>
        tpu.enqueue_dma source(%dma_start3A_408 : memref<160xi32, #tpu.memory_space<hbm>>) target(%arg7 : memref<160xi32, #tpu.memory_space<vmem>>) target_semaphore(%arg20 : memref<!tpu.dma_semaphore, #tpu.memory_space<semaphore_mem>>)
        %dma_wait3A_409 = tpu.memref_slice %arg4[%mul3A_0] : memref<320000xi32, #tpu.memory_space<hbm>> -> memref<160xi32, #tpu.memory_space<hbm>>
        %dma_wait3A_410 = tpu.memref_slice %arg4[%mul3A_0] : memref<320000xi32, #tpu.memory_space<hbm>> -> memref<160xi32, #tpu.memory_space<hbm>>
        tpu.wait_dma2 semaphore(%arg21 : memref<!tpu.dma_semaphore, #tpu.memory_space<semaphore_mem>>) src(%dma_wait3A_410 : memref<160xi32, #tpu.memory_space<hbm>>) dst(%arg8 : memref<160xi32, #tpu.memory_space<vmem>>)
        %dma_wait3A_411 = tpu.memref_slice %arg5[%mul3A_0] : memref<320000xi32, #tpu.memory_space<hbm>> -> memref<80xi32, #tpu.memory_space<hbm>>
        %dma_wait3A_412 = tpu.memref_slice %arg5[%mul3A_0] : memref<320000xi32, #tpu.memory_space<hbm>> -> memref<80xi32, #tpu.memory_space<hbm>>
        tpu.wait_dma2 semaphore(%arg23 : memref<!tpu.dma_semaphore, #tpu.memory_space<semaphore_mem>>) src(%dma_wait3A_412 : memref<80xi32, #tpu.memory_space<hbm>>) dst(%arg11 : memref<80xi32, #tpu.memory_space<vmem>>)
        %dma_wait3A_413 = tpu.memref_slice %arg5[%mul3A_0] : memref<320000xi32, #tpu.memory_space<hbm>> -> memref<80xi32, #tpu.memory_space<hbm>>
        %dma_wait3A_414 = tpu.memref_slice %arg5[%mul3A_0] : memref<320000xi32, #tpu.memory_space<hbm>> -> memref<80xi32, #tpu.memory_space<hbm>>
        tpu.wait_dma2 semaphore(%arg23 : memref<!tpu.dma_semaphore, #tpu.memory_space<semaphore_mem>>) src(%dma_wait3A_414 : memref<80xi32, #tpu.memory_space<hbm>>) dst(%arg12 : memref<80xi32, #tpu.memory_space<vmem>>)
        %dma_start3A_415 = arith.constant 0 : i32
        %dma_start3A_416 = arith.constant 0 : i32
        %dma_start3A_417 = tpu.memref_slice %arg14[%dma_start3A_415, %dma_start3A_416] : memref<160x128xf32, #tpu.memory_space<vmem>> -> memref<40x128xf32, #tpu.memory_space<vmem>>
        %dma_start3A_418 = arith.constant 0 : i32
        %dma_start3A_419 = tpu.memref_slice %arg8[%dma_start3A_418] : memref<160xi32, #tpu.memory_space<vmem>> -> memref<40xi32, #tpu.memory_space<vmem>>
        %dma_start3A_420 = arith.constant 0 : i32
        %dma_start3A_421 = arith.constant 0 : i32
        %dma_start3A_422 = tpu.memref_slice %arg2[%dma_start3A_420, %dma_start3A_421] : memref<10000x128xf32, #tpu.memory_space<hbm>> -> memref<10000x128xf32, #tpu.memory_space<hbm>>
        tpu.enqueue_indirect_dma source(%dma_start3A_422 : memref<10000x128xf32, #tpu.memory_space<hbm>>) target(%dma_start3A_417 : memref<40x128xf32, #tpu.memory_space<vmem>>) offsets(%dma_start3A_419 : memref<40xi32, #tpu.memory_space<vmem>>) semaphore(%arg17 : memref<!tpu.dma_semaphore, #tpu.memory_space<semaphore_mem>>)
        %dma_start3A_423 = arith.constant 40 : i32
        %dma_start3A_424 = arith.constant 0 : i32
        %dma_start3A_425 = tpu.memref_slice %arg14[%dma_start3A_423, %dma_start3A_424] : memref<160x128xf32, #tpu.memory_space<vmem>> -> memref<40x128xf32, #tpu.memory_space<vmem>>
        %dma_start3A_426 = arith.constant 40 : i32
        %dma_start3A_427 = tpu.memref_slice %arg8[%dma_start3A_426] : memref<160xi32, #tpu.memory_space<vmem>> -> memref<40xi32, #tpu.memory_space<vmem>>
        %dma_start3A_428 = arith.constant 0 : i32
        %dma_start3A_429 = arith.constant 0 : i32
        %dma_start3A_430 = tpu.memref_slice %arg2[%dma_start3A_428, %dma_start3A_429] : memref<10000x128xf32, #tpu.memory_space<hbm>> -> memref<10000x128xf32, #tpu.memory_space<hbm>>
        tpu.enqueue_indirect_dma source(%dma_start3A_430 : memref<10000x128xf32, #tpu.memory_space<hbm>>) target(%dma_start3A_425 : memref<40x128xf32, #tpu.memory_space<vmem>>) offsets(%dma_start3A_427 : memref<40xi32, #tpu.memory_space<vmem>>) semaphore(%arg25 : memref<!tpu.dma_semaphore, #tpu.memory_space<semaphore_mem>>)
        %dma_start3A_431 = arith.constant 80 : i32
        %dma_start3A_432 = arith.constant 0 : i32
        %dma_start3A_433 = tpu.memref_slice %arg14[%dma_start3A_431, %dma_start3A_432] : memref<160x128xf32, #tpu.memory_space<vmem>> -> memref<40x128xf32, #tpu.memory_space<vmem>>
        %dma_start3A_434 = arith.constant 80 : i32
        %dma_start3A_435 = tpu.memref_slice %arg8[%dma_start3A_434] : memref<160xi32, #tpu.memory_space<vmem>> -> memref<40xi32, #tpu.memory_space<vmem>>
        %dma_start3A_436 = arith.constant 0 : i32
        %dma_start3A_437 = arith.constant 0 : i32
        %dma_start3A_438 = tpu.memref_slice %arg2[%dma_start3A_436, %dma_start3A_437] : memref<10000x128xf32, #tpu.memory_space<hbm>> -> memref<10000x128xf32, #tpu.memory_space<hbm>>
        tpu.enqueue_indirect_dma source(%dma_start3A_438 : memref<10000x128xf32, #tpu.memory_space<hbm>>) target(%dma_start3A_433 : memref<40x128xf32, #tpu.memory_space<vmem>>) offsets(%dma_start3A_435 : memref<40xi32, #tpu.memory_space<vmem>>) semaphore(%arg17 : memref<!tpu.dma_semaphore, #tpu.memory_space<semaphore_mem>>)
        %dma_start3A_439 = arith.constant 120 : i32
        %dma_start3A_440 = arith.constant 0 : i32
        %dma_start3A_441 = tpu.memref_slice %arg14[%dma_start3A_439, %dma_start3A_440] : memref<160x128xf32, #tpu.memory_space<vmem>> -> memref<40x128xf32, #tpu.memory_space<vmem>>
        %dma_start3A_442 = arith.constant 120 : i32
        %dma_start3A_443 = tpu.memref_slice %arg8[%dma_start3A_442] : memref<160xi32, #tpu.memory_space<vmem>> -> memref<40xi32, #tpu.memory_space<vmem>>
        %dma_start3A_444 = arith.constant 0 : i32
        %dma_start3A_445 = arith.constant 0 : i32
        %dma_start3A_446 = tpu.memref_slice %arg2[%dma_start3A_444, %dma_start3A_445] : memref<10000x128xf32, #tpu.memory_space<hbm>> -> memref<10000x128xf32, #tpu.memory_space<hbm>>
        tpu.enqueue_indirect_dma source(%dma_start3A_446 : memref<10000x128xf32, #tpu.memory_space<hbm>>) target(%dma_start3A_441 : memref<40x128xf32, #tpu.memory_space<vmem>>) offsets(%dma_start3A_443 : memref<40xi32, #tpu.memory_space<vmem>>) semaphore(%arg25 : memref<!tpu.dma_semaphore, #tpu.memory_space<semaphore_mem>>)
        %dma_wait3A_447 = arith.constant 0 : i32
        %dma_wait3A_448 = arith.constant 0 : i32
        %dma_wait3A_449 = tpu.memref_slice %arg13[%dma_wait3A_447, %dma_wait3A_448] : memref<160x128xf32, #tpu.memory_space<vmem>> -> memref<80x128xf32, #tpu.memory_space<vmem>>
        %dma_wait3A_450 = arith.constant 0 : i32
        %dma_wait3A_451 = arith.constant 0 : i32
        %dma_wait3A_452 = tpu.memref_slice %arg15[%dma_wait3A_450, %dma_wait3A_451] : memref<10240x128xf32, #tpu.memory_space<vmem_shared>> -> memref<10240x128xf32, #tpu.memory_space<vmem_shared>>
        tpu.wait_indirect_dma semaphore(%arg18 : memref<!tpu.dma_semaphore, #tpu.memory_space<semaphore_mem>>) src(%dma_wait3A_449 : memref<80x128xf32, #tpu.memory_space<vmem>>) dst(%dma_wait3A_452 : memref<10240x128xf32, #tpu.memory_space<vmem_shared>>)
        %dma_wait3A_453 = arith.constant 80 : i32
        %dma_wait3A_454 = arith.constant 0 : i32
        %dma_wait3A_455 = tpu.memref_slice %arg13[%dma_wait3A_453, %dma_wait3A_454] : memref<160x128xf32, #tpu.memory_space<vmem>> -> memref<80x128xf32, #tpu.memory_space<vmem>>
        %dma_wait3A_456 = arith.constant 0 : i32
        %dma_wait3A_457 = arith.constant 0 : i32
        %dma_wait3A_458 = tpu.memref_slice %arg15[%dma_wait3A_456, %dma_wait3A_457] : memref<10240x128xf32, #tpu.memory_space<vmem_shared>> -> memref<10240x128xf32, #tpu.memory_space<vmem_shared>>
        tpu.wait_indirect_dma semaphore(%arg18 : memref<!tpu.dma_semaphore, #tpu.memory_space<semaphore_mem>>) src(%dma_wait3A_455 : memref<80x128xf32, #tpu.memory_space<vmem>>) dst(%dma_wait3A_458 : memref<10240x128xf32, #tpu.memory_space<vmem_shared>>)
        %add3A_459 = arith.constant 2 : i32
        %add3A_460 = arith.addi %mul3A_357, %add3A_459 : i32
        %mul3A_461 = arith.constant 160 : i32
        %mul3A_462 = arith.muli %add3A_460, %mul3A_461 : i32
        %add3A_463 = arith.addi %mul3A_0, %mul3A_462 : i32
        %add3A_464 = arith.constant 0 : i32
        %add3A_465 = arith.addi %add3A_463, %add3A_464 : i32
        %dma_start3A_466 = tpu.memref_slice %arg5[%add3A_465] : memref<320000xi32, #tpu.memory_space<hbm>> -> memref<80xi32, #tpu.memory_space<hbm>>
        %dma_start3A_467 = tpu.memref_slice %arg5[%add3A_465] : memref<320000xi32, #tpu.memory_space<hbm>> -> memref<80xi32, #tpu.memory_space<hbm>>
        tpu.enqueue_dma source(%dma_start3A_467 : memref<80xi32, #tpu.memory_space<hbm>>) target(%arg9 : memref<80xi32, #tpu.memory_space<vmem>>) target_semaphore(%arg22 : memref<!tpu.dma_semaphore, #tpu.memory_space<semaphore_mem>>)
        %mul3A_468 = arith.constant 160 : i32
        %mul3A_469 = arith.muli %add3A_460, %mul3A_468 : i32
        %add3A_470 = arith.addi %mul3A_0, %mul3A_469 : i32
        %add3A_471 = arith.constant 80 : i32
        %add3A_472 = arith.addi %add3A_470, %add3A_471 : i32
        %dma_start3A_473 = tpu.memref_slice %arg5[%add3A_472] : memref<320000xi32, #tpu.memory_space<hbm>> -> memref<80xi32, #tpu.memory_space<hbm>>
        %dma_start3A_474 = tpu.memref_slice %arg5[%add3A_472] : memref<320000xi32, #tpu.memory_space<hbm>> -> memref<80xi32, #tpu.memory_space<hbm>>
        tpu.enqueue_dma source(%dma_start3A_474 : memref<80xi32, #tpu.memory_space<hbm>>) target(%arg10 : memref<80xi32, #tpu.memory_space<vmem>>) target_semaphore(%arg22 : memref<!tpu.dma_semaphore, #tpu.memory_space<semaphore_mem>>)
        %mul3A_475 = arith.constant 2 : i32
        %mul3A_476 = arith.muli %scan3A_355, %mul3A_475 : i32
        %add3A_477 = arith.constant 1 : i32
        %add3A_478 = arith.addi %mul3A_476, %add3A_477 : i32
        %dma_wait3A_479 = arith.constant 0 : i32
        %dma_wait3A_480 = arith.constant 0 : i32
        %dma_wait3A_481 = tpu.memref_slice %arg14[%dma_wait3A_479, %dma_wait3A_480] : memref<160x128xf32, #tpu.memory_space<vmem>> -> memref<40x128xf32, #tpu.memory_space<vmem>>
        %dma_wait3A_482 = arith.constant 0 : i32
        %dma_wait3A_483 = tpu.memref_slice %arg8[%dma_wait3A_482] : memref<160xi32, #tpu.memory_space<vmem>> -> memref<40xi32, #tpu.memory_space<vmem>>
        %dma_wait3A_484 = arith.constant 0 : i32
        %dma_wait3A_485 = arith.constant 0 : i32
        %dma_wait3A_486 = tpu.memref_slice %arg2[%dma_wait3A_484, %dma_wait3A_485] : memref<10000x128xf32, #tpu.memory_space<hbm>> -> memref<10000x128xf32, #tpu.memory_space<hbm>>
        tpu.wait_indirect_dma semaphore(%arg17 : memref<!tpu.dma_semaphore, #tpu.memory_space<semaphore_mem>>) src(%dma_wait3A_486 : memref<10000x128xf32, #tpu.memory_space<hbm>>) dst(%dma_wait3A_481 : memref<40x128xf32, #tpu.memory_space<vmem>>)
        %dma_wait3A_487 = arith.constant 40 : i32
        %dma_wait3A_488 = arith.constant 0 : i32
        %dma_wait3A_489 = tpu.memref_slice %arg14[%dma_wait3A_487, %dma_wait3A_488] : memref<160x128xf32, #tpu.memory_space<vmem>> -> memref<40x128xf32, #tpu.memory_space<vmem>>
        %dma_wait3A_490 = arith.constant 40 : i32
        %dma_wait3A_491 = tpu.memref_slice %arg8[%dma_wait3A_490] : memref<160xi32, #tpu.memory_space<vmem>> -> memref<40xi32, #tpu.memory_space<vmem>>
        %dma_wait3A_492 = arith.constant 0 : i32
        %dma_wait3A_493 = arith.constant 0 : i32
        %dma_wait3A_494 = tpu.memref_slice %arg2[%dma_wait3A_492, %dma_wait3A_493] : memref<10000x128xf32, #tpu.memory_space<hbm>> -> memref<10000x128xf32, #tpu.memory_space<hbm>>
        tpu.wait_indirect_dma semaphore(%arg25 : memref<!tpu.dma_semaphore, #tpu.memory_space<semaphore_mem>>) src(%dma_wait3A_494 : memref<10000x128xf32, #tpu.memory_space<hbm>>) dst(%dma_wait3A_489 : memref<40x128xf32, #tpu.memory_space<vmem>>)
        %dma_start3A_495 = arith.constant 0 : i32
        %dma_start3A_496 = arith.constant 0 : i32
        %dma_start3A_497 = tpu.memref_slice %arg14[%dma_start3A_495, %dma_start3A_496] : memref<160x128xf32, #tpu.memory_space<vmem>> -> memref<80x128xf32, #tpu.memory_space<vmem>>
        %dma_start3A_498 = arith.constant 0 : i32
        %dma_start3A_499 = arith.constant 0 : i32
        %dma_start3A_500 = tpu.memref_slice %arg15[%dma_start3A_498, %dma_start3A_499] : memref<10240x128xf32, #tpu.memory_space<vmem_shared>> -> memref<10240x128xf32, #tpu.memory_space<vmem_shared>>
        tpu.enqueue_indirect_dma source(%dma_start3A_497 : memref<80x128xf32, #tpu.memory_space<vmem>>) target(%dma_start3A_500 : memref<10240x128xf32, #tpu.memory_space<vmem_shared>>) offsets(%arg11 : memref<80xi32, #tpu.memory_space<vmem>>) semaphore(%arg19 : memref<!tpu.dma_semaphore, #tpu.memory_space<semaphore_mem>>) {add = true}
        %dma_wait3A_501 = arith.constant 80 : i32
        %dma_wait3A_502 = arith.constant 0 : i32
        %dma_wait3A_503 = tpu.memref_slice %arg14[%dma_wait3A_501, %dma_wait3A_502] : memref<160x128xf32, #tpu.memory_space<vmem>> -> memref<40x128xf32, #tpu.memory_space<vmem>>
        %dma_wait3A_504 = arith.constant 80 : i32
        %dma_wait3A_505 = tpu.memref_slice %arg8[%dma_wait3A_504] : memref<160xi32, #tpu.memory_space<vmem>> -> memref<40xi32, #tpu.memory_space<vmem>>
        %dma_wait3A_506 = arith.constant 0 : i32
        %dma_wait3A_507 = arith.constant 0 : i32
        %dma_wait3A_508 = tpu.memref_slice %arg2[%dma_wait3A_506, %dma_wait3A_507] : memref<10000x128xf32, #tpu.memory_space<hbm>> -> memref<10000x128xf32, #tpu.memory_space<hbm>>
        tpu.wait_indirect_dma semaphore(%arg17 : memref<!tpu.dma_semaphore, #tpu.memory_space<semaphore_mem>>) src(%dma_wait3A_508 : memref<10000x128xf32, #tpu.memory_space<hbm>>) dst(%dma_wait3A_503 : memref<40x128xf32, #tpu.memory_space<vmem>>)
        %dma_wait3A_509 = arith.constant 120 : i32
        %dma_wait3A_510 = arith.constant 0 : i32
        %dma_wait3A_511 = tpu.memref_slice %arg14[%dma_wait3A_509, %dma_wait3A_510] : memref<160x128xf32, #tpu.memory_space<vmem>> -> memref<40x128xf32, #tpu.memory_space<vmem>>
        %dma_wait3A_512 = arith.constant 120 : i32
        %dma_wait3A_513 = tpu.memref_slice %arg8[%dma_wait3A_512] : memref<160xi32, #tpu.memory_space<vmem>> -> memref<40xi32, #tpu.memory_space<vmem>>
        %dma_wait3A_514 = arith.constant 0 : i32
        %dma_wait3A_515 = arith.constant 0 : i32
        %dma_wait3A_516 = tpu.memref_slice %arg2[%dma_wait3A_514, %dma_wait3A_515] : memref<10000x128xf32, #tpu.memory_space<hbm>> -> memref<10000x128xf32, #tpu.memory_space<hbm>>
        tpu.wait_indirect_dma semaphore(%arg25 : memref<!tpu.dma_semaphore, #tpu.memory_space<semaphore_mem>>) src(%dma_wait3A_516 : memref<10000x128xf32, #tpu.memory_space<hbm>>) dst(%dma_wait3A_511 : memref<40x128xf32, #tpu.memory_space<vmem>>)
        %dma_start3A_517 = arith.constant 80 : i32
        %dma_start3A_518 = arith.constant 0 : i32
        %dma_start3A_519 = tpu.memref_slice %arg14[%dma_start3A_517, %dma_start3A_518] : memref<160x128xf32, #tpu.memory_space<vmem>> -> memref<80x128xf32, #tpu.memory_space<vmem>>
        %dma_start3A_520 = arith.constant 0 : i32
        %dma_start3A_521 = arith.constant 0 : i32
        %dma_start3A_522 = tpu.memref_slice %arg15[%dma_start3A_520, %dma_start3A_521] : memref<10240x128xf32, #tpu.memory_space<vmem_shared>> -> memref<10240x128xf32, #tpu.memory_space<vmem_shared>>
        tpu.enqueue_indirect_dma source(%dma_start3A_519 : memref<80x128xf32, #tpu.memory_space<vmem>>) target(%dma_start3A_522 : memref<10240x128xf32, #tpu.memory_space<vmem_shared>>) offsets(%arg12 : memref<80xi32, #tpu.memory_space<vmem>>) semaphore(%arg19 : memref<!tpu.dma_semaphore, #tpu.memory_space<semaphore_mem>>) {add = true}
        %add3A_523 = arith.constant 2 : i32
        %add3A_524 = arith.addi %add3A_478, %add3A_523 : i32
        %mul3A_525 = arith.constant 160 : i32
        %mul3A_526 = arith.muli %add3A_524, %mul3A_525 : i32
        %add3A_527 = arith.addi %mul3A_0, %mul3A_526 : i32
        %dma_start3A_528 = tpu.memref_slice %arg4[%add3A_527] : memref<320000xi32, #tpu.memory_space<hbm>> -> memref<160xi32, #tpu.memory_space<hbm>>
        %dma_start3A_529 = tpu.memref_slice %arg4[%add3A_527] : memref<320000xi32, #tpu.memory_space<hbm>> -> memref<160xi32, #tpu.memory_space<hbm>>
        tpu.enqueue_dma source(%dma_start3A_529 : memref<160xi32, #tpu.memory_space<hbm>>) target(%arg8 : memref<160xi32, #tpu.memory_space<vmem>>) target_semaphore(%arg21 : memref<!tpu.dma_semaphore, #tpu.memory_space<semaphore_mem>>)
        %dma_wait3A_530 = tpu.memref_slice %arg4[%mul3A_0] : memref<320000xi32, #tpu.memory_space<hbm>> -> memref<160xi32, #tpu.memory_space<hbm>>
        %dma_wait3A_531 = tpu.memref_slice %arg4[%mul3A_0] : memref<320000xi32, #tpu.memory_space<hbm>> -> memref<160xi32, #tpu.memory_space<hbm>>
        tpu.wait_dma2 semaphore(%arg20 : memref<!tpu.dma_semaphore, #tpu.memory_space<semaphore_mem>>) src(%dma_wait3A_531 : memref<160xi32, #tpu.memory_space<hbm>>) dst(%arg7 : memref<160xi32, #tpu.memory_space<vmem>>)
        %dma_wait3A_532 = tpu.memref_slice %arg5[%mul3A_0] : memref<320000xi32, #tpu.memory_space<hbm>> -> memref<80xi32, #tpu.memory_space<hbm>>
        %dma_wait3A_533 = tpu.memref_slice %arg5[%mul3A_0] : memref<320000xi32, #tpu.memory_space<hbm>> -> memref<80xi32, #tpu.memory_space<hbm>>
        tpu.wait_dma2 semaphore(%arg22 : memref<!tpu.dma_semaphore, #tpu.memory_space<semaphore_mem>>) src(%dma_wait3A_533 : memref<80xi32, #tpu.memory_space<hbm>>) dst(%arg9 : memref<80xi32, #tpu.memory_space<vmem>>)
        %dma_wait3A_534 = tpu.memref_slice %arg5[%mul3A_0] : memref<320000xi32, #tpu.memory_space<hbm>> -> memref<80xi32, #tpu.memory_space<hbm>>
        %dma_wait3A_535 = tpu.memref_slice %arg5[%mul3A_0] : memref<320000xi32, #tpu.memory_space<hbm>> -> memref<80xi32, #tpu.memory_space<hbm>>
        tpu.wait_dma2 semaphore(%arg22 : memref<!tpu.dma_semaphore, #tpu.memory_space<semaphore_mem>>) src(%dma_wait3A_535 : memref<80xi32, #tpu.memory_space<hbm>>) dst(%arg10 : memref<80xi32, #tpu.memory_space<vmem>>)
        %dma_start3A_536 = arith.constant 0 : i32
        %dma_start3A_537 = arith.constant 0 : i32
        %dma_start3A_538 = tpu.memref_slice %arg13[%dma_start3A_536, %dma_start3A_537] : memref<160x128xf32, #tpu.memory_space<vmem>> -> memref<40x128xf32, #tpu.memory_space<vmem>>
        %dma_start3A_539 = arith.constant 0 : i32
        %dma_start3A_540 = tpu.memref_slice %arg7[%dma_start3A_539] : memref<160xi32, #tpu.memory_space<vmem>> -> memref<40xi32, #tpu.memory_space<vmem>>
        %dma_start3A_541 = arith.constant 0 : i32
        %dma_start3A_542 = arith.constant 0 : i32
        %dma_start3A_543 = tpu.memref_slice %arg2[%dma_start3A_541, %dma_start3A_542] : memref<10000x128xf32, #tpu.memory_space<hbm>> -> memref<10000x128xf32, #tpu.memory_space<hbm>>
        tpu.enqueue_indirect_dma source(%dma_start3A_543 : memref<10000x128xf32, #tpu.memory_space<hbm>>) target(%dma_start3A_538 : memref<40x128xf32, #tpu.memory_space<vmem>>) offsets(%dma_start3A_540 : memref<40xi32, #tpu.memory_space<vmem>>) semaphore(%arg16 : memref<!tpu.dma_semaphore, #tpu.memory_space<semaphore_mem>>)
        %dma_start3A_544 = arith.constant 40 : i32
        %dma_start3A_545 = arith.constant 0 : i32
        %dma_start3A_546 = tpu.memref_slice %arg13[%dma_start3A_544, %dma_start3A_545] : memref<160x128xf32, #tpu.memory_space<vmem>> -> memref<40x128xf32, #tpu.memory_space<vmem>>
        %dma_start3A_547 = arith.constant 40 : i32
        %dma_start3A_548 = tpu.memref_slice %arg7[%dma_start3A_547] : memref<160xi32, #tpu.memory_space<vmem>> -> memref<40xi32, #tpu.memory_space<vmem>>
        %dma_start3A_549 = arith.constant 0 : i32
        %dma_start3A_550 = arith.constant 0 : i32
        %dma_start3A_551 = tpu.memref_slice %arg2[%dma_start3A_549, %dma_start3A_550] : memref<10000x128xf32, #tpu.memory_space<hbm>> -> memref<10000x128xf32, #tpu.memory_space<hbm>>
        tpu.enqueue_indirect_dma source(%dma_start3A_551 : memref<10000x128xf32, #tpu.memory_space<hbm>>) target(%dma_start3A_546 : memref<40x128xf32, #tpu.memory_space<vmem>>) offsets(%dma_start3A_548 : memref<40xi32, #tpu.memory_space<vmem>>) semaphore(%arg24 : memref<!tpu.dma_semaphore, #tpu.memory_space<semaphore_mem>>)
        %dma_start3A_552 = arith.constant 80 : i32
        %dma_start3A_553 = arith.constant 0 : i32
        %dma_start3A_554 = tpu.memref_slice %arg13[%dma_start3A_552, %dma_start3A_553] : memref<160x128xf32, #tpu.memory_space<vmem>> -> memref<40x128xf32, #tpu.memory_space<vmem>>
        %dma_start3A_555 = arith.constant 80 : i32
        %dma_start3A_556 = tpu.memref_slice %arg7[%dma_start3A_555] : memref<160xi32, #tpu.memory_space<vmem>> -> memref<40xi32, #tpu.memory_space<vmem>>
        %dma_start3A_557 = arith.constant 0 : i32
        %dma_start3A_558 = arith.constant 0 : i32
        %dma_start3A_559 = tpu.memref_slice %arg2[%dma_start3A_557, %dma_start3A_558] : memref<10000x128xf32, #tpu.memory_space<hbm>> -> memref<10000x128xf32, #tpu.memory_space<hbm>>
        tpu.enqueue_indirect_dma source(%dma_start3A_559 : memref<10000x128xf32, #tpu.memory_space<hbm>>) target(%dma_start3A_554 : memref<40x128xf32, #tpu.memory_space<vmem>>) offsets(%dma_start3A_556 : memref<40xi32, #tpu.memory_space<vmem>>) semaphore(%arg16 : memref<!tpu.dma_semaphore, #tpu.memory_space<semaphore_mem>>)
        %dma_start3A_560 = arith.constant 120 : i32
        %dma_start3A_561 = arith.constant 0 : i32
        %dma_start3A_562 = tpu.memref_slice %arg13[%dma_start3A_560, %dma_start3A_561] : memref<160x128xf32, #tpu.memory_space<vmem>> -> memref<40x128xf32, #tpu.memory_space<vmem>>
        %dma_start3A_563 = arith.constant 120 : i32
        %dma_start3A_564 = tpu.memref_slice %arg7[%dma_start3A_563] : memref<160xi32, #tpu.memory_space<vmem>> -> memref<40xi32, #tpu.memory_space<vmem>>
        %dma_start3A_565 = arith.constant 0 : i32
        %dma_start3A_566 = arith.constant 0 : i32
        %dma_start3A_567 = tpu.memref_slice %arg2[%dma_start3A_565, %dma_start3A_566] : memref<10000x128xf32, #tpu.memory_space<hbm>> -> memref<10000x128xf32, #tpu.memory_space<hbm>>
        tpu.enqueue_indirect_dma source(%dma_start3A_567 : memref<10000x128xf32, #tpu.memory_space<hbm>>) target(%dma_start3A_562 : memref<40x128xf32, #tpu.memory_space<vmem>>) offsets(%dma_start3A_564 : memref<40xi32, #tpu.memory_space<vmem>>) semaphore(%arg24 : memref<!tpu.dma_semaphore, #tpu.memory_space<semaphore_mem>>)
        %dma_wait3A_568 = arith.constant 0 : i32
        %dma_wait3A_569 = arith.constant 0 : i32
        %dma_wait3A_570 = tpu.memref_slice %arg14[%dma_wait3A_568, %dma_wait3A_569] : memref<160x128xf32, #tpu.memory_space<vmem>> -> memref<80x128xf32, #tpu.memory_space<vmem>>
        %dma_wait3A_571 = arith.constant 0 : i32
        %dma_wait3A_572 = arith.constant 0 : i32
        %dma_wait3A_573 = tpu.memref_slice %arg15[%dma_wait3A_571, %dma_wait3A_572] : memref<10240x128xf32, #tpu.memory_space<vmem_shared>> -> memref<10240x128xf32, #tpu.memory_space<vmem_shared>>
        tpu.wait_indirect_dma semaphore(%arg19 : memref<!tpu.dma_semaphore, #tpu.memory_space<semaphore_mem>>) src(%dma_wait3A_570 : memref<80x128xf32, #tpu.memory_space<vmem>>) dst(%dma_wait3A_573 : memref<10240x128xf32, #tpu.memory_space<vmem_shared>>)
        %dma_wait3A_574 = arith.constant 80 : i32
        %dma_wait3A_575 = arith.constant 0 : i32
        %dma_wait3A_576 = tpu.memref_slice %arg14[%dma_wait3A_574, %dma_wait3A_575] : memref<160x128xf32, #tpu.memory_space<vmem>> -> memref<80x128xf32, #tpu.memory_space<vmem>>
        %dma_wait3A_577 = arith.constant 0 : i32
        %dma_wait3A_578 = arith.constant 0 : i32
        %dma_wait3A_579 = tpu.memref_slice %arg15[%dma_wait3A_577, %dma_wait3A_578] : memref<10240x128xf32, #tpu.memory_space<vmem_shared>> -> memref<10240x128xf32, #tpu.memory_space<vmem_shared>>
        tpu.wait_indirect_dma semaphore(%arg19 : memref<!tpu.dma_semaphore, #tpu.memory_space<semaphore_mem>>) src(%dma_wait3A_576 : memref<80x128xf32, #tpu.memory_space<vmem>>) dst(%dma_wait3A_579 : memref<10240x128xf32, #tpu.memory_space<vmem_shared>>)
        %add3A_580 = arith.constant 2 : i32
        %add3A_581 = arith.addi %add3A_478, %add3A_580 : i32
        %mul3A_582 = arith.constant 160 : i32
        %mul3A_583 = arith.muli %add3A_581, %mul3A_582 : i32
        %add3A_584 = arith.addi %mul3A_0, %mul3A_583 : i32
        %add3A_585 = arith.constant 0 : i32
        %add3A_586 = arith.addi %add3A_584, %add3A_585 : i32
        %dma_start3A_587 = tpu.memref_slice %arg5[%add3A_586] : memref<320000xi32, #tpu.memory_space<hbm>> -> memref<80xi32, #tpu.memory_space<hbm>>
        %dma_start3A_588 = tpu.memref_slice %arg5[%add3A_586] : memref<320000xi32, #tpu.memory_space<hbm>> -> memref<80xi32, #tpu.memory_space<hbm>>
        tpu.enqueue_dma source(%dma_start3A_588 : memref<80xi32, #tpu.memory_space<hbm>>) target(%arg11 : memref<80xi32, #tpu.memory_space<vmem>>) target_semaphore(%arg23 : memref<!tpu.dma_semaphore, #tpu.memory_space<semaphore_mem>>)
        %mul3A_589 = arith.constant 160 : i32
        %mul3A_590 = arith.muli %add3A_581, %mul3A_589 : i32
        %add3A_591 = arith.addi %mul3A_0, %mul3A_590 : i32
        %add3A_592 = arith.constant 80 : i32
        %add3A_593 = arith.addi %add3A_591, %add3A_592 : i32
        %dma_start3A_594 = tpu.memref_slice %arg5[%add3A_593] : memref<320000xi32, #tpu.memory_space<hbm>> -> memref<80xi32, #tpu.memory_space<hbm>>
        %dma_start3A_595 = tpu.memref_slice %arg5[%add3A_593] : memref<320000xi32, #tpu.memory_space<hbm>> -> memref<80xi32, #tpu.memory_space<hbm>>
        tpu.enqueue_dma source(%dma_start3A_595 : memref<80xi32, #tpu.memory_space<hbm>>) target(%arg12 : memref<80xi32, #tpu.memory_space<vmem>>) target_semaphore(%arg23 : memref<!tpu.dma_semaphore, #tpu.memory_space<semaphore_mem>>)
      }
      %scan3A_94 = arith.constant 61 : i32
      %dma_wait3A_95 = arith.constant 0 : i32
      %dma_wait3A_96 = arith.constant 0 : i32
      %dma_wait3A_97 = tpu.memref_slice %arg13[%dma_wait3A_95, %dma_wait3A_96] : memref<160x128xf32, #tpu.memory_space<vmem>> -> memref<40x128xf32, #tpu.memory_space<vmem>>
      %dma_wait3A_98 = arith.constant 0 : i32
      %dma_wait3A_99 = tpu.memref_slice %arg7[%dma_wait3A_98] : memref<160xi32, #tpu.memory_space<vmem>> -> memref<40xi32, #tpu.memory_space<vmem>>
      %dma_wait3A_100 = arith.constant 0 : i32
      %dma_wait3A_101 = arith.constant 0 : i32
      %dma_wait3A_102 = tpu.memref_slice %arg2[%dma_wait3A_100, %dma_wait3A_101] : memref<10000x128xf32, #tpu.memory_space<hbm>> -> memref<10000x128xf32, #tpu.memory_space<hbm>>
      tpu.wait_indirect_dma semaphore(%arg16 : memref<!tpu.dma_semaphore, #tpu.memory_space<semaphore_mem>>) src(%dma_wait3A_102 : memref<10000x128xf32, #tpu.memory_space<hbm>>) dst(%dma_wait3A_97 : memref<40x128xf32, #tpu.memory_space<vmem>>)
      %dma_wait3A_103 = arith.constant 40 : i32
      %dma_wait3A_104 = arith.constant 0 : i32
      %dma_wait3A_105 = tpu.memref_slice %arg13[%dma_wait3A_103, %dma_wait3A_104] : memref<160x128xf32, #tpu.memory_space<vmem>> -> memref<40x128xf32, #tpu.memory_space<vmem>>
      %dma_wait3A_106 = arith.constant 40 : i32
      %dma_wait3A_107 = tpu.memref_slice %arg7[%dma_wait3A_106] : memref<160xi32, #tpu.memory_space<vmem>> -> memref<40xi32, #tpu.memory_space<vmem>>
      %dma_wait3A_108 = arith.constant 0 : i32
      %dma_wait3A_109 = arith.constant 0 : i32
      %dma_wait3A_110 = tpu.memref_slice %arg2[%dma_wait3A_108, %dma_wait3A_109] : memref<10000x128xf32, #tpu.memory_space<hbm>> -> memref<10000x128xf32, #tpu.memory_space<hbm>>
      tpu.wait_indirect_dma semaphore(%arg24 : memref<!tpu.dma_semaphore, #tpu.memory_space<semaphore_mem>>) src(%dma_wait3A_110 : memref<10000x128xf32, #tpu.memory_space<hbm>>) dst(%dma_wait3A_105 : memref<40x128xf32, #tpu.memory_space<vmem>>)
      %dma_start3A_111 = arith.constant 0 : i32
      %dma_start3A_112 = arith.constant 0 : i32
      %dma_start3A_113 = tpu.memref_slice %arg13[%dma_start3A_111, %dma_start3A_112] : memref<160x128xf32, #tpu.memory_space<vmem>> -> memref<80x128xf32, #tpu.memory_space<vmem>>
      %dma_start3A_114 = arith.constant 0 : i32
      %dma_start3A_115 = arith.constant 0 : i32
      %dma_start3A_116 = tpu.memref_slice %arg15[%dma_start3A_114, %dma_start3A_115] : memref<10240x128xf32, #tpu.memory_space<vmem_shared>> -> memref<10240x128xf32, #tpu.memory_space<vmem_shared>>
      tpu.enqueue_indirect_dma source(%dma_start3A_113 : memref<80x128xf32, #tpu.memory_space<vmem>>) target(%dma_start3A_116 : memref<10240x128xf32, #tpu.memory_space<vmem_shared>>) offsets(%arg9 : memref<80xi32, #tpu.memory_space<vmem>>) semaphore(%arg18 : memref<!tpu.dma_semaphore, #tpu.memory_space<semaphore_mem>>) {add = true}
      %dma_wait3A_117 = arith.constant 80 : i32
      %dma_wait3A_118 = arith.constant 0 : i32
      %dma_wait3A_119 = tpu.memref_slice %arg13[%dma_wait3A_117, %dma_wait3A_118] : memref<160x128xf32, #tpu.memory_space<vmem>> -> memref<40x128xf32, #tpu.memory_space<vmem>>
      %dma_wait3A_120 = arith.constant 80 : i32
      %dma_wait3A_121 = tpu.memref_slice %arg7[%dma_wait3A_120] : memref<160xi32, #tpu.memory_space<vmem>> -> memref<40xi32, #tpu.memory_space<vmem>>
      %dma_wait3A_122 = arith.constant 0 : i32
      %dma_wait3A_123 = arith.constant 0 : i32
      %dma_wait3A_124 = tpu.memref_slice %arg2[%dma_wait3A_122, %dma_wait3A_123] : memref<10000x128xf32, #tpu.memory_space<hbm>> -> memref<10000x128xf32, #tpu.memory_space<hbm>>
      tpu.wait_indirect_dma semaphore(%arg16 : memref<!tpu.dma_semaphore, #tpu.memory_space<semaphore_mem>>) src(%dma_wait3A_124 : memref<10000x128xf32, #tpu.memory_space<hbm>>) dst(%dma_wait3A_119 : memref<40x128xf32, #tpu.memory_space<vmem>>)
      %dma_wait3A_125 = arith.constant 120 : i32
      %dma_wait3A_126 = arith.constant 0 : i32
      %dma_wait3A_127 = tpu.memref_slice %arg13[%dma_wait3A_125, %dma_wait3A_126] : memref<160x128xf32, #tpu.memory_space<vmem>> -> memref<40x128xf32, #tpu.memory_space<vmem>>
      %dma_wait3A_128 = arith.constant 120 : i32
      %dma_wait3A_129 = tpu.memref_slice %arg7[%dma_wait3A_128] : memref<160xi32, #tpu.memory_space<vmem>> -> memref<40xi32, #tpu.memory_space<vmem>>
      %dma_wait3A_130 = arith.constant 0 : i32
      %dma_wait3A_131 = arith.constant 0 : i32
      %dma_wait3A_132 = tpu.memref_slice %arg2[%dma_wait3A_130, %dma_wait3A_131] : memref<10000x128xf32, #tpu.memory_space<hbm>> -> memref<10000x128xf32, #tpu.memory_space<hbm>>
      tpu.wait_indirect_dma semaphore(%arg24 : memref<!tpu.dma_semaphore, #tpu.memory_space<semaphore_mem>>) src(%dma_wait3A_132 : memref<10000x128xf32, #tpu.memory_space<hbm>>) dst(%dma_wait3A_127 : memref<40x128xf32, #tpu.memory_space<vmem>>)
      %dma_start3A_133 = arith.constant 80 : i32
      %dma_start3A_134 = arith.constant 0 : i32
      %dma_start3A_135 = tpu.memref_slice %arg13[%dma_start3A_133, %dma_start3A_134] : memref<160x128xf32, #tpu.memory_space<vmem>> -> memref<80x128xf32, #tpu.memory_space<vmem>>
      %dma_start3A_136 = arith.constant 0 : i32
      %dma_start3A_137 = arith.constant 0 : i32
      %dma_start3A_138 = tpu.memref_slice %arg15[%dma_start3A_136, %dma_start3A_137] : memref<10240x128xf32, #tpu.memory_space<vmem_shared>> -> memref<10240x128xf32, #tpu.memory_space<vmem_shared>>
      tpu.enqueue_indirect_dma source(%dma_start3A_135 : memref<80x128xf32, #tpu.memory_space<vmem>>) target(%dma_start3A_138 : memref<10240x128xf32, #tpu.memory_space<vmem_shared>>) offsets(%arg10 : memref<80xi32, #tpu.memory_space<vmem>>) semaphore(%arg18 : memref<!tpu.dma_semaphore, #tpu.memory_space<semaphore_mem>>) {add = true}
      %add3A_139 = arith.constant 19840 : i32
      %add3A_140 = arith.addi %mul3A_0, %add3A_139 : i32
      %dma_start3A_141 = tpu.memref_slice %arg4[%add3A_140] : memref<320000xi32, #tpu.memory_space<hbm>> -> memref<160xi32, #tpu.memory_space<hbm>>
      %dma_start3A_142 = tpu.memref_slice %arg4[%add3A_140] : memref<320000xi32, #tpu.memory_space<hbm>> -> memref<160xi32, #tpu.memory_space<hbm>>
      tpu.enqueue_dma source(%dma_start3A_142 : memref<160xi32, #tpu.memory_space<hbm>>) target(%arg7 : memref<160xi32, #tpu.memory_space<vmem>>) target_semaphore(%arg20 : memref<!tpu.dma_semaphore, #tpu.memory_space<semaphore_mem>>)
      %dma_wait3A_143 = tpu.memref_slice %arg4[%mul3A_0] : memref<320000xi32, #tpu.memory_space<hbm>> -> memref<160xi32, #tpu.memory_space<hbm>>
      %dma_wait3A_144 = tpu.memref_slice %arg4[%mul3A_0] : memref<320000xi32, #tpu.memory_space<hbm>> -> memref<160xi32, #tpu.memory_space<hbm>>
      tpu.wait_dma2 semaphore(%arg21 : memref<!tpu.dma_semaphore, #tpu.memory_space<semaphore_mem>>) src(%dma_wait3A_144 : memref<160xi32, #tpu.memory_space<hbm>>) dst(%arg8 : memref<160xi32, #tpu.memory_space<vmem>>)
      %dma_wait3A_145 = tpu.memref_slice %arg5[%mul3A_0] : memref<320000xi32, #tpu.memory_space<hbm>> -> memref<80xi32, #tpu.memory_space<hbm>>
      %dma_wait3A_146 = tpu.memref_slice %arg5[%mul3A_0] : memref<320000xi32, #tpu.memory_space<hbm>> -> memref<80xi32, #tpu.memory_space<hbm>>
      tpu.wait_dma2 semaphore(%arg23 : memref<!tpu.dma_semaphore, #tpu.memory_space<semaphore_mem>>) src(%dma_wait3A_146 : memref<80xi32, #tpu.memory_space<hbm>>) dst(%arg11 : memref<80xi32, #tpu.memory_space<vmem>>)
      %dma_wait3A_147 = tpu.memref_slice %arg5[%mul3A_0] : memref<320000xi32, #tpu.memory_space<hbm>> -> memref<80xi32, #tpu.memory_space<hbm>>
      %dma_wait3A_148 = tpu.memref_slice %arg5[%mul3A_0] : memref<320000xi32, #tpu.memory_space<hbm>> -> memref<80xi32, #tpu.memory_space<hbm>>
      tpu.wait_dma2 semaphore(%arg23 : memref<!tpu.dma_semaphore, #tpu.memory_space<semaphore_mem>>) src(%dma_wait3A_148 : memref<80xi32, #tpu.memory_space<hbm>>) dst(%arg12 : memref<80xi32, #tpu.memory_space<vmem>>)
      %dma_start3A_149 = arith.constant 0 : i32
      %dma_start3A_150 = arith.constant 0 : i32
      %dma_start3A_151 = tpu.memref_slice %arg14[%dma_start3A_149, %dma_start3A_150] : memref<160x128xf32, #tpu.memory_space<vmem>> -> memref<40x128xf32, #tpu.memory_space<vmem>>
      %dma_start3A_152 = arith.constant 0 : i32
      %dma_start3A_153 = tpu.memref_slice %arg8[%dma_start3A_152] : memref<160xi32, #tpu.memory_space<vmem>> -> memref<40xi32, #tpu.memory_space<vmem>>
      %dma_start3A_154 = arith.constant 0 : i32
      %dma_start3A_155 = arith.constant 0 : i32
      %dma_start3A_156 = tpu.memref_slice %arg2[%dma_start3A_154, %dma_start3A_155] : memref<10000x128xf32, #tpu.memory_space<hbm>> -> memref<10000x128xf32, #tpu.memory_space<hbm>>
      tpu.enqueue_indirect_dma source(%dma_start3A_156 : memref<10000x128xf32, #tpu.memory_space<hbm>>) target(%dma_start3A_151 : memref<40x128xf32, #tpu.memory_space<vmem>>) offsets(%dma_start3A_153 : memref<40xi32, #tpu.memory_space<vmem>>) semaphore(%arg17 : memref<!tpu.dma_semaphore, #tpu.memory_space<semaphore_mem>>)
      %dma_start3A_157 = arith.constant 40 : i32
      %dma_start3A_158 = arith.constant 0 : i32
      %dma_start3A_159 = tpu.memref_slice %arg14[%dma_start3A_157, %dma_start3A_158] : memref<160x128xf32, #tpu.memory_space<vmem>> -> memref<40x128xf32, #tpu.memory_space<vmem>>
      %dma_start3A_160 = arith.constant 40 : i32
      %dma_start3A_161 = tpu.memref_slice %arg8[%dma_start3A_160] : memref<160xi32, #tpu.memory_space<vmem>> -> memref<40xi32, #tpu.memory_space<vmem>>
      %dma_start3A_162 = arith.constant 0 : i32
      %dma_start3A_163 = arith.constant 0 : i32
      %dma_start3A_164 = tpu.memref_slice %arg2[%dma_start3A_162, %dma_start3A_163] : memref<10000x128xf32, #tpu.memory_space<hbm>> -> memref<10000x128xf32, #tpu.memory_space<hbm>>
      tpu.enqueue_indirect_dma source(%dma_start3A_164 : memref<10000x128xf32, #tpu.memory_space<hbm>>) target(%dma_start3A_159 : memref<40x128xf32, #tpu.memory_space<vmem>>) offsets(%dma_start3A_161 : memref<40xi32, #tpu.memory_space<vmem>>) semaphore(%arg25 : memref<!tpu.dma_semaphore, #tpu.memory_space<semaphore_mem>>)
      %dma_start3A_165 = arith.constant 80 : i32
      %dma_start3A_166 = arith.constant 0 : i32
      %dma_start3A_167 = tpu.memref_slice %arg14[%dma_start3A_165, %dma_start3A_166] : memref<160x128xf32, #tpu.memory_space<vmem>> -> memref<40x128xf32, #tpu.memory_space<vmem>>
      %dma_start3A_168 = arith.constant 80 : i32
      %dma_start3A_169 = tpu.memref_slice %arg8[%dma_start3A_168] : memref<160xi32, #tpu.memory_space<vmem>> -> memref<40xi32, #tpu.memory_space<vmem>>
      %dma_start3A_170 = arith.constant 0 : i32
      %dma_start3A_171 = arith.constant 0 : i32
      %dma_start3A_172 = tpu.memref_slice %arg2[%dma_start3A_170, %dma_start3A_171] : memref<10000x128xf32, #tpu.memory_space<hbm>> -> memref<10000x128xf32, #tpu.memory_space<hbm>>
      tpu.enqueue_indirect_dma source(%dma_start3A_172 : memref<10000x128xf32, #tpu.memory_space<hbm>>) target(%dma_start3A_167 : memref<40x128xf32, #tpu.memory_space<vmem>>) offsets(%dma_start3A_169 : memref<40xi32, #tpu.memory_space<vmem>>) semaphore(%arg17 : memref<!tpu.dma_semaphore, #tpu.memory_space<semaphore_mem>>)
      %dma_start3A_173 = arith.constant 120 : i32
      %dma_start3A_174 = arith.constant 0 : i32
      %dma_start3A_175 = tpu.memref_slice %arg14[%dma_start3A_173, %dma_start3A_174] : memref<160x128xf32, #tpu.memory_space<vmem>> -> memref<40x128xf32, #tpu.memory_space<vmem>>
      %dma_start3A_176 = arith.constant 120 : i32
      %dma_start3A_177 = tpu.memref_slice %arg8[%dma_start3A_176] : memref<160xi32, #tpu.memory_space<vmem>> -> memref<40xi32, #tpu.memory_space<vmem>>
      %dma_start3A_178 = arith.constant 0 : i32
      %dma_start3A_179 = arith.constant 0 : i32
      %dma_start3A_180 = tpu.memref_slice %arg2[%dma_start3A_178, %dma_start3A_179] : memref<10000x128xf32, #tpu.memory_space<hbm>> -> memref<10000x128xf32, #tpu.memory_space<hbm>>
      tpu.enqueue_indirect_dma source(%dma_start3A_180 : memref<10000x128xf32, #tpu.memory_space<hbm>>) target(%dma_start3A_175 : memref<40x128xf32, #tpu.memory_space<vmem>>) offsets(%dma_start3A_177 : memref<40xi32, #tpu.memory_space<vmem>>) semaphore(%arg25 : memref<!tpu.dma_semaphore, #tpu.memory_space<semaphore_mem>>)
      %dma_wait3A_181 = arith.constant 0 : i32
      %dma_wait3A_182 = arith.constant 0 : i32
      %dma_wait3A_183 = tpu.memref_slice %arg13[%dma_wait3A_181, %dma_wait3A_182] : memref<160x128xf32, #tpu.memory_space<vmem>> -> memref<80x128xf32, #tpu.memory_space<vmem>>
      %dma_wait3A_184 = arith.constant 0 : i32
      %dma_wait3A_185 = arith.constant 0 : i32
      %dma_wait3A_186 = tpu.memref_slice %arg15[%dma_wait3A_184, %dma_wait3A_185] : memref<10240x128xf32, #tpu.memory_space<vmem_shared>> -> memref<10240x128xf32, #tpu.memory_space<vmem_shared>>
      tpu.wait_indirect_dma semaphore(%arg18 : memref<!tpu.dma_semaphore, #tpu.memory_space<semaphore_mem>>) src(%dma_wait3A_183 : memref<80x128xf32, #tpu.memory_space<vmem>>) dst(%dma_wait3A_186 : memref<10240x128xf32, #tpu.memory_space<vmem_shared>>)
      %dma_wait3A_187 = arith.constant 80 : i32
      %dma_wait3A_188 = arith.constant 0 : i32
      %dma_wait3A_189 = tpu.memref_slice %arg13[%dma_wait3A_187, %dma_wait3A_188] : memref<160x128xf32, #tpu.memory_space<vmem>> -> memref<80x128xf32, #tpu.memory_space<vmem>>
      %dma_wait3A_190 = arith.constant 0 : i32
      %dma_wait3A_191 = arith.constant 0 : i32
      %dma_wait3A_192 = tpu.memref_slice %arg15[%dma_wait3A_190, %dma_wait3A_191] : memref<10240x128xf32, #tpu.memory_space<vmem_shared>> -> memref<10240x128xf32, #tpu.memory_space<vmem_shared>>
      tpu.wait_indirect_dma semaphore(%arg18 : memref<!tpu.dma_semaphore, #tpu.memory_space<semaphore_mem>>) src(%dma_wait3A_189 : memref<80x128xf32, #tpu.memory_space<vmem>>) dst(%dma_wait3A_192 : memref<10240x128xf32, #tpu.memory_space<vmem_shared>>)
      %add3A_193 = arith.constant 19840 : i32
      %add3A_194 = arith.addi %mul3A_0, %add3A_193 : i32
      %add3A_195 = arith.constant 0 : i32
      %add3A_196 = arith.addi %add3A_194, %add3A_195 : i32
      %dma_start3A_197 = tpu.memref_slice %arg5[%add3A_196] : memref<320000xi32, #tpu.memory_space<hbm>> -> memref<80xi32, #tpu.memory_space<hbm>>
      %dma_start3A_198 = tpu.memref_slice %arg5[%add3A_196] : memref<320000xi32, #tpu.memory_space<hbm>> -> memref<80xi32, #tpu.memory_space<hbm>>
      tpu.enqueue_dma source(%dma_start3A_198 : memref<80xi32, #tpu.memory_space<hbm>>) target(%arg9 : memref<80xi32, #tpu.memory_space<vmem>>) target_semaphore(%arg22 : memref<!tpu.dma_semaphore, #tpu.memory_space<semaphore_mem>>)
      %add3A_199 = arith.constant 19840 : i32
      %add3A_200 = arith.addi %mul3A_0, %add3A_199 : i32
      %add3A_201 = arith.constant 80 : i32
      %add3A_202 = arith.addi %add3A_200, %add3A_201 : i32
      %dma_start3A_203 = tpu.memref_slice %arg5[%add3A_202] : memref<320000xi32, #tpu.memory_space<hbm>> -> memref<80xi32, #tpu.memory_space<hbm>>
      %dma_start3A_204 = tpu.memref_slice %arg5[%add3A_202] : memref<320000xi32, #tpu.memory_space<hbm>> -> memref<80xi32, #tpu.memory_space<hbm>>
      tpu.enqueue_dma source(%dma_start3A_204 : memref<80xi32, #tpu.memory_space<hbm>>) target(%arg10 : memref<80xi32, #tpu.memory_space<vmem>>) target_semaphore(%arg22 : memref<!tpu.dma_semaphore, #tpu.memory_space<semaphore_mem>>)
      %dma_wait3A_205 = arith.constant 0 : i32
      %dma_wait3A_206 = arith.constant 0 : i32
      %dma_wait3A_207 = tpu.memref_slice %arg14[%dma_wait3A_205, %dma_wait3A_206] : memref<160x128xf32, #tpu.memory_space<vmem>> -> memref<40x128xf32, #tpu.memory_space<vmem>>
      %dma_wait3A_208 = arith.constant 0 : i32
      %dma_wait3A_209 = tpu.memref_slice %arg8[%dma_wait3A_208] : memref<160xi32, #tpu.memory_space<vmem>> -> memref<40xi32, #tpu.memory_space<vmem>>
      %dma_wait3A_210 = arith.constant 0 : i32
      %dma_wait3A_211 = arith.constant 0 : i32
      %dma_wait3A_212 = tpu.memref_slice %arg2[%dma_wait3A_210, %dma_wait3A_211] : memref<10000x128xf32, #tpu.memory_space<hbm>> -> memref<10000x128xf32, #tpu.memory_space<hbm>>
      tpu.wait_indirect_dma semaphore(%arg17 : memref<!tpu.dma_semaphore, #tpu.memory_space<semaphore_mem>>) src(%dma_wait3A_212 : memref<10000x128xf32, #tpu.memory_space<hbm>>) dst(%dma_wait3A_207 : memref<40x128xf32, #tpu.memory_space<vmem>>)
      %dma_wait3A_213 = arith.constant 40 : i32
      %dma_wait3A_214 = arith.constant 0 : i32
      %dma_wait3A_215 = tpu.memref_slice %arg14[%dma_wait3A_213, %dma_wait3A_214] : memref<160x128xf32, #tpu.memory_space<vmem>> -> memref<40x128xf32, #tpu.memory_space<vmem>>
      %dma_wait3A_216 = arith.constant 40 : i32
      %dma_wait3A_217 = tpu.memref_slice %arg8[%dma_wait3A_216] : memref<160xi32, #tpu.memory_space<vmem>> -> memref<40xi32, #tpu.memory_space<vmem>>
      %dma_wait3A_218 = arith.constant 0 : i32
      %dma_wait3A_219 = arith.constant 0 : i32
      %dma_wait3A_220 = tpu.memref_slice %arg2[%dma_wait3A_218, %dma_wait3A_219] : memref<10000x128xf32, #tpu.memory_space<hbm>> -> memref<10000x128xf32, #tpu.memory_space<hbm>>
      tpu.wait_indirect_dma semaphore(%arg25 : memref<!tpu.dma_semaphore, #tpu.memory_space<semaphore_mem>>) src(%dma_wait3A_220 : memref<10000x128xf32, #tpu.memory_space<hbm>>) dst(%dma_wait3A_215 : memref<40x128xf32, #tpu.memory_space<vmem>>)
      %dma_start3A_221 = arith.constant 0 : i32
      %dma_start3A_222 = arith.constant 0 : i32
      %dma_start3A_223 = tpu.memref_slice %arg14[%dma_start3A_221, %dma_start3A_222] : memref<160x128xf32, #tpu.memory_space<vmem>> -> memref<80x128xf32, #tpu.memory_space<vmem>>
      %dma_start3A_224 = arith.constant 0 : i32
      %dma_start3A_225 = arith.constant 0 : i32
      %dma_start3A_226 = tpu.memref_slice %arg15[%dma_start3A_224, %dma_start3A_225] : memref<10240x128xf32, #tpu.memory_space<vmem_shared>> -> memref<10240x128xf32, #tpu.memory_space<vmem_shared>>
      tpu.enqueue_indirect_dma source(%dma_start3A_223 : memref<80x128xf32, #tpu.memory_space<vmem>>) target(%dma_start3A_226 : memref<10240x128xf32, #tpu.memory_space<vmem_shared>>) offsets(%arg11 : memref<80xi32, #tpu.memory_space<vmem>>) semaphore(%arg19 : memref<!tpu.dma_semaphore, #tpu.memory_space<semaphore_mem>>) {add = true}
      %dma_wait3A_227 = arith.constant 80 : i32
      %dma_wait3A_228 = arith.constant 0 : i32
      %dma_wait3A_229 = tpu.memref_slice %arg14[%dma_wait3A_227, %dma_wait3A_228] : memref<160x128xf32, #tpu.memory_space<vmem>> -> memref<40x128xf32, #tpu.memory_space<vmem>>
      %dma_wait3A_230 = arith.constant 80 : i32
      %dma_wait3A_231 = tpu.memref_slice %arg8[%dma_wait3A_230] : memref<160xi32, #tpu.memory_space<vmem>> -> memref<40xi32, #tpu.memory_space<vmem>>
      %dma_wait3A_232 = arith.constant 0 : i32
      %dma_wait3A_233 = arith.constant 0 : i32
      %dma_wait3A_234 = tpu.memref_slice %arg2[%dma_wait3A_232, %dma_wait3A_233] : memref<10000x128xf32, #tpu.memory_space<hbm>> -> memref<10000x128xf32, #tpu.memory_space<hbm>>
      tpu.wait_indirect_dma semaphore(%arg17 : memref<!tpu.dma_semaphore, #tpu.memory_space<semaphore_mem>>) src(%dma_wait3A_234 : memref<10000x128xf32, #tpu.memory_space<hbm>>) dst(%dma_wait3A_229 : memref<40x128xf32, #tpu.memory_space<vmem>>)
      %dma_wait3A_235 = arith.constant 120 : i32
      %dma_wait3A_236 = arith.constant 0 : i32
      %dma_wait3A_237 = tpu.memref_slice %arg14[%dma_wait3A_235, %dma_wait3A_236] : memref<160x128xf32, #tpu.memory_space<vmem>> -> memref<40x128xf32, #tpu.memory_space<vmem>>
      %dma_wait3A_238 = arith.constant 120 : i32
      %dma_wait3A_239 = tpu.memref_slice %arg8[%dma_wait3A_238] : memref<160xi32, #tpu.memory_space<vmem>> -> memref<40xi32, #tpu.memory_space<vmem>>
      %dma_wait3A_240 = arith.constant 0 : i32
      %dma_wait3A_241 = arith.constant 0 : i32
      %dma_wait3A_242 = tpu.memref_slice %arg2[%dma_wait3A_240, %dma_wait3A_241] : memref<10000x128xf32, #tpu.memory_space<hbm>> -> memref<10000x128xf32, #tpu.memory_space<hbm>>
      tpu.wait_indirect_dma semaphore(%arg25 : memref<!tpu.dma_semaphore, #tpu.memory_space<semaphore_mem>>) src(%dma_wait3A_242 : memref<10000x128xf32, #tpu.memory_space<hbm>>) dst(%dma_wait3A_237 : memref<40x128xf32, #tpu.memory_space<vmem>>)
      %dma_start3A_243 = arith.constant 80 : i32
      %dma_start3A_244 = arith.constant 0 : i32
      %dma_start3A_245 = tpu.memref_slice %arg14[%dma_start3A_243, %dma_start3A_244] : memref<160x128xf32, #tpu.memory_space<vmem>> -> memref<80x128xf32, #tpu.memory_space<vmem>>
      %dma_start3A_246 = arith.constant 0 : i32
      %dma_start3A_247 = arith.constant 0 : i32
      %dma_start3A_248 = tpu.memref_slice %arg15[%dma_start3A_246, %dma_start3A_247] : memref<10240x128xf32, #tpu.memory_space<vmem_shared>> -> memref<10240x128xf32, #tpu.memory_space<vmem_shared>>
      tpu.enqueue_indirect_dma source(%dma_start3A_245 : memref<80x128xf32, #tpu.memory_space<vmem>>) target(%dma_start3A_248 : memref<10240x128xf32, #tpu.memory_space<vmem_shared>>) offsets(%arg12 : memref<80xi32, #tpu.memory_space<vmem>>) semaphore(%arg19 : memref<!tpu.dma_semaphore, #tpu.memory_space<semaphore_mem>>) {add = true}
      %dma_wait3A_249 = tpu.memref_slice %arg4[%mul3A_0] : memref<320000xi32, #tpu.memory_space<hbm>> -> memref<160xi32, #tpu.memory_space<hbm>>
      %dma_wait3A_250 = tpu.memref_slice %arg4[%mul3A_0] : memref<320000xi32, #tpu.memory_space<hbm>> -> memref<160xi32, #tpu.memory_space<hbm>>
      tpu.wait_dma2 semaphore(%arg20 : memref<!tpu.dma_semaphore, #tpu.memory_space<semaphore_mem>>) src(%dma_wait3A_250 : memref<160xi32, #tpu.memory_space<hbm>>) dst(%arg7 : memref<160xi32, #tpu.memory_space<vmem>>)
      %dma_wait3A_251 = tpu.memref_slice %arg5[%mul3A_0] : memref<320000xi32, #tpu.memory_space<hbm>> -> memref<80xi32, #tpu.memory_space<hbm>>
      %dma_wait3A_252 = tpu.memref_slice %arg5[%mul3A_0] : memref<320000xi32, #tpu.memory_space<hbm>> -> memref<80xi32, #tpu.memory_space<hbm>>
      tpu.wait_dma2 semaphore(%arg22 : memref<!tpu.dma_semaphore, #tpu.memory_space<semaphore_mem>>) src(%dma_wait3A_252 : memref<80xi32, #tpu.memory_space<hbm>>) dst(%arg9 : memref<80xi32, #tpu.memory_space<vmem>>)
      %dma_wait3A_253 = tpu.memref_slice %arg5[%mul3A_0] : memref<320000xi32, #tpu.memory_space<hbm>> -> memref<80xi32, #tpu.memory_space<hbm>>
      %dma_wait3A_254 = tpu.memref_slice %arg5[%mul3A_0] : memref<320000xi32, #tpu.memory_space<hbm>> -> memref<80xi32, #tpu.memory_space<hbm>>
      tpu.wait_dma2 semaphore(%arg22 : memref<!tpu.dma_semaphore, #tpu.memory_space<semaphore_mem>>) src(%dma_wait3A_254 : memref<80xi32, #tpu.memory_space<hbm>>) dst(%arg10 : memref<80xi32, #tpu.memory_space<vmem>>)
      %dma_start3A_255 = arith.constant 0 : i32
      %dma_start3A_256 = arith.constant 0 : i32
      %dma_start3A_257 = tpu.memref_slice %arg13[%dma_start3A_255, %dma_start3A_256] : memref<160x128xf32, #tpu.memory_space<vmem>> -> memref<40x128xf32, #tpu.memory_space<vmem>>
      %dma_start3A_258 = arith.constant 0 : i32
      %dma_start3A_259 = tpu.memref_slice %arg7[%dma_start3A_258] : memref<160xi32, #tpu.memory_space<vmem>> -> memref<40xi32, #tpu.memory_space<vmem>>
      %dma_start3A_260 = arith.constant 0 : i32
      %dma_start3A_261 = arith.constant 0 : i32
      %dma_start3A_262 = tpu.memref_slice %arg2[%dma_start3A_260, %dma_start3A_261] : memref<10000x128xf32, #tpu.memory_space<hbm>> -> memref<10000x128xf32, #tpu.memory_space<hbm>>
      tpu.enqueue_indirect_dma source(%dma_start3A_262 : memref<10000x128xf32, #tpu.memory_space<hbm>>) target(%dma_start3A_257 : memref<40x128xf32, #tpu.memory_space<vmem>>) offsets(%dma_start3A_259 : memref<40xi32, #tpu.memory_space<vmem>>) semaphore(%arg16 : memref<!tpu.dma_semaphore, #tpu.memory_space<semaphore_mem>>)
      %dma_start3A_263 = arith.constant 40 : i32
      %dma_start3A_264 = arith.constant 0 : i32
      %dma_start3A_265 = tpu.memref_slice %arg13[%dma_start3A_263, %dma_start3A_264] : memref<160x128xf32, #tpu.memory_space<vmem>> -> memref<40x128xf32, #tpu.memory_space<vmem>>
      %dma_start3A_266 = arith.constant 40 : i32
      %dma_start3A_267 = tpu.memref_slice %arg7[%dma_start3A_266] : memref<160xi32, #tpu.memory_space<vmem>> -> memref<40xi32, #tpu.memory_space<vmem>>
      %dma_start3A_268 = arith.constant 0 : i32
      %dma_start3A_269 = arith.constant 0 : i32
      %dma_start3A_270 = tpu.memref_slice %arg2[%dma_start3A_268, %dma_start3A_269] : memref<10000x128xf32, #tpu.memory_space<hbm>> -> memref<10000x128xf32, #tpu.memory_space<hbm>>
      tpu.enqueue_indirect_dma source(%dma_start3A_270 : memref<10000x128xf32, #tpu.memory_space<hbm>>) target(%dma_start3A_265 : memref<40x128xf32, #tpu.memory_space<vmem>>) offsets(%dma_start3A_267 : memref<40xi32, #tpu.memory_space<vmem>>) semaphore(%arg24 : memref<!tpu.dma_semaphore, #tpu.memory_space<semaphore_mem>>)
      %dma_start3A_271 = arith.constant 80 : i32
      %dma_start3A_272 = arith.constant 0 : i32
      %dma_start3A_273 = tpu.memref_slice %arg13[%dma_start3A_271, %dma_start3A_272] : memref<160x128xf32, #tpu.memory_space<vmem>> -> memref<40x128xf32, #tpu.memory_space<vmem>>
      %dma_start3A_274 = arith.constant 80 : i32
      %dma_start3A_275 = tpu.memref_slice %arg7[%dma_start3A_274] : memref<160xi32, #tpu.memory_space<vmem>> -> memref<40xi32, #tpu.memory_space<vmem>>
      %dma_start3A_276 = arith.constant 0 : i32
      %dma_start3A_277 = arith.constant 0 : i32
      %dma_start3A_278 = tpu.memref_slice %arg2[%dma_start3A_276, %dma_start3A_277] : memref<10000x128xf32, #tpu.memory_space<hbm>> -> memref<10000x128xf32, #tpu.memory_space<hbm>>
      tpu.enqueue_indirect_dma source(%dma_start3A_278 : memref<10000x128xf32, #tpu.memory_space<hbm>>) target(%dma_start3A_273 : memref<40x128xf32, #tpu.memory_space<vmem>>) offsets(%dma_start3A_275 : memref<40xi32, #tpu.memory_space<vmem>>) semaphore(%arg16 : memref<!tpu.dma_semaphore, #tpu.memory_space<semaphore_mem>>)
      %dma_start3A_279 = arith.constant 120 : i32
      %dma_start3A_280 = arith.constant 0 : i32
      %dma_start3A_281 = tpu.memref_slice %arg13[%dma_start3A_279, %dma_start3A_280] : memref<160x128xf32, #tpu.memory_space<vmem>> -> memref<40x128xf32, #tpu.memory_space<vmem>>
      %dma_start3A_282 = arith.constant 120 : i32
      %dma_start3A_283 = tpu.memref_slice %arg7[%dma_start3A_282] : memref<160xi32, #tpu.memory_space<vmem>> -> memref<40xi32, #tpu.memory_space<vmem>>
      %dma_start3A_284 = arith.constant 0 : i32
      %dma_start3A_285 = arith.constant 0 : i32
      %dma_start3A_286 = tpu.memref_slice %arg2[%dma_start3A_284, %dma_start3A_285] : memref<10000x128xf32, #tpu.memory_space<hbm>> -> memref<10000x128xf32, #tpu.memory_space<hbm>>
      tpu.enqueue_indirect_dma source(%dma_start3A_286 : memref<10000x128xf32, #tpu.memory_space<hbm>>) target(%dma_start3A_281 : memref<40x128xf32, #tpu.memory_space<vmem>>) offsets(%dma_start3A_283 : memref<40xi32, #tpu.memory_space<vmem>>) semaphore(%arg24 : memref<!tpu.dma_semaphore, #tpu.memory_space<semaphore_mem>>)
      %dma_wait3A_287 = arith.constant 0 : i32
      %dma_wait3A_288 = arith.constant 0 : i32
      %dma_wait3A_289 = tpu.memref_slice %arg14[%dma_wait3A_287, %dma_wait3A_288] : memref<160x128xf32, #tpu.memory_space<vmem>> -> memref<80x128xf32, #tpu.memory_space<vmem>>
      %dma_wait3A_290 = arith.constant 0 : i32
      %dma_wait3A_291 = arith.constant 0 : i32
      %dma_wait3A_292 = tpu.memref_slice %arg15[%dma_wait3A_290, %dma_wait3A_291] : memref<10240x128xf32, #tpu.memory_space<vmem_shared>> -> memref<10240x128xf32, #tpu.memory_space<vmem_shared>>
      tpu.wait_indirect_dma semaphore(%arg19 : memref<!tpu.dma_semaphore, #tpu.memory_space<semaphore_mem>>) src(%dma_wait3A_289 : memref<80x128xf32, #tpu.memory_space<vmem>>) dst(%dma_wait3A_292 : memref<10240x128xf32, #tpu.memory_space<vmem_shared>>)
      %dma_wait3A_293 = arith.constant 80 : i32
      %dma_wait3A_294 = arith.constant 0 : i32
      %dma_wait3A_295 = tpu.memref_slice %arg14[%dma_wait3A_293, %dma_wait3A_294] : memref<160x128xf32, #tpu.memory_space<vmem>> -> memref<80x128xf32, #tpu.memory_space<vmem>>
      %dma_wait3A_296 = arith.constant 0 : i32
      %dma_wait3A_297 = arith.constant 0 : i32
      %dma_wait3A_298 = tpu.memref_slice %arg15[%dma_wait3A_296, %dma_wait3A_297] : memref<10240x128xf32, #tpu.memory_space<vmem_shared>> -> memref<10240x128xf32, #tpu.memory_space<vmem_shared>>
      tpu.wait_indirect_dma semaphore(%arg19 : memref<!tpu.dma_semaphore, #tpu.memory_space<semaphore_mem>>) src(%dma_wait3A_295 : memref<80x128xf32, #tpu.memory_space<vmem>>) dst(%dma_wait3A_298 : memref<10240x128xf32, #tpu.memory_space<vmem_shared>>)
      %dma_wait3A_299 = arith.constant 0 : i32
      %dma_wait3A_300 = arith.constant 0 : i32
      %dma_wait3A_301 = tpu.memref_slice %arg13[%dma_wait3A_299, %dma_wait3A_300] : memref<160x128xf32, #tpu.memory_space<vmem>> -> memref<40x128xf32, #tpu.memory_space<vmem>>
      %dma_wait3A_302 = arith.constant 0 : i32
      %dma_wait3A_303 = tpu.memref_slice %arg7[%dma_wait3A_302] : memref<160xi32, #tpu.memory_space<vmem>> -> memref<40xi32, #tpu.memory_space<vmem>>
      %dma_wait3A_304 = arith.constant 0 : i32
      %dma_wait3A_305 = arith.constant 0 : i32
      %dma_wait3A_306 = tpu.memref_slice %arg2[%dma_wait3A_304, %dma_wait3A_305] : memref<10000x128xf32, #tpu.memory_space<hbm>> -> memref<10000x128xf32, #tpu.memory_space<hbm>>
      tpu.wait_indirect_dma semaphore(%arg16 : memref<!tpu.dma_semaphore, #tpu.memory_space<semaphore_mem>>) src(%dma_wait3A_306 : memref<10000x128xf32, #tpu.memory_space<hbm>>) dst(%dma_wait3A_301 : memref<40x128xf32, #tpu.memory_space<vmem>>)
      %dma_wait3A_307 = arith.constant 40 : i32
      %dma_wait3A_308 = arith.constant 0 : i32
      %dma_wait3A_309 = tpu.memref_slice %arg13[%dma_wait3A_307, %dma_wait3A_308] : memref<160x128xf32, #tpu.memory_space<vmem>> -> memref<40x128xf32, #tpu.memory_space<vmem>>
      %dma_wait3A_310 = arith.constant 40 : i32
      %dma_wait3A_311 = tpu.memref_slice %arg7[%dma_wait3A_310] : memref<160xi32, #tpu.memory_space<vmem>> -> memref<40xi32, #tpu.memory_space<vmem>>
      %dma_wait3A_312 = arith.constant 0 : i32
      %dma_wait3A_313 = arith.constant 0 : i32
      %dma_wait3A_314 = tpu.memref_slice %arg2[%dma_wait3A_312, %dma_wait3A_313] : memref<10000x128xf32, #tpu.memory_space<hbm>> -> memref<10000x128xf32, #tpu.memory_space<hbm>>
      tpu.wait_indirect_dma semaphore(%arg24 : memref<!tpu.dma_semaphore, #tpu.memory_space<semaphore_mem>>) src(%dma_wait3A_314 : memref<10000x128xf32, #tpu.memory_space<hbm>>) dst(%dma_wait3A_309 : memref<40x128xf32, #tpu.memory_space<vmem>>)
      %dma_start3A_315 = arith.constant 0 : i32
      %dma_start3A_316 = arith.constant 0 : i32
      %dma_start3A_317 = tpu.memref_slice %arg13[%dma_start3A_315, %dma_start3A_316] : memref<160x128xf32, #tpu.memory_space<vmem>> -> memref<80x128xf32, #tpu.memory_space<vmem>>
      %dma_start3A_318 = arith.constant 0 : i32
      %dma_start3A_319 = arith.constant 0 : i32
      %dma_start3A_320 = tpu.memref_slice %arg15[%dma_start3A_318, %dma_start3A_319] : memref<10240x128xf32, #tpu.memory_space<vmem_shared>> -> memref<10240x128xf32, #tpu.memory_space<vmem_shared>>
      tpu.enqueue_indirect_dma source(%dma_start3A_317 : memref<80x128xf32, #tpu.memory_space<vmem>>) target(%dma_start3A_320 : memref<10240x128xf32, #tpu.memory_space<vmem_shared>>) offsets(%arg9 : memref<80xi32, #tpu.memory_space<vmem>>) semaphore(%arg18 : memref<!tpu.dma_semaphore, #tpu.memory_space<semaphore_mem>>) {add = true}
      %dma_wait3A_321 = arith.constant 80 : i32
      %dma_wait3A_322 = arith.constant 0 : i32
      %dma_wait3A_323 = tpu.memref_slice %arg13[%dma_wait3A_321, %dma_wait3A_322] : memref<160x128xf32, #tpu.memory_space<vmem>> -> memref<40x128xf32, #tpu.memory_space<vmem>>
      %dma_wait3A_324 = arith.constant 80 : i32
      %dma_wait3A_325 = tpu.memref_slice %arg7[%dma_wait3A_324] : memref<160xi32, #tpu.memory_space<vmem>> -> memref<40xi32, #tpu.memory_space<vmem>>
      %dma_wait3A_326 = arith.constant 0 : i32
      %dma_wait3A_327 = arith.constant 0 : i32
      %dma_wait3A_328 = tpu.memref_slice %arg2[%dma_wait3A_326, %dma_wait3A_327] : memref<10000x128xf32, #tpu.memory_space<hbm>> -> memref<10000x128xf32, #tpu.memory_space<hbm>>
      tpu.wait_indirect_dma semaphore(%arg16 : memref<!tpu.dma_semaphore, #tpu.memory_space<semaphore_mem>>) src(%dma_wait3A_328 : memref<10000x128xf32, #tpu.memory_space<hbm>>) dst(%dma_wait3A_323 : memref<40x128xf32, #tpu.memory_space<vmem>>)
      %dma_wait3A_329 = arith.constant 120 : i32
      %dma_wait3A_330 = arith.constant 0 : i32
      %dma_wait3A_331 = tpu.memref_slice %arg13[%dma_wait3A_329, %dma_wait3A_330] : memref<160x128xf32, #tpu.memory_space<vmem>> -> memref<40x128xf32, #tpu.memory_space<vmem>>
      %dma_wait3A_332 = arith.constant 120 : i32
      %dma_wait3A_333 = tpu.memref_slice %arg7[%dma_wait3A_332] : memref<160xi32, #tpu.memory_space<vmem>> -> memref<40xi32, #tpu.memory_space<vmem>>
      %dma_wait3A_334 = arith.constant 0 : i32
      %dma_wait3A_335 = arith.constant 0 : i32
      %dma_wait3A_336 = tpu.memref_slice %arg2[%dma_wait3A_334, %dma_wait3A_335] : memref<10000x128xf32, #tpu.memory_space<hbm>> -> memref<10000x128xf32, #tpu.memory_space<hbm>>
      tpu.wait_indirect_dma semaphore(%arg24 : memref<!tpu.dma_semaphore, #tpu.memory_space<semaphore_mem>>) src(%dma_wait3A_336 : memref<10000x128xf32, #tpu.memory_space<hbm>>) dst(%dma_wait3A_331 : memref<40x128xf32, #tpu.memory_space<vmem>>)
      %dma_start3A_337 = arith.constant 80 : i32
      %dma_start3A_338 = arith.constant 0 : i32
      %dma_start3A_339 = tpu.memref_slice %arg13[%dma_start3A_337, %dma_start3A_338] : memref<160x128xf32, #tpu.memory_space<vmem>> -> memref<80x128xf32, #tpu.memory_space<vmem>>
      %dma_start3A_340 = arith.constant 0 : i32
      %dma_start3A_341 = arith.constant 0 : i32
      %dma_start3A_342 = tpu.memref_slice %arg15[%dma_start3A_340, %dma_start3A_341] : memref<10240x128xf32, #tpu.memory_space<vmem_shared>> -> memref<10240x128xf32, #tpu.memory_space<vmem_shared>>
      tpu.enqueue_indirect_dma source(%dma_start3A_339 : memref<80x128xf32, #tpu.memory_space<vmem>>) target(%dma_start3A_342 : memref<10240x128xf32, #tpu.memory_space<vmem_shared>>) offsets(%arg10 : memref<80xi32, #tpu.memory_space<vmem>>) semaphore(%arg18 : memref<!tpu.dma_semaphore, #tpu.memory_space<semaphore_mem>>) {add = true}
      %dma_wait3A_343 = arith.constant 0 : i32
      %dma_wait3A_344 = arith.constant 0 : i32
      %dma_wait3A_345 = tpu.memref_slice %arg13[%dma_wait3A_343, %dma_wait3A_344] : memref<160x128xf32, #tpu.memory_space<vmem>> -> memref<80x128xf32, #tpu.memory_space<vmem>>
      %dma_wait3A_346 = arith.constant 0 : i32
      %dma_wait3A_347 = arith.constant 0 : i32
      %dma_wait3A_348 = tpu.memref_slice %arg15[%dma_wait3A_346, %dma_wait3A_347] : memref<10240x128xf32, #tpu.memory_space<vmem_shared>> -> memref<10240x128xf32, #tpu.memory_space<vmem_shared>>
      tpu.wait_indirect_dma semaphore(%arg18 : memref<!tpu.dma_semaphore, #tpu.memory_space<semaphore_mem>>) src(%dma_wait3A_345 : memref<80x128xf32, #tpu.memory_space<vmem>>) dst(%dma_wait3A_348 : memref<10240x128xf32, #tpu.memory_space<vmem_shared>>)
      %dma_wait3A_349 = arith.constant 80 : i32
      %dma_wait3A_350 = arith.constant 0 : i32
      %dma_wait3A_351 = tpu.memref_slice %arg13[%dma_wait3A_349, %dma_wait3A_350] : memref<160x128xf32, #tpu.memory_space<vmem>> -> memref<80x128xf32, #tpu.memory_space<vmem>>
      %dma_wait3A_352 = arith.constant 0 : i32
      %dma_wait3A_353 = arith.constant 0 : i32
      %dma_wait3A_354 = tpu.memref_slice %arg15[%dma_wait3A_352, %dma_wait3A_353] : memref<10240x128xf32, #tpu.memory_space<vmem_shared>> -> memref<10240x128xf32, #tpu.memory_space<vmem_shared>>
      tpu.wait_indirect_dma semaphore(%arg18 : memref<!tpu.dma_semaphore, #tpu.memory_space<semaphore_mem>>) src(%dma_wait3A_351 : memref<80x128xf32, #tpu.memory_space<vmem>>) dst(%dma_wait3A_354 : memref<10240x128xf32, #tpu.memory_space<vmem_shared>>)
    } else {
    }
    %eq3A_42 = arith.constant 1 : i32
    %eq3A_43 = arith.cmpi eq, %arg0, %eq3A_42 : i32
    %convert_element_type3A_44 = arith.extui %eq3A_43 : i1 to i32
    %cond3A_45 = arith.constant 0 : i32
    %cond3A_46 = arith.cmpi ne, %convert_element_type3A_44, %cond3A_45 : i32
    scf.if %cond3A_46 {
      %dma_wait3A = tpu.memref_slice %arg4[%mul3A_0] : memref<320000xi32, #tpu.memory_space<hbm>> -> memref<160xi32, #tpu.memory_space<hbm>>
      %dma_wait3A_53 = tpu.memref_slice %arg4[%mul3A_0] : memref<320000xi32, #tpu.memory_space<hbm>> -> memref<160xi32, #tpu.memory_space<hbm>>
      tpu.wait_dma2 semaphore(%arg20 : memref<!tpu.dma_semaphore, #tpu.memory_space<semaphore_mem>>) src(%dma_wait3A_53 : memref<160xi32, #tpu.memory_space<hbm>>) dst(%arg7 : memref<160xi32, #tpu.memory_space<vmem>>)
      %dma_wait3A_54 = tpu.memref_slice %arg5[%mul3A_0] : memref<320000xi32, #tpu.memory_space<hbm>> -> memref<80xi32, #tpu.memory_space<hbm>>
      %dma_wait3A_55 = tpu.memref_slice %arg5[%mul3A_0] : memref<320000xi32, #tpu.memory_space<hbm>> -> memref<80xi32, #tpu.memory_space<hbm>>
      tpu.wait_dma2 semaphore(%arg22 : memref<!tpu.dma_semaphore, #tpu.memory_space<semaphore_mem>>) src(%dma_wait3A_55 : memref<80xi32, #tpu.memory_space<hbm>>) dst(%arg9 : memref<80xi32, #tpu.memory_space<vmem>>)
      %dma_wait3A_56 = tpu.memref_slice %arg5[%mul3A_0] : memref<320000xi32, #tpu.memory_space<hbm>> -> memref<80xi32, #tpu.memory_space<hbm>>
      %dma_wait3A_57 = tpu.memref_slice %arg5[%mul3A_0] : memref<320000xi32, #tpu.memory_space<hbm>> -> memref<80xi32, #tpu.memory_space<hbm>>
      tpu.wait_dma2 semaphore(%arg22 : memref<!tpu.dma_semaphore, #tpu.memory_space<semaphore_mem>>) src(%dma_wait3A_57 : memref<80xi32, #tpu.memory_space<hbm>>) dst(%arg10 : memref<80xi32, #tpu.memory_space<vmem>>)
      %dma_start3A_58 = arith.constant 0 : i32
      %dma_start3A_59 = arith.constant 0 : i32
      %dma_start3A_60 = tpu.memref_slice %arg13[%dma_start3A_58, %dma_start3A_59] : memref<160x128xf32, #tpu.memory_space<vmem>> -> memref<40x128xf32, #tpu.memory_space<vmem>>
      %dma_start3A_61 = arith.constant 0 : i32
      %dma_start3A_62 = tpu.memref_slice %arg7[%dma_start3A_61] : memref<160xi32, #tpu.memory_space<vmem>> -> memref<40xi32, #tpu.memory_space<vmem>>
      %dma_start3A_63 = arith.constant 0 : i32
      %dma_start3A_64 = arith.constant 0 : i32
      %dma_start3A_65 = tpu.memref_slice %arg3[%dma_start3A_63, %dma_start3A_64] : memref<10000x128xf32, #tpu.memory_space<hbm>> -> memref<10000x128xf32, #tpu.memory_space<hbm>>
      tpu.enqueue_indirect_dma source(%dma_start3A_65 : memref<10000x128xf32, #tpu.memory_space<hbm>>) target(%dma_start3A_60 : memref<40x128xf32, #tpu.memory_space<vmem>>) offsets(%dma_start3A_62 : memref<40xi32, #tpu.memory_space<vmem>>) semaphore(%arg16 : memref<!tpu.dma_semaphore, #tpu.memory_space<semaphore_mem>>)
      %dma_start3A_66 = arith.constant 40 : i32
      %dma_start3A_67 = arith.constant 0 : i32
      %dma_start3A_68 = tpu.memref_slice %arg13[%dma_start3A_66, %dma_start3A_67] : memref<160x128xf32, #tpu.memory_space<vmem>> -> memref<40x128xf32, #tpu.memory_space<vmem>>
      %dma_start3A_69 = arith.constant 40 : i32
      %dma_start3A_70 = tpu.memref_slice %arg7[%dma_start3A_69] : memref<160xi32, #tpu.memory_space<vmem>> -> memref<40xi32, #tpu.memory_space<vmem>>
      %dma_start3A_71 = arith.constant 0 : i32
      %dma_start3A_72 = arith.constant 0 : i32
      %dma_start3A_73 = tpu.memref_slice %arg3[%dma_start3A_71, %dma_start3A_72] : memref<10000x128xf32, #tpu.memory_space<hbm>> -> memref<10000x128xf32, #tpu.memory_space<hbm>>
      tpu.enqueue_indirect_dma source(%dma_start3A_73 : memref<10000x128xf32, #tpu.memory_space<hbm>>) target(%dma_start3A_68 : memref<40x128xf32, #tpu.memory_space<vmem>>) offsets(%dma_start3A_70 : memref<40xi32, #tpu.memory_space<vmem>>) semaphore(%arg24 : memref<!tpu.dma_semaphore, #tpu.memory_space<semaphore_mem>>)
      %dma_start3A_74 = arith.constant 80 : i32
      %dma_start3A_75 = arith.constant 0 : i32
      %dma_start3A_76 = tpu.memref_slice %arg13[%dma_start3A_74, %dma_start3A_75] : memref<160x128xf32, #tpu.memory_space<vmem>> -> memref<40x128xf32, #tpu.memory_space<vmem>>
      %dma_start3A_77 = arith.constant 80 : i32
      %dma_start3A_78 = tpu.memref_slice %arg7[%dma_start3A_77] : memref<160xi32, #tpu.memory_space<vmem>> -> memref<40xi32, #tpu.memory_space<vmem>>
      %dma_start3A_79 = arith.constant 0 : i32
      %dma_start3A_80 = arith.constant 0 : i32
      %dma_start3A_81 = tpu.memref_slice %arg3[%dma_start3A_79, %dma_start3A_80] : memref<10000x128xf32, #tpu.memory_space<hbm>> -> memref<10000x128xf32, #tpu.memory_space<hbm>>
      tpu.enqueue_indirect_dma source(%dma_start3A_81 : memref<10000x128xf32, #tpu.memory_space<hbm>>) target(%dma_start3A_76 : memref<40x128xf32, #tpu.memory_space<vmem>>) offsets(%dma_start3A_78 : memref<40xi32, #tpu.memory_space<vmem>>) semaphore(%arg16 : memref<!tpu.dma_semaphore, #tpu.memory_space<semaphore_mem>>)
      %dma_start3A_82 = arith.constant 120 : i32
      %dma_start3A_83 = arith.constant 0 : i32
      %dma_start3A_84 = tpu.memref_slice %arg13[%dma_start3A_82, %dma_start3A_83] : memref<160x128xf32, #tpu.memory_space<vmem>> -> memref<40x128xf32, #tpu.memory_space<vmem>>
      %dma_start3A_85 = arith.constant 120 : i32
      %dma_start3A_86 = tpu.memref_slice %arg7[%dma_start3A_85] : memref<160xi32, #tpu.memory_space<vmem>> -> memref<40xi32, #tpu.memory_space<vmem>>
      %dma_start3A_87 = arith.constant 0 : i32
      %dma_start3A_88 = arith.constant 0 : i32
      %dma_start3A_89 = tpu.memref_slice %arg3[%dma_start3A_87, %dma_start3A_88] : memref<10000x128xf32, #tpu.memory_space<hbm>> -> memref<10000x128xf32, #tpu.memory_space<hbm>>
      tpu.enqueue_indirect_dma source(%dma_start3A_89 : memref<10000x128xf32, #tpu.memory_space<hbm>>) target(%dma_start3A_84 : memref<40x128xf32, #tpu.memory_space<vmem>>) offsets(%dma_start3A_86 : memref<40xi32, #tpu.memory_space<vmem>>) semaphore(%arg24 : memref<!tpu.dma_semaphore, #tpu.memory_space<semaphore_mem>>)
      %scan3A_90 = arith.constant 0 : i32
      %scan3A_91 = arith.constant 61 : i32
      %scan3A_92 = arith.addi %scan3A_90, %scan3A_91 : i32
      %scan3A_93 = arith.constant 1 : i32
      scf.for %scan3A_355 = %scan3A_90 to %scan3A_92 step %scan3A_93  : i32 {
        %mul3A_356 = arith.constant 2 : i32
        %mul3A_357 = arith.muli %scan3A_355, %mul3A_356 : i32
        %dma_wait3A_358 = arith.constant 0 : i32
        %dma_wait3A_359 = arith.constant 0 : i32
        %dma_wait3A_360 = tpu.memref_slice %arg13[%dma_wait3A_358, %dma_wait3A_359] : memref<160x128xf32, #tpu.memory_space<vmem>> -> memref<40x128xf32, #tpu.memory_space<vmem>>
        %dma_wait3A_361 = arith.constant 0 : i32
        %dma_wait3A_362 = tpu.memref_slice %arg7[%dma_wait3A_361] : memref<160xi32, #tpu.memory_space<vmem>> -> memref<40xi32, #tpu.memory_space<vmem>>
        %dma_wait3A_363 = arith.constant 0 : i32
        %dma_wait3A_364 = arith.constant 0 : i32
        %dma_wait3A_365 = tpu.memref_slice %arg3[%dma_wait3A_363, %dma_wait3A_364] : memref<10000x128xf32, #tpu.memory_space<hbm>> -> memref<10000x128xf32, #tpu.memory_space<hbm>>
        tpu.wait_indirect_dma semaphore(%arg16 : memref<!tpu.dma_semaphore, #tpu.memory_space<semaphore_mem>>) src(%dma_wait3A_365 : memref<10000x128xf32, #tpu.memory_space<hbm>>) dst(%dma_wait3A_360 : memref<40x128xf32, #tpu.memory_space<vmem>>)
        %dma_wait3A_366 = arith.constant 40 : i32
        %dma_wait3A_367 = arith.constant 0 : i32
        %dma_wait3A_368 = tpu.memref_slice %arg13[%dma_wait3A_366, %dma_wait3A_367] : memref<160x128xf32, #tpu.memory_space<vmem>> -> memref<40x128xf32, #tpu.memory_space<vmem>>
        %dma_wait3A_369 = arith.constant 40 : i32
        %dma_wait3A_370 = tpu.memref_slice %arg7[%dma_wait3A_369] : memref<160xi32, #tpu.memory_space<vmem>> -> memref<40xi32, #tpu.memory_space<vmem>>
        %dma_wait3A_371 = arith.constant 0 : i32
        %dma_wait3A_372 = arith.constant 0 : i32
        %dma_wait3A_373 = tpu.memref_slice %arg3[%dma_wait3A_371, %dma_wait3A_372] : memref<10000x128xf32, #tpu.memory_space<hbm>> -> memref<10000x128xf32, #tpu.memory_space<hbm>>
        tpu.wait_indirect_dma semaphore(%arg24 : memref<!tpu.dma_semaphore, #tpu.memory_space<semaphore_mem>>) src(%dma_wait3A_373 : memref<10000x128xf32, #tpu.memory_space<hbm>>) dst(%dma_wait3A_368 : memref<40x128xf32, #tpu.memory_space<vmem>>)
        %dma_start3A_374 = arith.constant 0 : i32
        %dma_start3A_375 = arith.constant 0 : i32
        %dma_start3A_376 = tpu.memref_slice %arg13[%dma_start3A_374, %dma_start3A_375] : memref<160x128xf32, #tpu.memory_space<vmem>> -> memref<80x128xf32, #tpu.memory_space<vmem>>
        %dma_start3A_377 = arith.constant 0 : i32
        %dma_start3A_378 = arith.constant 0 : i32
        %dma_start3A_379 = tpu.memref_slice %arg15[%dma_start3A_377, %dma_start3A_378] : memref<10240x128xf32, #tpu.memory_space<vmem_shared>> -> memref<10240x128xf32, #tpu.memory_space<vmem_shared>>
        tpu.enqueue_indirect_dma source(%dma_start3A_376 : memref<80x128xf32, #tpu.memory_space<vmem>>) target(%dma_start3A_379 : memref<10240x128xf32, #tpu.memory_space<vmem_shared>>) offsets(%arg9 : memref<80xi32, #tpu.memory_space<vmem>>) semaphore(%arg18 : memref<!tpu.dma_semaphore, #tpu.memory_space<semaphore_mem>>) {add = true}
        %dma_wait3A_380 = arith.constant 80 : i32
        %dma_wait3A_381 = arith.constant 0 : i32
        %dma_wait3A_382 = tpu.memref_slice %arg13[%dma_wait3A_380, %dma_wait3A_381] : memref<160x128xf32, #tpu.memory_space<vmem>> -> memref<40x128xf32, #tpu.memory_space<vmem>>
        %dma_wait3A_383 = arith.constant 80 : i32
        %dma_wait3A_384 = tpu.memref_slice %arg7[%dma_wait3A_383] : memref<160xi32, #tpu.memory_space<vmem>> -> memref<40xi32, #tpu.memory_space<vmem>>
        %dma_wait3A_385 = arith.constant 0 : i32
        %dma_wait3A_386 = arith.constant 0 : i32
        %dma_wait3A_387 = tpu.memref_slice %arg3[%dma_wait3A_385, %dma_wait3A_386] : memref<10000x128xf32, #tpu.memory_space<hbm>> -> memref<10000x128xf32, #tpu.memory_space<hbm>>
        tpu.wait_indirect_dma semaphore(%arg16 : memref<!tpu.dma_semaphore, #tpu.memory_space<semaphore_mem>>) src(%dma_wait3A_387 : memref<10000x128xf32, #tpu.memory_space<hbm>>) dst(%dma_wait3A_382 : memref<40x128xf32, #tpu.memory_space<vmem>>)
        %dma_wait3A_388 = arith.constant 120 : i32
        %dma_wait3A_389 = arith.constant 0 : i32
        %dma_wait3A_390 = tpu.memref_slice %arg13[%dma_wait3A_388, %dma_wait3A_389] : memref<160x128xf32, #tpu.memory_space<vmem>> -> memref<40x128xf32, #tpu.memory_space<vmem>>
        %dma_wait3A_391 = arith.constant 120 : i32
        %dma_wait3A_392 = tpu.memref_slice %arg7[%dma_wait3A_391] : memref<160xi32, #tpu.memory_space<vmem>> -> memref<40xi32, #tpu.memory_space<vmem>>
        %dma_wait3A_393 = arith.constant 0 : i32
        %dma_wait3A_394 = arith.constant 0 : i32
        %dma_wait3A_395 = tpu.memref_slice %arg3[%dma_wait3A_393, %dma_wait3A_394] : memref<10000x128xf32, #tpu.memory_space<hbm>> -> memref<10000x128xf32, #tpu.memory_space<hbm>>
        tpu.wait_indirect_dma semaphore(%arg24 : memref<!tpu.dma_semaphore, #tpu.memory_space<semaphore_mem>>) src(%dma_wait3A_395 : memref<10000x128xf32, #tpu.memory_space<hbm>>) dst(%dma_wait3A_390 : memref<40x128xf32, #tpu.memory_space<vmem>>)
        %dma_start3A_396 = arith.constant 80 : i32
        %dma_start3A_397 = arith.constant 0 : i32
        %dma_start3A_398 = tpu.memref_slice %arg13[%dma_start3A_396, %dma_start3A_397] : memref<160x128xf32, #tpu.memory_space<vmem>> -> memref<80x128xf32, #tpu.memory_space<vmem>>
        %dma_start3A_399 = arith.constant 0 : i32
        %dma_start3A_400 = arith.constant 0 : i32
        %dma_start3A_401 = tpu.memref_slice %arg15[%dma_start3A_399, %dma_start3A_400] : memref<10240x128xf32, #tpu.memory_space<vmem_shared>> -> memref<10240x128xf32, #tpu.memory_space<vmem_shared>>
        tpu.enqueue_indirect_dma source(%dma_start3A_398 : memref<80x128xf32, #tpu.memory_space<vmem>>) target(%dma_start3A_401 : memref<10240x128xf32, #tpu.memory_space<vmem_shared>>) offsets(%arg10 : memref<80xi32, #tpu.memory_space<vmem>>) semaphore(%arg18 : memref<!tpu.dma_semaphore, #tpu.memory_space<semaphore_mem>>) {add = true}
        %add3A_402 = arith.constant 2 : i32
        %add3A_403 = arith.addi %mul3A_357, %add3A_402 : i32
        %mul3A_404 = arith.constant 160 : i32
        %mul3A_405 = arith.muli %add3A_403, %mul3A_404 : i32
        %add3A_406 = arith.addi %mul3A_0, %mul3A_405 : i32
        %dma_start3A_407 = tpu.memref_slice %arg4[%add3A_406] : memref<320000xi32, #tpu.memory_space<hbm>> -> memref<160xi32, #tpu.memory_space<hbm>>
        %dma_start3A_408 = tpu.memref_slice %arg4[%add3A_406] : memref<320000xi32, #tpu.memory_space<hbm>> -> memref<160xi32, #tpu.memory_space<hbm>>
        tpu.enqueue_dma source(%dma_start3A_408 : memref<160xi32, #tpu.memory_space<hbm>>) target(%arg7 : memref<160xi32, #tpu.memory_space<vmem>>) target_semaphore(%arg20 : memref<!tpu.dma_semaphore, #tpu.memory_space<semaphore_mem>>)
        %dma_wait3A_409 = tpu.memref_slice %arg4[%mul3A_0] : memref<320000xi32, #tpu.memory_space<hbm>> -> memref<160xi32, #tpu.memory_space<hbm>>
        %dma_wait3A_410 = tpu.memref_slice %arg4[%mul3A_0] : memref<320000xi32, #tpu.memory_space<hbm>> -> memref<160xi32, #tpu.memory_space<hbm>>
        tpu.wait_dma2 semaphore(%arg21 : memref<!tpu.dma_semaphore, #tpu.memory_space<semaphore_mem>>) src(%dma_wait3A_410 : memref<160xi32, #tpu.memory_space<hbm>>) dst(%arg8 : memref<160xi32, #tpu.memory_space<vmem>>)
        %dma_wait3A_411 = tpu.memref_slice %arg5[%mul3A_0] : memref<320000xi32, #tpu.memory_space<hbm>> -> memref<80xi32, #tpu.memory_space<hbm>>
        %dma_wait3A_412 = tpu.memref_slice %arg5[%mul3A_0] : memref<320000xi32, #tpu.memory_space<hbm>> -> memref<80xi32, #tpu.memory_space<hbm>>
        tpu.wait_dma2 semaphore(%arg23 : memref<!tpu.dma_semaphore, #tpu.memory_space<semaphore_mem>>) src(%dma_wait3A_412 : memref<80xi32, #tpu.memory_space<hbm>>) dst(%arg11 : memref<80xi32, #tpu.memory_space<vmem>>)
        %dma_wait3A_413 = tpu.memref_slice %arg5[%mul3A_0] : memref<320000xi32, #tpu.memory_space<hbm>> -> memref<80xi32, #tpu.memory_space<hbm>>
        %dma_wait3A_414 = tpu.memref_slice %arg5[%mul3A_0] : memref<320000xi32, #tpu.memory_space<hbm>> -> memref<80xi32, #tpu.memory_space<hbm>>
        tpu.wait_dma2 semaphore(%arg23 : memref<!tpu.dma_semaphore, #tpu.memory_space<semaphore_mem>>) src(%dma_wait3A_414 : memref<80xi32, #tpu.memory_space<hbm>>) dst(%arg12 : memref<80xi32, #tpu.memory_space<vmem>>)
        %dma_start3A_415 = arith.constant 0 : i32
        %dma_start3A_416 = arith.constant 0 : i32
        %dma_start3A_417 = tpu.memref_slice %arg14[%dma_start3A_415, %dma_start3A_416] : memref<160x128xf32, #tpu.memory_space<vmem>> -> memref<40x128xf32, #tpu.memory_space<vmem>>
        %dma_start3A_418 = arith.constant 0 : i32
        %dma_start3A_419 = tpu.memref_slice %arg8[%dma_start3A_418] : memref<160xi32, #tpu.memory_space<vmem>> -> memref<40xi32, #tpu.memory_space<vmem>>
        %dma_start3A_420 = arith.constant 0 : i32
        %dma_start3A_421 = arith.constant 0 : i32
        %dma_start3A_422 = tpu.memref_slice %arg3[%dma_start3A_420, %dma_start3A_421] : memref<10000x128xf32, #tpu.memory_space<hbm>> -> memref<10000x128xf32, #tpu.memory_space<hbm>>
        tpu.enqueue_indirect_dma source(%dma_start3A_422 : memref<10000x128xf32, #tpu.memory_space<hbm>>) target(%dma_start3A_417 : memref<40x128xf32, #tpu.memory_space<vmem>>) offsets(%dma_start3A_419 : memref<40xi32, #tpu.memory_space<vmem>>) semaphore(%arg17 : memref<!tpu.dma_semaphore, #tpu.memory_space<semaphore_mem>>)
        %dma_start3A_423 = arith.constant 40 : i32
        %dma_start3A_424 = arith.constant 0 : i32
        %dma_start3A_425 = tpu.memref_slice %arg14[%dma_start3A_423, %dma_start3A_424] : memref<160x128xf32, #tpu.memory_space<vmem>> -> memref<40x128xf32, #tpu.memory_space<vmem>>
        %dma_start3A_426 = arith.constant 40 : i32
        %dma_start3A_427 = tpu.memref_slice %arg8[%dma_start3A_426] : memref<160xi32, #tpu.memory_space<vmem>> -> memref<40xi32, #tpu.memory_space<vmem>>
        %dma_start3A_428 = arith.constant 0 : i32
        %dma_start3A_429 = arith.constant 0 : i32
        %dma_start3A_430 = tpu.memref_slice %arg3[%dma_start3A_428, %dma_start3A_429] : memref<10000x128xf32, #tpu.memory_space<hbm>> -> memref<10000x128xf32, #tpu.memory_space<hbm>>
        tpu.enqueue_indirect_dma source(%dma_start3A_430 : memref<10000x128xf32, #tpu.memory_space<hbm>>) target(%dma_start3A_425 : memref<40x128xf32, #tpu.memory_space<vmem>>) offsets(%dma_start3A_427 : memref<40xi32, #tpu.memory_space<vmem>>) semaphore(%arg25 : memref<!tpu.dma_semaphore, #tpu.memory_space<semaphore_mem>>)
        %dma_start3A_431 = arith.constant 80 : i32
        %dma_start3A_432 = arith.constant 0 : i32
        %dma_start3A_433 = tpu.memref_slice %arg14[%dma_start3A_431, %dma_start3A_432] : memref<160x128xf32, #tpu.memory_space<vmem>> -> memref<40x128xf32, #tpu.memory_space<vmem>>
        %dma_start3A_434 = arith.constant 80 : i32
        %dma_start3A_435 = tpu.memref_slice %arg8[%dma_start3A_434] : memref<160xi32, #tpu.memory_space<vmem>> -> memref<40xi32, #tpu.memory_space<vmem>>
        %dma_start3A_436 = arith.constant 0 : i32
        %dma_start3A_437 = arith.constant 0 : i32
        %dma_start3A_438 = tpu.memref_slice %arg3[%dma_start3A_436, %dma_start3A_437] : memref<10000x128xf32, #tpu.memory_space<hbm>> -> memref<10000x128xf32, #tpu.memory_space<hbm>>
        tpu.enqueue_indirect_dma source(%dma_start3A_438 : memref<10000x128xf32, #tpu.memory_space<hbm>>) target(%dma_start3A_433 : memref<40x128xf32, #tpu.memory_space<vmem>>) offsets(%dma_start3A_435 : memref<40xi32, #tpu.memory_space<vmem>>) semaphore(%arg17 : memref<!tpu.dma_semaphore, #tpu.memory_space<semaphore_mem>>)
        %dma_start3A_439 = arith.constant 120 : i32
        %dma_start3A_440 = arith.constant 0 : i32
        %dma_start3A_441 = tpu.memref_slice %arg14[%dma_start3A_439, %dma_start3A_440] : memref<160x128xf32, #tpu.memory_space<vmem>> -> memref<40x128xf32, #tpu.memory_space<vmem>>
        %dma_start3A_442 = arith.constant 120 : i32
        %dma_start3A_443 = tpu.memref_slice %arg8[%dma_start3A_442] : memref<160xi32, #tpu.memory_space<vmem>> -> memref<40xi32, #tpu.memory_space<vmem>>
        %dma_start3A_444 = arith.constant 0 : i32
        %dma_start3A_445 = arith.constant 0 : i32
        %dma_start3A_446 = tpu.memref_slice %arg3[%dma_start3A_444, %dma_start3A_445] : memref<10000x128xf32, #tpu.memory_space<hbm>> -> memref<10000x128xf32, #tpu.memory_space<hbm>>
        tpu.enqueue_indirect_dma source(%dma_start3A_446 : memref<10000x128xf32, #tpu.memory_space<hbm>>) target(%dma_start3A_441 : memref<40x128xf32, #tpu.memory_space<vmem>>) offsets(%dma_start3A_443 : memref<40xi32, #tpu.memory_space<vmem>>) semaphore(%arg25 : memref<!tpu.dma_semaphore, #tpu.memory_space<semaphore_mem>>)
        %dma_wait3A_447 = arith.constant 0 : i32
        %dma_wait3A_448 = arith.constant 0 : i32
        %dma_wait3A_449 = tpu.memref_slice %arg13[%dma_wait3A_447, %dma_wait3A_448] : memref<160x128xf32, #tpu.memory_space<vmem>> -> memref<80x128xf32, #tpu.memory_space<vmem>>
        %dma_wait3A_450 = arith.constant 0 : i32
        %dma_wait3A_451 = arith.constant 0 : i32
        %dma_wait3A_452 = tpu.memref_slice %arg15[%dma_wait3A_450, %dma_wait3A_451] : memref<10240x128xf32, #tpu.memory_space<vmem_shared>> -> memref<10240x128xf32, #tpu.memory_space<vmem_shared>>
        tpu.wait_indirect_dma semaphore(%arg18 : memref<!tpu.dma_semaphore, #tpu.memory_space<semaphore_mem>>) src(%dma_wait3A_449 : memref<80x128xf32, #tpu.memory_space<vmem>>) dst(%dma_wait3A_452 : memref<10240x128xf32, #tpu.memory_space<vmem_shared>>)
        %dma_wait3A_453 = arith.constant 80 : i32
        %dma_wait3A_454 = arith.constant 0 : i32
        %dma_wait3A_455 = tpu.memref_slice %arg13[%dma_wait3A_453, %dma_wait3A_454] : memref<160x128xf32, #tpu.memory_space<vmem>> -> memref<80x128xf32, #tpu.memory_space<vmem>>
        %dma_wait3A_456 = arith.constant 0 : i32
        %dma_wait3A_457 = arith.constant 0 : i32
        %dma_wait3A_458 = tpu.memref_slice %arg15[%dma_wait3A_456, %dma_wait3A_457] : memref<10240x128xf32, #tpu.memory_space<vmem_shared>> -> memref<10240x128xf32, #tpu.memory_space<vmem_shared>>
        tpu.wait_indirect_dma semaphore(%arg18 : memref<!tpu.dma_semaphore, #tpu.memory_space<semaphore_mem>>) src(%dma_wait3A_455 : memref<80x128xf32, #tpu.memory_space<vmem>>) dst(%dma_wait3A_458 : memref<10240x128xf32, #tpu.memory_space<vmem_shared>>)
        %add3A_459 = arith.constant 2 : i32
        %add3A_460 = arith.addi %mul3A_357, %add3A_459 : i32
        %mul3A_461 = arith.constant 160 : i32
        %mul3A_462 = arith.muli %add3A_460, %mul3A_461 : i32
        %add3A_463 = arith.addi %mul3A_0, %mul3A_462 : i32
        %add3A_464 = arith.constant 0 : i32
        %add3A_465 = arith.addi %add3A_463, %add3A_464 : i32
        %dma_start3A_466 = tpu.memref_slice %arg5[%add3A_465] : memref<320000xi32, #tpu.memory_space<hbm>> -> memref<80xi32, #tpu.memory_space<hbm>>
        %dma_start3A_467 = tpu.memref_slice %arg5[%add3A_465] : memref<320000xi32, #tpu.memory_space<hbm>> -> memref<80xi32, #tpu.memory_space<hbm>>
        tpu.enqueue_dma source(%dma_start3A_467 : memref<80xi32, #tpu.memory_space<hbm>>) target(%arg9 : memref<80xi32, #tpu.memory_space<vmem>>) target_semaphore(%arg22 : memref<!tpu.dma_semaphore, #tpu.memory_space<semaphore_mem>>)
        %mul3A_468 = arith.constant 160 : i32
        %mul3A_469 = arith.muli %add3A_460, %mul3A_468 : i32
        %add3A_470 = arith.addi %mul3A_0, %mul3A_469 : i32
        %add3A_471 = arith.constant 80 : i32
        %add3A_472 = arith.addi %add3A_470, %add3A_471 : i32
        %dma_start3A_473 = tpu.memref_slice %arg5[%add3A_472] : memref<320000xi32, #tpu.memory_space<hbm>> -> memref<80xi32, #tpu.memory_space<hbm>>
        %dma_start3A_474 = tpu.memref_slice %arg5[%add3A_472] : memref<320000xi32, #tpu.memory_space<hbm>> -> memref<80xi32, #tpu.memory_space<hbm>>
        tpu.enqueue_dma source(%dma_start3A_474 : memref<80xi32, #tpu.memory_space<hbm>>) target(%arg10 : memref<80xi32, #tpu.memory_space<vmem>>) target_semaphore(%arg22 : memref<!tpu.dma_semaphore, #tpu.memory_space<semaphore_mem>>)
        %mul3A_475 = arith.constant 2 : i32
        %mul3A_476 = arith.muli %scan3A_355, %mul3A_475 : i32
        %add3A_477 = arith.constant 1 : i32
        %add3A_478 = arith.addi %mul3A_476, %add3A_477 : i32
        %dma_wait3A_479 = arith.constant 0 : i32
        %dma_wait3A_480 = arith.constant 0 : i32
        %dma_wait3A_481 = tpu.memref_slice %arg14[%dma_wait3A_479, %dma_wait3A_480] : memref<160x128xf32, #tpu.memory_space<vmem>> -> memref<40x128xf32, #tpu.memory_space<vmem>>
        %dma_wait3A_482 = arith.constant 0 : i32
        %dma_wait3A_483 = tpu.memref_slice %arg8[%dma_wait3A_482] : memref<160xi32, #tpu.memory_space<vmem>> -> memref<40xi32, #tpu.memory_space<vmem>>
        %dma_wait3A_484 = arith.constant 0 : i32
        %dma_wait3A_485 = arith.constant 0 : i32
        %dma_wait3A_486 = tpu.memref_slice %arg3[%dma_wait3A_484, %dma_wait3A_485] : memref<10000x128xf32, #tpu.memory_space<hbm>> -> memref<10000x128xf32, #tpu.memory_space<hbm>>
        tpu.wait_indirect_dma semaphore(%arg17 : memref<!tpu.dma_semaphore, #tpu.memory_space<semaphore_mem>>) src(%dma_wait3A_486 : memref<10000x128xf32, #tpu.memory_space<hbm>>) dst(%dma_wait3A_481 : memref<40x128xf32, #tpu.memory_space<vmem>>)
        %dma_wait3A_487 = arith.constant 40 : i32
        %dma_wait3A_488 = arith.constant 0 : i32
        %dma_wait3A_489 = tpu.memref_slice %arg14[%dma_wait3A_487, %dma_wait3A_488] : memref<160x128xf32, #tpu.memory_space<vmem>> -> memref<40x128xf32, #tpu.memory_space<vmem>>
        %dma_wait3A_490 = arith.constant 40 : i32
        %dma_wait3A_491 = tpu.memref_slice %arg8[%dma_wait3A_490] : memref<160xi32, #tpu.memory_space<vmem>> -> memref<40xi32, #tpu.memory_space<vmem>>
        %dma_wait3A_492 = arith.constant 0 : i32
        %dma_wait3A_493 = arith.constant 0 : i32
        %dma_wait3A_494 = tpu.memref_slice %arg3[%dma_wait3A_492, %dma_wait3A_493] : memref<10000x128xf32, #tpu.memory_space<hbm>> -> memref<10000x128xf32, #tpu.memory_space<hbm>>
        tpu.wait_indirect_dma semaphore(%arg25 : memref<!tpu.dma_semaphore, #tpu.memory_space<semaphore_mem>>) src(%dma_wait3A_494 : memref<10000x128xf32, #tpu.memory_space<hbm>>) dst(%dma_wait3A_489 : memref<40x128xf32, #tpu.memory_space<vmem>>)
        %dma_start3A_495 = arith.constant 0 : i32
        %dma_start3A_496 = arith.constant 0 : i32
        %dma_start3A_497 = tpu.memref_slice %arg14[%dma_start3A_495, %dma_start3A_496] : memref<160x128xf32, #tpu.memory_space<vmem>> -> memref<80x128xf32, #tpu.memory_space<vmem>>
        %dma_start3A_498 = arith.constant 0 : i32
        %dma_start3A_499 = arith.constant 0 : i32
        %dma_start3A_500 = tpu.memref_slice %arg15[%dma_start3A_498, %dma_start3A_499] : memref<10240x128xf32, #tpu.memory_space<vmem_shared>> -> memref<10240x128xf32, #tpu.memory_space<vmem_shared>>
        tpu.enqueue_indirect_dma source(%dma_start3A_497 : memref<80x128xf32, #tpu.memory_space<vmem>>) target(%dma_start3A_500 : memref<10240x128xf32, #tpu.memory_space<vmem_shared>>) offsets(%arg11 : memref<80xi32, #tpu.memory_space<vmem>>) semaphore(%arg19 : memref<!tpu.dma_semaphore, #tpu.memory_space<semaphore_mem>>) {add = true}
        %dma_wait3A_501 = arith.constant 80 : i32
        %dma_wait3A_502 = arith.constant 0 : i32
        %dma_wait3A_503 = tpu.memref_slice %arg14[%dma_wait3A_501, %dma_wait3A_502] : memref<160x128xf32, #tpu.memory_space<vmem>> -> memref<40x128xf32, #tpu.memory_space<vmem>>
        %dma_wait3A_504 = arith.constant 80 : i32
        %dma_wait3A_505 = tpu.memref_slice %arg8[%dma_wait3A_504] : memref<160xi32, #tpu.memory_space<vmem>> -> memref<40xi32, #tpu.memory_space<vmem>>
        %dma_wait3A_506 = arith.constant 0 : i32
        %dma_wait3A_507 = arith.constant 0 : i32
        %dma_wait3A_508 = tpu.memref_slice %arg3[%dma_wait3A_506, %dma_wait3A_507] : memref<10000x128xf32, #tpu.memory_space<hbm>> -> memref<10000x128xf32, #tpu.memory_space<hbm>>
        tpu.wait_indirect_dma semaphore(%arg17 : memref<!tpu.dma_semaphore, #tpu.memory_space<semaphore_mem>>) src(%dma_wait3A_508 : memref<10000x128xf32, #tpu.memory_space<hbm>>) dst(%dma_wait3A_503 : memref<40x128xf32, #tpu.memory_space<vmem>>)
        %dma_wait3A_509 = arith.constant 120 : i32
        %dma_wait3A_510 = arith.constant 0 : i32
        %dma_wait3A_511 = tpu.memref_slice %arg14[%dma_wait3A_509, %dma_wait3A_510] : memref<160x128xf32, #tpu.memory_space<vmem>> -> memref<40x128xf32, #tpu.memory_space<vmem>>
        %dma_wait3A_512 = arith.constant 120 : i32
        %dma_wait3A_513 = tpu.memref_slice %arg8[%dma_wait3A_512] : memref<160xi32, #tpu.memory_space<vmem>> -> memref<40xi32, #tpu.memory_space<vmem>>
        %dma_wait3A_514 = arith.constant 0 : i32
        %dma_wait3A_515 = arith.constant 0 : i32
        %dma_wait3A_516 = tpu.memref_slice %arg3[%dma_wait3A_514, %dma_wait3A_515] : memref<10000x128xf32, #tpu.memory_space<hbm>> -> memref<10000x128xf32, #tpu.memory_space<hbm>>
        tpu.wait_indirect_dma semaphore(%arg25 : memref<!tpu.dma_semaphore, #tpu.memory_space<semaphore_mem>>) src(%dma_wait3A_516 : memref<10000x128xf32, #tpu.memory_space<hbm>>) dst(%dma_wait3A_511 : memref<40x128xf32, #tpu.memory_space<vmem>>)
        %dma_start3A_517 = arith.constant 80 : i32
        %dma_start3A_518 = arith.constant 0 : i32
        %dma_start3A_519 = tpu.memref_slice %arg14[%dma_start3A_517, %dma_start3A_518] : memref<160x128xf32, #tpu.memory_space<vmem>> -> memref<80x128xf32, #tpu.memory_space<vmem>>
        %dma_start3A_520 = arith.constant 0 : i32
        %dma_start3A_521 = arith.constant 0 : i32
        %dma_start3A_522 = tpu.memref_slice %arg15[%dma_start3A_520, %dma_start3A_521] : memref<10240x128xf32, #tpu.memory_space<vmem_shared>> -> memref<10240x128xf32, #tpu.memory_space<vmem_shared>>
        tpu.enqueue_indirect_dma source(%dma_start3A_519 : memref<80x128xf32, #tpu.memory_space<vmem>>) target(%dma_start3A_522 : memref<10240x128xf32, #tpu.memory_space<vmem_shared>>) offsets(%arg12 : memref<80xi32, #tpu.memory_space<vmem>>) semaphore(%arg19 : memref<!tpu.dma_semaphore, #tpu.memory_space<semaphore_mem>>) {add = true}
        %add3A_523 = arith.constant 2 : i32
        %add3A_524 = arith.addi %add3A_478, %add3A_523 : i32
        %mul3A_525 = arith.constant 160 : i32
        %mul3A_526 = arith.muli %add3A_524, %mul3A_525 : i32
        %add3A_527 = arith.addi %mul3A_0, %mul3A_526 : i32
        %dma_start3A_528 = tpu.memref_slice %arg4[%add3A_527] : memref<320000xi32, #tpu.memory_space<hbm>> -> memref<160xi32, #tpu.memory_space<hbm>>
        %dma_start3A_529 = tpu.memref_slice %arg4[%add3A_527] : memref<320000xi32, #tpu.memory_space<hbm>> -> memref<160xi32, #tpu.memory_space<hbm>>
        tpu.enqueue_dma source(%dma_start3A_529 : memref<160xi32, #tpu.memory_space<hbm>>) target(%arg8 : memref<160xi32, #tpu.memory_space<vmem>>) target_semaphore(%arg21 : memref<!tpu.dma_semaphore, #tpu.memory_space<semaphore_mem>>)
        %dma_wait3A_530 = tpu.memref_slice %arg4[%mul3A_0] : memref<320000xi32, #tpu.memory_space<hbm>> -> memref<160xi32, #tpu.memory_space<hbm>>
        %dma_wait3A_531 = tpu.memref_slice %arg4[%mul3A_0] : memref<320000xi32, #tpu.memory_space<hbm>> -> memref<160xi32, #tpu.memory_space<hbm>>
        tpu.wait_dma2 semaphore(%arg20 : memref<!tpu.dma_semaphore, #tpu.memory_space<semaphore_mem>>) src(%dma_wait3A_531 : memref<160xi32, #tpu.memory_space<hbm>>) dst(%arg7 : memref<160xi32, #tpu.memory_space<vmem>>)
        %dma_wait3A_532 = tpu.memref_slice %arg5[%mul3A_0] : memref<320000xi32, #tpu.memory_space<hbm>> -> memref<80xi32, #tpu.memory_space<hbm>>
        %dma_wait3A_533 = tpu.memref_slice %arg5[%mul3A_0] : memref<320000xi32, #tpu.memory_space<hbm>> -> memref<80xi32, #tpu.memory_space<hbm>>
        tpu.wait_dma2 semaphore(%arg22 : memref<!tpu.dma_semaphore, #tpu.memory_space<semaphore_mem>>) src(%dma_wait3A_533 : memref<80xi32, #tpu.memory_space<hbm>>) dst(%arg9 : memref<80xi32, #tpu.memory_space<vmem>>)
        %dma_wait3A_534 = tpu.memref_slice %arg5[%mul3A_0] : memref<320000xi32, #tpu.memory_space<hbm>> -> memref<80xi32, #tpu.memory_space<hbm>>
        %dma_wait3A_535 = tpu.memref_slice %arg5[%mul3A_0] : memref<320000xi32, #tpu.memory_space<hbm>> -> memref<80xi32, #tpu.memory_space<hbm>>
        tpu.wait_dma2 semaphore(%arg22 : memref<!tpu.dma_semaphore, #tpu.memory_space<semaphore_mem>>) src(%dma_wait3A_535 : memref<80xi32, #tpu.memory_space<hbm>>) dst(%arg10 : memref<80xi32, #tpu.memory_space<vmem>>)
        %dma_start3A_536 = arith.constant 0 : i32
        %dma_start3A_537 = arith.constant 0 : i32
        %dma_start3A_538 = tpu.memref_slice %arg13[%dma_start3A_536, %dma_start3A_537] : memref<160x128xf32, #tpu.memory_space<vmem>> -> memref<40x128xf32, #tpu.memory_space<vmem>>
        %dma_start3A_539 = arith.constant 0 : i32
        %dma_start3A_540 = tpu.memref_slice %arg7[%dma_start3A_539] : memref<160xi32, #tpu.memory_space<vmem>> -> memref<40xi32, #tpu.memory_space<vmem>>
        %dma_start3A_541 = arith.constant 0 : i32
        %dma_start3A_542 = arith.constant 0 : i32
        %dma_start3A_543 = tpu.memref_slice %arg3[%dma_start3A_541, %dma_start3A_542] : memref<10000x128xf32, #tpu.memory_space<hbm>> -> memref<10000x128xf32, #tpu.memory_space<hbm>>
        tpu.enqueue_indirect_dma source(%dma_start3A_543 : memref<10000x128xf32, #tpu.memory_space<hbm>>) target(%dma_start3A_538 : memref<40x128xf32, #tpu.memory_space<vmem>>) offsets(%dma_start3A_540 : memref<40xi32, #tpu.memory_space<vmem>>) semaphore(%arg16 : memref<!tpu.dma_semaphore, #tpu.memory_space<semaphore_mem>>)
        %dma_start3A_544 = arith.constant 40 : i32
        %dma_start3A_545 = arith.constant 0 : i32
        %dma_start3A_546 = tpu.memref_slice %arg13[%dma_start3A_544, %dma_start3A_545] : memref<160x128xf32, #tpu.memory_space<vmem>> -> memref<40x128xf32, #tpu.memory_space<vmem>>
        %dma_start3A_547 = arith.constant 40 : i32
        %dma_start3A_548 = tpu.memref_slice %arg7[%dma_start3A_547] : memref<160xi32, #tpu.memory_space<vmem>> -> memref<40xi32, #tpu.memory_space<vmem>>
        %dma_start3A_549 = arith.constant 0 : i32
        %dma_start3A_550 = arith.constant 0 : i32
        %dma_start3A_551 = tpu.memref_slice %arg3[%dma_start3A_549, %dma_start3A_550] : memref<10000x128xf32, #tpu.memory_space<hbm>> -> memref<10000x128xf32, #tpu.memory_space<hbm>>
        tpu.enqueue_indirect_dma source(%dma_start3A_551 : memref<10000x128xf32, #tpu.memory_space<hbm>>) target(%dma_start3A_546 : memref<40x128xf32, #tpu.memory_space<vmem>>) offsets(%dma_start3A_548 : memref<40xi32, #tpu.memory_space<vmem>>) semaphore(%arg24 : memref<!tpu.dma_semaphore, #tpu.memory_space<semaphore_mem>>)
        %dma_start3A_552 = arith.constant 80 : i32
        %dma_start3A_553 = arith.constant 0 : i32
        %dma_start3A_554 = tpu.memref_slice %arg13[%dma_start3A_552, %dma_start3A_553] : memref<160x128xf32, #tpu.memory_space<vmem>> -> memref<40x128xf32, #tpu.memory_space<vmem>>
        %dma_start3A_555 = arith.constant 80 : i32
        %dma_start3A_556 = tpu.memref_slice %arg7[%dma_start3A_555] : memref<160xi32, #tpu.memory_space<vmem>> -> memref<40xi32, #tpu.memory_space<vmem>>
        %dma_start3A_557 = arith.constant 0 : i32
        %dma_start3A_558 = arith.constant 0 : i32
        %dma_start3A_559 = tpu.memref_slice %arg3[%dma_start3A_557, %dma_start3A_558] : memref<10000x128xf32, #tpu.memory_space<hbm>> -> memref<10000x128xf32, #tpu.memory_space<hbm>>
        tpu.enqueue_indirect_dma source(%dma_start3A_559 : memref<10000x128xf32, #tpu.memory_space<hbm>>) target(%dma_start3A_554 : memref<40x128xf32, #tpu.memory_space<vmem>>) offsets(%dma_start3A_556 : memref<40xi32, #tpu.memory_space<vmem>>) semaphore(%arg16 : memref<!tpu.dma_semaphore, #tpu.memory_space<semaphore_mem>>)
        %dma_start3A_560 = arith.constant 120 : i32
        %dma_start3A_561 = arith.constant 0 : i32
        %dma_start3A_562 = tpu.memref_slice %arg13[%dma_start3A_560, %dma_start3A_561] : memref<160x128xf32, #tpu.memory_space<vmem>> -> memref<40x128xf32, #tpu.memory_space<vmem>>
        %dma_start3A_563 = arith.constant 120 : i32
        %dma_start3A_564 = tpu.memref_slice %arg7[%dma_start3A_563] : memref<160xi32, #tpu.memory_space<vmem>> -> memref<40xi32, #tpu.memory_space<vmem>>
        %dma_start3A_565 = arith.constant 0 : i32
        %dma_start3A_566 = arith.constant 0 : i32
        %dma_start3A_567 = tpu.memref_slice %arg3[%dma_start3A_565, %dma_start3A_566] : memref<10000x128xf32, #tpu.memory_space<hbm>> -> memref<10000x128xf32, #tpu.memory_space<hbm>>
        tpu.enqueue_indirect_dma source(%dma_start3A_567 : memref<10000x128xf32, #tpu.memory_space<hbm>>) target(%dma_start3A_562 : memref<40x128xf32, #tpu.memory_space<vmem>>) offsets(%dma_start3A_564 : memref<40xi32, #tpu.memory_space<vmem>>) semaphore(%arg24 : memref<!tpu.dma_semaphore, #tpu.memory_space<semaphore_mem>>)
        %dma_wait3A_568 = arith.constant 0 : i32
        %dma_wait3A_569 = arith.constant 0 : i32
        %dma_wait3A_570 = tpu.memref_slice %arg14[%dma_wait3A_568, %dma_wait3A_569] : memref<160x128xf32, #tpu.memory_space<vmem>> -> memref<80x128xf32, #tpu.memory_space<vmem>>
        %dma_wait3A_571 = arith.constant 0 : i32
        %dma_wait3A_572 = arith.constant 0 : i32
        %dma_wait3A_573 = tpu.memref_slice %arg15[%dma_wait3A_571, %dma_wait3A_572] : memref<10240x128xf32, #tpu.memory_space<vmem_shared>> -> memref<10240x128xf32, #tpu.memory_space<vmem_shared>>
        tpu.wait_indirect_dma semaphore(%arg19 : memref<!tpu.dma_semaphore, #tpu.memory_space<semaphore_mem>>) src(%dma_wait3A_570 : memref<80x128xf32, #tpu.memory_space<vmem>>) dst(%dma_wait3A_573 : memref<10240x128xf32, #tpu.memory_space<vmem_shared>>)
        %dma_wait3A_574 = arith.constant 80 : i32
        %dma_wait3A_575 = arith.constant 0 : i32
        %dma_wait3A_576 = tpu.memref_slice %arg14[%dma_wait3A_574, %dma_wait3A_575] : memref<160x128xf32, #tpu.memory_space<vmem>> -> memref<80x128xf32, #tpu.memory_space<vmem>>
        %dma_wait3A_577 = arith.constant 0 : i32
        %dma_wait3A_578 = arith.constant 0 : i32
        %dma_wait3A_579 = tpu.memref_slice %arg15[%dma_wait3A_577, %dma_wait3A_578] : memref<10240x128xf32, #tpu.memory_space<vmem_shared>> -> memref<10240x128xf32, #tpu.memory_space<vmem_shared>>
        tpu.wait_indirect_dma semaphore(%arg19 : memref<!tpu.dma_semaphore, #tpu.memory_space<semaphore_mem>>) src(%dma_wait3A_576 : memref<80x128xf32, #tpu.memory_space<vmem>>) dst(%dma_wait3A_579 : memref<10240x128xf32, #tpu.memory_space<vmem_shared>>)
        %add3A_580 = arith.constant 2 : i32
        %add3A_581 = arith.addi %add3A_478, %add3A_580 : i32
        %mul3A_582 = arith.constant 160 : i32
        %mul3A_583 = arith.muli %add3A_581, %mul3A_582 : i32
        %add3A_584 = arith.addi %mul3A_0, %mul3A_583 : i32
        %add3A_585 = arith.constant 0 : i32
        %add3A_586 = arith.addi %add3A_584, %add3A_585 : i32
        %dma_start3A_587 = tpu.memref_slice %arg5[%add3A_586] : memref<320000xi32, #tpu.memory_space<hbm>> -> memref<80xi32, #tpu.memory_space<hbm>>
        %dma_start3A_588 = tpu.memref_slice %arg5[%add3A_586] : memref<320000xi32, #tpu.memory_space<hbm>> -> memref<80xi32, #tpu.memory_space<hbm>>
        tpu.enqueue_dma source(%dma_start3A_588 : memref<80xi32, #tpu.memory_space<hbm>>) target(%arg11 : memref<80xi32, #tpu.memory_space<vmem>>) target_semaphore(%arg23 : memref<!tpu.dma_semaphore, #tpu.memory_space<semaphore_mem>>)
        %mul3A_589 = arith.constant 160 : i32
        %mul3A_590 = arith.muli %add3A_581, %mul3A_589 : i32
        %add3A_591 = arith.addi %mul3A_0, %mul3A_590 : i32
        %add3A_592 = arith.constant 80 : i32
        %add3A_593 = arith.addi %add3A_591, %add3A_592 : i32
        %dma_start3A_594 = tpu.memref_slice %arg5[%add3A_593] : memref<320000xi32, #tpu.memory_space<hbm>> -> memref<80xi32, #tpu.memory_space<hbm>>
        %dma_start3A_595 = tpu.memref_slice %arg5[%add3A_593] : memref<320000xi32, #tpu.memory_space<hbm>> -> memref<80xi32, #tpu.memory_space<hbm>>
        tpu.enqueue_dma source(%dma_start3A_595 : memref<80xi32, #tpu.memory_space<hbm>>) target(%arg12 : memref<80xi32, #tpu.memory_space<vmem>>) target_semaphore(%arg23 : memref<!tpu.dma_semaphore, #tpu.memory_space<semaphore_mem>>)
      }
      %scan3A_94 = arith.constant 61 : i32
      %dma_wait3A_95 = arith.constant 0 : i32
      %dma_wait3A_96 = arith.constant 0 : i32
      %dma_wait3A_97 = tpu.memref_slice %arg13[%dma_wait3A_95, %dma_wait3A_96] : memref<160x128xf32, #tpu.memory_space<vmem>> -> memref<40x128xf32, #tpu.memory_space<vmem>>
      %dma_wait3A_98 = arith.constant 0 : i32
      %dma_wait3A_99 = tpu.memref_slice %arg7[%dma_wait3A_98] : memref<160xi32, #tpu.memory_space<vmem>> -> memref<40xi32, #tpu.memory_space<vmem>>
      %dma_wait3A_100 = arith.constant 0 : i32
      %dma_wait3A_101 = arith.constant 0 : i32
      %dma_wait3A_102 = tpu.memref_slice %arg3[%dma_wait3A_100, %dma_wait3A_101] : memref<10000x128xf32, #tpu.memory_space<hbm>> -> memref<10000x128xf32, #tpu.memory_space<hbm>>
      tpu.wait_indirect_dma semaphore(%arg16 : memref<!tpu.dma_semaphore, #tpu.memory_space<semaphore_mem>>) src(%dma_wait3A_102 : memref<10000x128xf32, #tpu.memory_space<hbm>>) dst(%dma_wait3A_97 : memref<40x128xf32, #tpu.memory_space<vmem>>)
      %dma_wait3A_103 = arith.constant 40 : i32
      %dma_wait3A_104 = arith.constant 0 : i32
      %dma_wait3A_105 = tpu.memref_slice %arg13[%dma_wait3A_103, %dma_wait3A_104] : memref<160x128xf32, #tpu.memory_space<vmem>> -> memref<40x128xf32, #tpu.memory_space<vmem>>
      %dma_wait3A_106 = arith.constant 40 : i32
      %dma_wait3A_107 = tpu.memref_slice %arg7[%dma_wait3A_106] : memref<160xi32, #tpu.memory_space<vmem>> -> memref<40xi32, #tpu.memory_space<vmem>>
      %dma_wait3A_108 = arith.constant 0 : i32
      %dma_wait3A_109 = arith.constant 0 : i32
      %dma_wait3A_110 = tpu.memref_slice %arg3[%dma_wait3A_108, %dma_wait3A_109] : memref<10000x128xf32, #tpu.memory_space<hbm>> -> memref<10000x128xf32, #tpu.memory_space<hbm>>
      tpu.wait_indirect_dma semaphore(%arg24 : memref<!tpu.dma_semaphore, #tpu.memory_space<semaphore_mem>>) src(%dma_wait3A_110 : memref<10000x128xf32, #tpu.memory_space<hbm>>) dst(%dma_wait3A_105 : memref<40x128xf32, #tpu.memory_space<vmem>>)
      %dma_start3A_111 = arith.constant 0 : i32
      %dma_start3A_112 = arith.constant 0 : i32
      %dma_start3A_113 = tpu.memref_slice %arg13[%dma_start3A_111, %dma_start3A_112] : memref<160x128xf32, #tpu.memory_space<vmem>> -> memref<80x128xf32, #tpu.memory_space<vmem>>
      %dma_start3A_114 = arith.constant 0 : i32
      %dma_start3A_115 = arith.constant 0 : i32
      %dma_start3A_116 = tpu.memref_slice %arg15[%dma_start3A_114, %dma_start3A_115] : memref<10240x128xf32, #tpu.memory_space<vmem_shared>> -> memref<10240x128xf32, #tpu.memory_space<vmem_shared>>
      tpu.enqueue_indirect_dma source(%dma_start3A_113 : memref<80x128xf32, #tpu.memory_space<vmem>>) target(%dma_start3A_116 : memref<10240x128xf32, #tpu.memory_space<vmem_shared>>) offsets(%arg9 : memref<80xi32, #tpu.memory_space<vmem>>) semaphore(%arg18 : memref<!tpu.dma_semaphore, #tpu.memory_space<semaphore_mem>>) {add = true}
      %dma_wait3A_117 = arith.constant 80 : i32
      %dma_wait3A_118 = arith.constant 0 : i32
      %dma_wait3A_119 = tpu.memref_slice %arg13[%dma_wait3A_117, %dma_wait3A_118] : memref<160x128xf32, #tpu.memory_space<vmem>> -> memref<40x128xf32, #tpu.memory_space<vmem>>
      %dma_wait3A_120 = arith.constant 80 : i32
      %dma_wait3A_121 = tpu.memref_slice %arg7[%dma_wait3A_120] : memref<160xi32, #tpu.memory_space<vmem>> -> memref<40xi32, #tpu.memory_space<vmem>>
      %dma_wait3A_122 = arith.constant 0 : i32
      %dma_wait3A_123 = arith.constant 0 : i32
      %dma_wait3A_124 = tpu.memref_slice %arg3[%dma_wait3A_122, %dma_wait3A_123] : memref<10000x128xf32, #tpu.memory_space<hbm>> -> memref<10000x128xf32, #tpu.memory_space<hbm>>
      tpu.wait_indirect_dma semaphore(%arg16 : memref<!tpu.dma_semaphore, #tpu.memory_space<semaphore_mem>>) src(%dma_wait3A_124 : memref<10000x128xf32, #tpu.memory_space<hbm>>) dst(%dma_wait3A_119 : memref<40x128xf32, #tpu.memory_space<vmem>>)
      %dma_wait3A_125 = arith.constant 120 : i32
      %dma_wait3A_126 = arith.constant 0 : i32
      %dma_wait3A_127 = tpu.memref_slice %arg13[%dma_wait3A_125, %dma_wait3A_126] : memref<160x128xf32, #tpu.memory_space<vmem>> -> memref<40x128xf32, #tpu.memory_space<vmem>>
      %dma_wait3A_128 = arith.constant 120 : i32
      %dma_wait3A_129 = tpu.memref_slice %arg7[%dma_wait3A_128] : memref<160xi32, #tpu.memory_space<vmem>> -> memref<40xi32, #tpu.memory_space<vmem>>
      %dma_wait3A_130 = arith.constant 0 : i32
      %dma_wait3A_131 = arith.constant 0 : i32
      %dma_wait3A_132 = tpu.memref_slice %arg3[%dma_wait3A_130, %dma_wait3A_131] : memref<10000x128xf32, #tpu.memory_space<hbm>> -> memref<10000x128xf32, #tpu.memory_space<hbm>>
      tpu.wait_indirect_dma semaphore(%arg24 : memref<!tpu.dma_semaphore, #tpu.memory_space<semaphore_mem>>) src(%dma_wait3A_132 : memref<10000x128xf32, #tpu.memory_space<hbm>>) dst(%dma_wait3A_127 : memref<40x128xf32, #tpu.memory_space<vmem>>)
      %dma_start3A_133 = arith.constant 80 : i32
      %dma_start3A_134 = arith.constant 0 : i32
      %dma_start3A_135 = tpu.memref_slice %arg13[%dma_start3A_133, %dma_start3A_134] : memref<160x128xf32, #tpu.memory_space<vmem>> -> memref<80x128xf32, #tpu.memory_space<vmem>>
      %dma_start3A_136 = arith.constant 0 : i32
      %dma_start3A_137 = arith.constant 0 : i32
      %dma_start3A_138 = tpu.memref_slice %arg15[%dma_start3A_136, %dma_start3A_137] : memref<10240x128xf32, #tpu.memory_space<vmem_shared>> -> memref<10240x128xf32, #tpu.memory_space<vmem_shared>>
      tpu.enqueue_indirect_dma source(%dma_start3A_135 : memref<80x128xf32, #tpu.memory_space<vmem>>) target(%dma_start3A_138 : memref<10240x128xf32, #tpu.memory_space<vmem_shared>>) offsets(%arg10 : memref<80xi32, #tpu.memory_space<vmem>>) semaphore(%arg18 : memref<!tpu.dma_semaphore, #tpu.memory_space<semaphore_mem>>) {add = true}
      %add3A_139 = arith.constant 19840 : i32
      %add3A_140 = arith.addi %mul3A_0, %add3A_139 : i32
      %dma_start3A_141 = tpu.memref_slice %arg4[%add3A_140] : memref<320000xi32, #tpu.memory_space<hbm>> -> memref<160xi32, #tpu.memory_space<hbm>>
      %dma_start3A_142 = tpu.memref_slice %arg4[%add3A_140] : memref<320000xi32, #tpu.memory_space<hbm>> -> memref<160xi32, #tpu.memory_space<hbm>>
      tpu.enqueue_dma source(%dma_start3A_142 : memref<160xi32, #tpu.memory_space<hbm>>) target(%arg7 : memref<160xi32, #tpu.memory_space<vmem>>) target_semaphore(%arg20 : memref<!tpu.dma_semaphore, #tpu.memory_space<semaphore_mem>>)
      %dma_wait3A_143 = tpu.memref_slice %arg4[%mul3A_0] : memref<320000xi32, #tpu.memory_space<hbm>> -> memref<160xi32, #tpu.memory_space<hbm>>
      %dma_wait3A_144 = tpu.memref_slice %arg4[%mul3A_0] : memref<320000xi32, #tpu.memory_space<hbm>> -> memref<160xi32, #tpu.memory_space<hbm>>
      tpu.wait_dma2 semaphore(%arg21 : memref<!tpu.dma_semaphore, #tpu.memory_space<semaphore_mem>>) src(%dma_wait3A_144 : memref<160xi32, #tpu.memory_space<hbm>>) dst(%arg8 : memref<160xi32, #tpu.memory_space<vmem>>)
      %dma_wait3A_145 = tpu.memref_slice %arg5[%mul3A_0] : memref<320000xi32, #tpu.memory_space<hbm>> -> memref<80xi32, #tpu.memory_space<hbm>>
      %dma_wait3A_146 = tpu.memref_slice %arg5[%mul3A_0] : memref<320000xi32, #tpu.memory_space<hbm>> -> memref<80xi32, #tpu.memory_space<hbm>>
      tpu.wait_dma2 semaphore(%arg23 : memref<!tpu.dma_semaphore, #tpu.memory_space<semaphore_mem>>) src(%dma_wait3A_146 : memref<80xi32, #tpu.memory_space<hbm>>) dst(%arg11 : memref<80xi32, #tpu.memory_space<vmem>>)
      %dma_wait3A_147 = tpu.memref_slice %arg5[%mul3A_0] : memref<320000xi32, #tpu.memory_space<hbm>> -> memref<80xi32, #tpu.memory_space<hbm>>
      %dma_wait3A_148 = tpu.memref_slice %arg5[%mul3A_0] : memref<320000xi32, #tpu.memory_space<hbm>> -> memref<80xi32, #tpu.memory_space<hbm>>
      tpu.wait_dma2 semaphore(%arg23 : memref<!tpu.dma_semaphore, #tpu.memory_space<semaphore_mem>>) src(%dma_wait3A_148 : memref<80xi32, #tpu.memory_space<hbm>>) dst(%arg12 : memref<80xi32, #tpu.memory_space<vmem>>)
      %dma_start3A_149 = arith.constant 0 : i32
      %dma_start3A_150 = arith.constant 0 : i32
      %dma_start3A_151 = tpu.memref_slice %arg14[%dma_start3A_149, %dma_start3A_150] : memref<160x128xf32, #tpu.memory_space<vmem>> -> memref<40x128xf32, #tpu.memory_space<vmem>>
      %dma_start3A_152 = arith.constant 0 : i32
      %dma_start3A_153 = tpu.memref_slice %arg8[%dma_start3A_152] : memref<160xi32, #tpu.memory_space<vmem>> -> memref<40xi32, #tpu.memory_space<vmem>>
      %dma_start3A_154 = arith.constant 0 : i32
      %dma_start3A_155 = arith.constant 0 : i32
      %dma_start3A_156 = tpu.memref_slice %arg3[%dma_start3A_154, %dma_start3A_155] : memref<10000x128xf32, #tpu.memory_space<hbm>> -> memref<10000x128xf32, #tpu.memory_space<hbm>>
      tpu.enqueue_indirect_dma source(%dma_start3A_156 : memref<10000x128xf32, #tpu.memory_space<hbm>>) target(%dma_start3A_151 : memref<40x128xf32, #tpu.memory_space<vmem>>) offsets(%dma_start3A_153 : memref<40xi32, #tpu.memory_space<vmem>>) semaphore(%arg17 : memref<!tpu.dma_semaphore, #tpu.memory_space<semaphore_mem>>)
      %dma_start3A_157 = arith.constant 40 : i32
      %dma_start3A_158 = arith.constant 0 : i32
      %dma_start3A_159 = tpu.memref_slice %arg14[%dma_start3A_157, %dma_start3A_158] : memref<160x128xf32, #tpu.memory_space<vmem>> -> memref<40x128xf32, #tpu.memory_space<vmem>>
      %dma_start3A_160 = arith.constant 40 : i32
      %dma_start3A_161 = tpu.memref_slice %arg8[%dma_start3A_160] : memref<160xi32, #tpu.memory_space<vmem>> -> memref<40xi32, #tpu.memory_space<vmem>>
      %dma_start3A_162 = arith.constant 0 : i32
      %dma_start3A_163 = arith.constant 0 : i32
      %dma_start3A_164 = tpu.memref_slice %arg3[%dma_start3A_162, %dma_start3A_163] : memref<10000x128xf32, #tpu.memory_space<hbm>> -> memref<10000x128xf32, #tpu.memory_space<hbm>>
      tpu.enqueue_indirect_dma source(%dma_start3A_164 : memref<10000x128xf32, #tpu.memory_space<hbm>>) target(%dma_start3A_159 : memref<40x128xf32, #tpu.memory_space<vmem>>) offsets(%dma_start3A_161 : memref<40xi32, #tpu.memory_space<vmem>>) semaphore(%arg25 : memref<!tpu.dma_semaphore, #tpu.memory_space<semaphore_mem>>)
      %dma_start3A_165 = arith.constant 80 : i32
      %dma_start3A_166 = arith.constant 0 : i32
      %dma_start3A_167 = tpu.memref_slice %arg14[%dma_start3A_165, %dma_start3A_166] : memref<160x128xf32, #tpu.memory_space<vmem>> -> memref<40x128xf32, #tpu.memory_space<vmem>>
      %dma_start3A_168 = arith.constant 80 : i32
      %dma_start3A_169 = tpu.memref_slice %arg8[%dma_start3A_168] : memref<160xi32, #tpu.memory_space<vmem>> -> memref<40xi32, #tpu.memory_space<vmem>>
      %dma_start3A_170 = arith.constant 0 : i32
      %dma_start3A_171 = arith.constant 0 : i32
      %dma_start3A_172 = tpu.memref_slice %arg3[%dma_start3A_170, %dma_start3A_171] : memref<10000x128xf32, #tpu.memory_space<hbm>> -> memref<10000x128xf32, #tpu.memory_space<hbm>>
      tpu.enqueue_indirect_dma source(%dma_start3A_172 : memref<10000x128xf32, #tpu.memory_space<hbm>>) target(%dma_start3A_167 : memref<40x128xf32, #tpu.memory_space<vmem>>) offsets(%dma_start3A_169 : memref<40xi32, #tpu.memory_space<vmem>>) semaphore(%arg17 : memref<!tpu.dma_semaphore, #tpu.memory_space<semaphore_mem>>)
      %dma_start3A_173 = arith.constant 120 : i32
      %dma_start3A_174 = arith.constant 0 : i32
      %dma_start3A_175 = tpu.memref_slice %arg14[%dma_start3A_173, %dma_start3A_174] : memref<160x128xf32, #tpu.memory_space<vmem>> -> memref<40x128xf32, #tpu.memory_space<vmem>>
      %dma_start3A_176 = arith.constant 120 : i32
      %dma_start3A_177 = tpu.memref_slice %arg8[%dma_start3A_176] : memref<160xi32, #tpu.memory_space<vmem>> -> memref<40xi32, #tpu.memory_space<vmem>>
      %dma_start3A_178 = arith.constant 0 : i32
      %dma_start3A_179 = arith.constant 0 : i32
      %dma_start3A_180 = tpu.memref_slice %arg3[%dma_start3A_178, %dma_start3A_179] : memref<10000x128xf32, #tpu.memory_space<hbm>> -> memref<10000x128xf32, #tpu.memory_space<hbm>>
      tpu.enqueue_indirect_dma source(%dma_start3A_180 : memref<10000x128xf32, #tpu.memory_space<hbm>>) target(%dma_start3A_175 : memref<40x128xf32, #tpu.memory_space<vmem>>) offsets(%dma_start3A_177 : memref<40xi32, #tpu.memory_space<vmem>>) semaphore(%arg25 : memref<!tpu.dma_semaphore, #tpu.memory_space<semaphore_mem>>)
      %dma_wait3A_181 = arith.constant 0 : i32
      %dma_wait3A_182 = arith.constant 0 : i32
      %dma_wait3A_183 = tpu.memref_slice %arg13[%dma_wait3A_181, %dma_wait3A_182] : memref<160x128xf32, #tpu.memory_space<vmem>> -> memref<80x128xf32, #tpu.memory_space<vmem>>
      %dma_wait3A_184 = arith.constant 0 : i32
      %dma_wait3A_185 = arith.constant 0 : i32
      %dma_wait3A_186 = tpu.memref_slice %arg15[%dma_wait3A_184, %dma_wait3A_185] : memref<10240x128xf32, #tpu.memory_space<vmem_shared>> -> memref<10240x128xf32, #tpu.memory_space<vmem_shared>>
      tpu.wait_indirect_dma semaphore(%arg18 : memref<!tpu.dma_semaphore, #tpu.memory_space<semaphore_mem>>) src(%dma_wait3A_183 : memref<80x128xf32, #tpu.memory_space<vmem>>) dst(%dma_wait3A_186 : memref<10240x128xf32, #tpu.memory_space<vmem_shared>>)
      %dma_wait3A_187 = arith.constant 80 : i32
      %dma_wait3A_188 = arith.constant 0 : i32
      %dma_wait3A_189 = tpu.memref_slice %arg13[%dma_wait3A_187, %dma_wait3A_188] : memref<160x128xf32, #tpu.memory_space<vmem>> -> memref<80x128xf32, #tpu.memory_space<vmem>>
      %dma_wait3A_190 = arith.constant 0 : i32
      %dma_wait3A_191 = arith.constant 0 : i32
      %dma_wait3A_192 = tpu.memref_slice %arg15[%dma_wait3A_190, %dma_wait3A_191] : memref<10240x128xf32, #tpu.memory_space<vmem_shared>> -> memref<10240x128xf32, #tpu.memory_space<vmem_shared>>
      tpu.wait_indirect_dma semaphore(%arg18 : memref<!tpu.dma_semaphore, #tpu.memory_space<semaphore_mem>>) src(%dma_wait3A_189 : memref<80x128xf32, #tpu.memory_space<vmem>>) dst(%dma_wait3A_192 : memref<10240x128xf32, #tpu.memory_space<vmem_shared>>)
      %add3A_193 = arith.constant 19840 : i32
      %add3A_194 = arith.addi %mul3A_0, %add3A_193 : i32
      %add3A_195 = arith.constant 0 : i32
      %add3A_196 = arith.addi %add3A_194, %add3A_195 : i32
      %dma_start3A_197 = tpu.memref_slice %arg5[%add3A_196] : memref<320000xi32, #tpu.memory_space<hbm>> -> memref<80xi32, #tpu.memory_space<hbm>>
      %dma_start3A_198 = tpu.memref_slice %arg5[%add3A_196] : memref<320000xi32, #tpu.memory_space<hbm>> -> memref<80xi32, #tpu.memory_space<hbm>>
      tpu.enqueue_dma source(%dma_start3A_198 : memref<80xi32, #tpu.memory_space<hbm>>) target(%arg9 : memref<80xi32, #tpu.memory_space<vmem>>) target_semaphore(%arg22 : memref<!tpu.dma_semaphore, #tpu.memory_space<semaphore_mem>>)
      %add3A_199 = arith.constant 19840 : i32
      %add3A_200 = arith.addi %mul3A_0, %add3A_199 : i32
      %add3A_201 = arith.constant 80 : i32
      %add3A_202 = arith.addi %add3A_200, %add3A_201 : i32
      %dma_start3A_203 = tpu.memref_slice %arg5[%add3A_202] : memref<320000xi32, #tpu.memory_space<hbm>> -> memref<80xi32, #tpu.memory_space<hbm>>
      %dma_start3A_204 = tpu.memref_slice %arg5[%add3A_202] : memref<320000xi32, #tpu.memory_space<hbm>> -> memref<80xi32, #tpu.memory_space<hbm>>
      tpu.enqueue_dma source(%dma_start3A_204 : memref<80xi32, #tpu.memory_space<hbm>>) target(%arg10 : memref<80xi32, #tpu.memory_space<vmem>>) target_semaphore(%arg22 : memref<!tpu.dma_semaphore, #tpu.memory_space<semaphore_mem>>)
      %dma_wait3A_205 = arith.constant 0 : i32
      %dma_wait3A_206 = arith.constant 0 : i32
      %dma_wait3A_207 = tpu.memref_slice %arg14[%dma_wait3A_205, %dma_wait3A_206] : memref<160x128xf32, #tpu.memory_space<vmem>> -> memref<40x128xf32, #tpu.memory_space<vmem>>
      %dma_wait3A_208 = arith.constant 0 : i32
      %dma_wait3A_209 = tpu.memref_slice %arg8[%dma_wait3A_208] : memref<160xi32, #tpu.memory_space<vmem>> -> memref<40xi32, #tpu.memory_space<vmem>>
      %dma_wait3A_210 = arith.constant 0 : i32
      %dma_wait3A_211 = arith.constant 0 : i32
      %dma_wait3A_212 = tpu.memref_slice %arg3[%dma_wait3A_210, %dma_wait3A_211] : memref<10000x128xf32, #tpu.memory_space<hbm>> -> memref<10000x128xf32, #tpu.memory_space<hbm>>
      tpu.wait_indirect_dma semaphore(%arg17 : memref<!tpu.dma_semaphore, #tpu.memory_space<semaphore_mem>>) src(%dma_wait3A_212 : memref<10000x128xf32, #tpu.memory_space<hbm>>) dst(%dma_wait3A_207 : memref<40x128xf32, #tpu.memory_space<vmem>>)
      %dma_wait3A_213 = arith.constant 40 : i32
      %dma_wait3A_214 = arith.constant 0 : i32
      %dma_wait3A_215 = tpu.memref_slice %arg14[%dma_wait3A_213, %dma_wait3A_214] : memref<160x128xf32, #tpu.memory_space<vmem>> -> memref<40x128xf32, #tpu.memory_space<vmem>>
      %dma_wait3A_216 = arith.constant 40 : i32
      %dma_wait3A_217 = tpu.memref_slice %arg8[%dma_wait3A_216] : memref<160xi32, #tpu.memory_space<vmem>> -> memref<40xi32, #tpu.memory_space<vmem>>
      %dma_wait3A_218 = arith.constant 0 : i32
      %dma_wait3A_219 = arith.constant 0 : i32
      %dma_wait3A_220 = tpu.memref_slice %arg3[%dma_wait3A_218, %dma_wait3A_219] : memref<10000x128xf32, #tpu.memory_space<hbm>> -> memref<10000x128xf32, #tpu.memory_space<hbm>>
      tpu.wait_indirect_dma semaphore(%arg25 : memref<!tpu.dma_semaphore, #tpu.memory_space<semaphore_mem>>) src(%dma_wait3A_220 : memref<10000x128xf32, #tpu.memory_space<hbm>>) dst(%dma_wait3A_215 : memref<40x128xf32, #tpu.memory_space<vmem>>)
      %dma_start3A_221 = arith.constant 0 : i32
      %dma_start3A_222 = arith.constant 0 : i32
      %dma_start3A_223 = tpu.memref_slice %arg14[%dma_start3A_221, %dma_start3A_222] : memref<160x128xf32, #tpu.memory_space<vmem>> -> memref<80x128xf32, #tpu.memory_space<vmem>>
      %dma_start3A_224 = arith.constant 0 : i32
      %dma_start3A_225 = arith.constant 0 : i32
      %dma_start3A_226 = tpu.memref_slice %arg15[%dma_start3A_224, %dma_start3A_225] : memref<10240x128xf32, #tpu.memory_space<vmem_shared>> -> memref<10240x128xf32, #tpu.memory_space<vmem_shared>>
      tpu.enqueue_indirect_dma source(%dma_start3A_223 : memref<80x128xf32, #tpu.memory_space<vmem>>) target(%dma_start3A_226 : memref<10240x128xf32, #tpu.memory_space<vmem_shared>>) offsets(%arg11 : memref<80xi32, #tpu.memory_space<vmem>>) semaphore(%arg19 : memref<!tpu.dma_semaphore, #tpu.memory_space<semaphore_mem>>) {add = true}
      %dma_wait3A_227 = arith.constant 80 : i32
      %dma_wait3A_228 = arith.constant 0 : i32
      %dma_wait3A_229 = tpu.memref_slice %arg14[%dma_wait3A_227, %dma_wait3A_228] : memref<160x128xf32, #tpu.memory_space<vmem>> -> memref<40x128xf32, #tpu.memory_space<vmem>>
      %dma_wait3A_230 = arith.constant 80 : i32
      %dma_wait3A_231 = tpu.memref_slice %arg8[%dma_wait3A_230] : memref<160xi32, #tpu.memory_space<vmem>> -> memref<40xi32, #tpu.memory_space<vmem>>
      %dma_wait3A_232 = arith.constant 0 : i32
      %dma_wait3A_233 = arith.constant 0 : i32
      %dma_wait3A_234 = tpu.memref_slice %arg3[%dma_wait3A_232, %dma_wait3A_233] : memref<10000x128xf32, #tpu.memory_space<hbm>> -> memref<10000x128xf32, #tpu.memory_space<hbm>>
      tpu.wait_indirect_dma semaphore(%arg17 : memref<!tpu.dma_semaphore, #tpu.memory_space<semaphore_mem>>) src(%dma_wait3A_234 : memref<10000x128xf32, #tpu.memory_space<hbm>>) dst(%dma_wait3A_229 : memref<40x128xf32, #tpu.memory_space<vmem>>)
      %dma_wait3A_235 = arith.constant 120 : i32
      %dma_wait3A_236 = arith.constant 0 : i32
      %dma_wait3A_237 = tpu.memref_slice %arg14[%dma_wait3A_235, %dma_wait3A_236] : memref<160x128xf32, #tpu.memory_space<vmem>> -> memref<40x128xf32, #tpu.memory_space<vmem>>
      %dma_wait3A_238 = arith.constant 120 : i32
      %dma_wait3A_239 = tpu.memref_slice %arg8[%dma_wait3A_238] : memref<160xi32, #tpu.memory_space<vmem>> -> memref<40xi32, #tpu.memory_space<vmem>>
      %dma_wait3A_240 = arith.constant 0 : i32
      %dma_wait3A_241 = arith.constant 0 : i32
      %dma_wait3A_242 = tpu.memref_slice %arg3[%dma_wait3A_240, %dma_wait3A_241] : memref<10000x128xf32, #tpu.memory_space<hbm>> -> memref<10000x128xf32, #tpu.memory_space<hbm>>
      tpu.wait_indirect_dma semaphore(%arg25 : memref<!tpu.dma_semaphore, #tpu.memory_space<semaphore_mem>>) src(%dma_wait3A_242 : memref<10000x128xf32, #tpu.memory_space<hbm>>) dst(%dma_wait3A_237 : memref<40x128xf32, #tpu.memory_space<vmem>>)
      %dma_start3A_243 = arith.constant 80 : i32
      %dma_start3A_244 = arith.constant 0 : i32
      %dma_start3A_245 = tpu.memref_slice %arg14[%dma_start3A_243, %dma_start3A_244] : memref<160x128xf32, #tpu.memory_space<vmem>> -> memref<80x128xf32, #tpu.memory_space<vmem>>
      %dma_start3A_246 = arith.constant 0 : i32
      %dma_start3A_247 = arith.constant 0 : i32
      %dma_start3A_248 = tpu.memref_slice %arg15[%dma_start3A_246, %dma_start3A_247] : memref<10240x128xf32, #tpu.memory_space<vmem_shared>> -> memref<10240x128xf32, #tpu.memory_space<vmem_shared>>
      tpu.enqueue_indirect_dma source(%dma_start3A_245 : memref<80x128xf32, #tpu.memory_space<vmem>>) target(%dma_start3A_248 : memref<10240x128xf32, #tpu.memory_space<vmem_shared>>) offsets(%arg12 : memref<80xi32, #tpu.memory_space<vmem>>) semaphore(%arg19 : memref<!tpu.dma_semaphore, #tpu.memory_space<semaphore_mem>>) {add = true}
      %dma_wait3A_249 = tpu.memref_slice %arg4[%mul3A_0] : memref<320000xi32, #tpu.memory_space<hbm>> -> memref<160xi32, #tpu.memory_space<hbm>>
      %dma_wait3A_250 = tpu.memref_slice %arg4[%mul3A_0] : memref<320000xi32, #tpu.memory_space<hbm>> -> memref<160xi32, #tpu.memory_space<hbm>>
      tpu.wait_dma2 semaphore(%arg20 : memref<!tpu.dma_semaphore, #tpu.memory_space<semaphore_mem>>) src(%dma_wait3A_250 : memref<160xi32, #tpu.memory_space<hbm>>) dst(%arg7 : memref<160xi32, #tpu.memory_space<vmem>>)
      %dma_wait3A_251 = tpu.memref_slice %arg5[%mul3A_0] : memref<320000xi32, #tpu.memory_space<hbm>> -> memref<80xi32, #tpu.memory_space<hbm>>
      %dma_wait3A_252 = tpu.memref_slice %arg5[%mul3A_0] : memref<320000xi32, #tpu.memory_space<hbm>> -> memref<80xi32, #tpu.memory_space<hbm>>
      tpu.wait_dma2 semaphore(%arg22 : memref<!tpu.dma_semaphore, #tpu.memory_space<semaphore_mem>>) src(%dma_wait3A_252 : memref<80xi32, #tpu.memory_space<hbm>>) dst(%arg9 : memref<80xi32, #tpu.memory_space<vmem>>)
      %dma_wait3A_253 = tpu.memref_slice %arg5[%mul3A_0] : memref<320000xi32, #tpu.memory_space<hbm>> -> memref<80xi32, #tpu.memory_space<hbm>>
      %dma_wait3A_254 = tpu.memref_slice %arg5[%mul3A_0] : memref<320000xi32, #tpu.memory_space<hbm>> -> memref<80xi32, #tpu.memory_space<hbm>>
      tpu.wait_dma2 semaphore(%arg22 : memref<!tpu.dma_semaphore, #tpu.memory_space<semaphore_mem>>) src(%dma_wait3A_254 : memref<80xi32, #tpu.memory_space<hbm>>) dst(%arg10 : memref<80xi32, #tpu.memory_space<vmem>>)
      %dma_start3A_255 = arith.constant 0 : i32
      %dma_start3A_256 = arith.constant 0 : i32
      %dma_start3A_257 = tpu.memref_slice %arg13[%dma_start3A_255, %dma_start3A_256] : memref<160x128xf32, #tpu.memory_space<vmem>> -> memref<40x128xf32, #tpu.memory_space<vmem>>
      %dma_start3A_258 = arith.constant 0 : i32
      %dma_start3A_259 = tpu.memref_slice %arg7[%dma_start3A_258] : memref<160xi32, #tpu.memory_space<vmem>> -> memref<40xi32, #tpu.memory_space<vmem>>
      %dma_start3A_260 = arith.constant 0 : i32
      %dma_start3A_261 = arith.constant 0 : i32
      %dma_start3A_262 = tpu.memref_slice %arg3[%dma_start3A_260, %dma_start3A_261] : memref<10000x128xf32, #tpu.memory_space<hbm>> -> memref<10000x128xf32, #tpu.memory_space<hbm>>
      tpu.enqueue_indirect_dma source(%dma_start3A_262 : memref<10000x128xf32, #tpu.memory_space<hbm>>) target(%dma_start3A_257 : memref<40x128xf32, #tpu.memory_space<vmem>>) offsets(%dma_start3A_259 : memref<40xi32, #tpu.memory_space<vmem>>) semaphore(%arg16 : memref<!tpu.dma_semaphore, #tpu.memory_space<semaphore_mem>>)
      %dma_start3A_263 = arith.constant 40 : i32
      %dma_start3A_264 = arith.constant 0 : i32
      %dma_start3A_265 = tpu.memref_slice %arg13[%dma_start3A_263, %dma_start3A_264] : memref<160x128xf32, #tpu.memory_space<vmem>> -> memref<40x128xf32, #tpu.memory_space<vmem>>
      %dma_start3A_266 = arith.constant 40 : i32
      %dma_start3A_267 = tpu.memref_slice %arg7[%dma_start3A_266] : memref<160xi32, #tpu.memory_space<vmem>> -> memref<40xi32, #tpu.memory_space<vmem>>
      %dma_start3A_268 = arith.constant 0 : i32
      %dma_start3A_269 = arith.constant 0 : i32
      %dma_start3A_270 = tpu.memref_slice %arg3[%dma_start3A_268, %dma_start3A_269] : memref<10000x128xf32, #tpu.memory_space<hbm>> -> memref<10000x128xf32, #tpu.memory_space<hbm>>
      tpu.enqueue_indirect_dma source(%dma_start3A_270 : memref<10000x128xf32, #tpu.memory_space<hbm>>) target(%dma_start3A_265 : memref<40x128xf32, #tpu.memory_space<vmem>>) offsets(%dma_start3A_267 : memref<40xi32, #tpu.memory_space<vmem>>) semaphore(%arg24 : memref<!tpu.dma_semaphore, #tpu.memory_space<semaphore_mem>>)
      %dma_start3A_271 = arith.constant 80 : i32
      %dma_start3A_272 = arith.constant 0 : i32
      %dma_start3A_273 = tpu.memref_slice %arg13[%dma_start3A_271, %dma_start3A_272] : memref<160x128xf32, #tpu.memory_space<vmem>> -> memref<40x128xf32, #tpu.memory_space<vmem>>
      %dma_start3A_274 = arith.constant 80 : i32
      %dma_start3A_275 = tpu.memref_slice %arg7[%dma_start3A_274] : memref<160xi32, #tpu.memory_space<vmem>> -> memref<40xi32, #tpu.memory_space<vmem>>
      %dma_start3A_276 = arith.constant 0 : i32
      %dma_start3A_277 = arith.constant 0 : i32
      %dma_start3A_278 = tpu.memref_slice %arg3[%dma_start3A_276, %dma_start3A_277] : memref<10000x128xf32, #tpu.memory_space<hbm>> -> memref<10000x128xf32, #tpu.memory_space<hbm>>
      tpu.enqueue_indirect_dma source(%dma_start3A_278 : memref<10000x128xf32, #tpu.memory_space<hbm>>) target(%dma_start3A_273 : memref<40x128xf32, #tpu.memory_space<vmem>>) offsets(%dma_start3A_275 : memref<40xi32, #tpu.memory_space<vmem>>) semaphore(%arg16 : memref<!tpu.dma_semaphore, #tpu.memory_space<semaphore_mem>>)
      %dma_start3A_279 = arith.constant 120 : i32
      %dma_start3A_280 = arith.constant 0 : i32
      %dma_start3A_281 = tpu.memref_slice %arg13[%dma_start3A_279, %dma_start3A_280] : memref<160x128xf32, #tpu.memory_space<vmem>> -> memref<40x128xf32, #tpu.memory_space<vmem>>
      %dma_start3A_282 = arith.constant 120 : i32
      %dma_start3A_283 = tpu.memref_slice %arg7[%dma_start3A_282] : memref<160xi32, #tpu.memory_space<vmem>> -> memref<40xi32, #tpu.memory_space<vmem>>
      %dma_start3A_284 = arith.constant 0 : i32
      %dma_start3A_285 = arith.constant 0 : i32
      %dma_start3A_286 = tpu.memref_slice %arg3[%dma_start3A_284, %dma_start3A_285] : memref<10000x128xf32, #tpu.memory_space<hbm>> -> memref<10000x128xf32, #tpu.memory_space<hbm>>
      tpu.enqueue_indirect_dma source(%dma_start3A_286 : memref<10000x128xf32, #tpu.memory_space<hbm>>) target(%dma_start3A_281 : memref<40x128xf32, #tpu.memory_space<vmem>>) offsets(%dma_start3A_283 : memref<40xi32, #tpu.memory_space<vmem>>) semaphore(%arg24 : memref<!tpu.dma_semaphore, #tpu.memory_space<semaphore_mem>>)
      %dma_wait3A_287 = arith.constant 0 : i32
      %dma_wait3A_288 = arith.constant 0 : i32
      %dma_wait3A_289 = tpu.memref_slice %arg14[%dma_wait3A_287, %dma_wait3A_288] : memref<160x128xf32, #tpu.memory_space<vmem>> -> memref<80x128xf32, #tpu.memory_space<vmem>>
      %dma_wait3A_290 = arith.constant 0 : i32
      %dma_wait3A_291 = arith.constant 0 : i32
      %dma_wait3A_292 = tpu.memref_slice %arg15[%dma_wait3A_290, %dma_wait3A_291] : memref<10240x128xf32, #tpu.memory_space<vmem_shared>> -> memref<10240x128xf32, #tpu.memory_space<vmem_shared>>
      tpu.wait_indirect_dma semaphore(%arg19 : memref<!tpu.dma_semaphore, #tpu.memory_space<semaphore_mem>>) src(%dma_wait3A_289 : memref<80x128xf32, #tpu.memory_space<vmem>>) dst(%dma_wait3A_292 : memref<10240x128xf32, #tpu.memory_space<vmem_shared>>)
      %dma_wait3A_293 = arith.constant 80 : i32
      %dma_wait3A_294 = arith.constant 0 : i32
      %dma_wait3A_295 = tpu.memref_slice %arg14[%dma_wait3A_293, %dma_wait3A_294] : memref<160x128xf32, #tpu.memory_space<vmem>> -> memref<80x128xf32, #tpu.memory_space<vmem>>
      %dma_wait3A_296 = arith.constant 0 : i32
      %dma_wait3A_297 = arith.constant 0 : i32
      %dma_wait3A_298 = tpu.memref_slice %arg15[%dma_wait3A_296, %dma_wait3A_297] : memref<10240x128xf32, #tpu.memory_space<vmem_shared>> -> memref<10240x128xf32, #tpu.memory_space<vmem_shared>>
      tpu.wait_indirect_dma semaphore(%arg19 : memref<!tpu.dma_semaphore, #tpu.memory_space<semaphore_mem>>) src(%dma_wait3A_295 : memref<80x128xf32, #tpu.memory_space<vmem>>) dst(%dma_wait3A_298 : memref<10240x128xf32, #tpu.memory_space<vmem_shared>>)
      %dma_wait3A_299 = arith.constant 0 : i32
      %dma_wait3A_300 = arith.constant 0 : i32
      %dma_wait3A_301 = tpu.memref_slice %arg13[%dma_wait3A_299, %dma_wait3A_300] : memref<160x128xf32, #tpu.memory_space<vmem>> -> memref<40x128xf32, #tpu.memory_space<vmem>>
      %dma_wait3A_302 = arith.constant 0 : i32
      %dma_wait3A_303 = tpu.memref_slice %arg7[%dma_wait3A_302] : memref<160xi32, #tpu.memory_space<vmem>> -> memref<40xi32, #tpu.memory_space<vmem>>
      %dma_wait3A_304 = arith.constant 0 : i32
      %dma_wait3A_305 = arith.constant 0 : i32
      %dma_wait3A_306 = tpu.memref_slice %arg3[%dma_wait3A_304, %dma_wait3A_305] : memref<10000x128xf32, #tpu.memory_space<hbm>> -> memref<10000x128xf32, #tpu.memory_space<hbm>>
      tpu.wait_indirect_dma semaphore(%arg16 : memref<!tpu.dma_semaphore, #tpu.memory_space<semaphore_mem>>) src(%dma_wait3A_306 : memref<10000x128xf32, #tpu.memory_space<hbm>>) dst(%dma_wait3A_301 : memref<40x128xf32, #tpu.memory_space<vmem>>)
      %dma_wait3A_307 = arith.constant 40 : i32
      %dma_wait3A_308 = arith.constant 0 : i32
      %dma_wait3A_309 = tpu.memref_slice %arg13[%dma_wait3A_307, %dma_wait3A_308] : memref<160x128xf32, #tpu.memory_space<vmem>> -> memref<40x128xf32, #tpu.memory_space<vmem>>
      %dma_wait3A_310 = arith.constant 40 : i32
      %dma_wait3A_311 = tpu.memref_slice %arg7[%dma_wait3A_310] : memref<160xi32, #tpu.memory_space<vmem>> -> memref<40xi32, #tpu.memory_space<vmem>>
      %dma_wait3A_312 = arith.constant 0 : i32
      %dma_wait3A_313 = arith.constant 0 : i32
      %dma_wait3A_314 = tpu.memref_slice %arg3[%dma_wait3A_312, %dma_wait3A_313] : memref<10000x128xf32, #tpu.memory_space<hbm>> -> memref<10000x128xf32, #tpu.memory_space<hbm>>
      tpu.wait_indirect_dma semaphore(%arg24 : memref<!tpu.dma_semaphore, #tpu.memory_space<semaphore_mem>>) src(%dma_wait3A_314 : memref<10000x128xf32, #tpu.memory_space<hbm>>) dst(%dma_wait3A_309 : memref<40x128xf32, #tpu.memory_space<vmem>>)
      %dma_start3A_315 = arith.constant 0 : i32
      %dma_start3A_316 = arith.constant 0 : i32
      %dma_start3A_317 = tpu.memref_slice %arg13[%dma_start3A_315, %dma_start3A_316] : memref<160x128xf32, #tpu.memory_space<vmem>> -> memref<80x128xf32, #tpu.memory_space<vmem>>
      %dma_start3A_318 = arith.constant 0 : i32
      %dma_start3A_319 = arith.constant 0 : i32
      %dma_start3A_320 = tpu.memref_slice %arg15[%dma_start3A_318, %dma_start3A_319] : memref<10240x128xf32, #tpu.memory_space<vmem_shared>> -> memref<10240x128xf32, #tpu.memory_space<vmem_shared>>
      tpu.enqueue_indirect_dma source(%dma_start3A_317 : memref<80x128xf32, #tpu.memory_space<vmem>>) target(%dma_start3A_320 : memref<10240x128xf32, #tpu.memory_space<vmem_shared>>) offsets(%arg9 : memref<80xi32, #tpu.memory_space<vmem>>) semaphore(%arg18 : memref<!tpu.dma_semaphore, #tpu.memory_space<semaphore_mem>>) {add = true}
      %dma_wait3A_321 = arith.constant 80 : i32
      %dma_wait3A_322 = arith.constant 0 : i32
      %dma_wait3A_323 = tpu.memref_slice %arg13[%dma_wait3A_321, %dma_wait3A_322] : memref<160x128xf32, #tpu.memory_space<vmem>> -> memref<40x128xf32, #tpu.memory_space<vmem>>
      %dma_wait3A_324 = arith.constant 80 : i32
      %dma_wait3A_325 = tpu.memref_slice %arg7[%dma_wait3A_324] : memref<160xi32, #tpu.memory_space<vmem>> -> memref<40xi32, #tpu.memory_space<vmem>>
      %dma_wait3A_326 = arith.constant 0 : i32
      %dma_wait3A_327 = arith.constant 0 : i32
      %dma_wait3A_328 = tpu.memref_slice %arg3[%dma_wait3A_326, %dma_wait3A_327] : memref<10000x128xf32, #tpu.memory_space<hbm>> -> memref<10000x128xf32, #tpu.memory_space<hbm>>
      tpu.wait_indirect_dma semaphore(%arg16 : memref<!tpu.dma_semaphore, #tpu.memory_space<semaphore_mem>>) src(%dma_wait3A_328 : memref<10000x128xf32, #tpu.memory_space<hbm>>) dst(%dma_wait3A_323 : memref<40x128xf32, #tpu.memory_space<vmem>>)
      %dma_wait3A_329 = arith.constant 120 : i32
      %dma_wait3A_330 = arith.constant 0 : i32
      %dma_wait3A_331 = tpu.memref_slice %arg13[%dma_wait3A_329, %dma_wait3A_330] : memref<160x128xf32, #tpu.memory_space<vmem>> -> memref<40x128xf32, #tpu.memory_space<vmem>>
      %dma_wait3A_332 = arith.constant 120 : i32
      %dma_wait3A_333 = tpu.memref_slice %arg7[%dma_wait3A_332] : memref<160xi32, #tpu.memory_space<vmem>> -> memref<40xi32, #tpu.memory_space<vmem>>
      %dma_wait3A_334 = arith.constant 0 : i32
      %dma_wait3A_335 = arith.constant 0 : i32
      %dma_wait3A_336 = tpu.memref_slice %arg3[%dma_wait3A_334, %dma_wait3A_335] : memref<10000x128xf32, #tpu.memory_space<hbm>> -> memref<10000x128xf32, #tpu.memory_space<hbm>>
      tpu.wait_indirect_dma semaphore(%arg24 : memref<!tpu.dma_semaphore, #tpu.memory_space<semaphore_mem>>) src(%dma_wait3A_336 : memref<10000x128xf32, #tpu.memory_space<hbm>>) dst(%dma_wait3A_331 : memref<40x128xf32, #tpu.memory_space<vmem>>)
      %dma_start3A_337 = arith.constant 80 : i32
      %dma_start3A_338 = arith.constant 0 : i32
      %dma_start3A_339 = tpu.memref_slice %arg13[%dma_start3A_337, %dma_start3A_338] : memref<160x128xf32, #tpu.memory_space<vmem>> -> memref<80x128xf32, #tpu.memory_space<vmem>>
      %dma_start3A_340 = arith.constant 0 : i32
      %dma_start3A_341 = arith.constant 0 : i32
      %dma_start3A_342 = tpu.memref_slice %arg15[%dma_start3A_340, %dma_start3A_341] : memref<10240x128xf32, #tpu.memory_space<vmem_shared>> -> memref<10240x128xf32, #tpu.memory_space<vmem_shared>>
      tpu.enqueue_indirect_dma source(%dma_start3A_339 : memref<80x128xf32, #tpu.memory_space<vmem>>) target(%dma_start3A_342 : memref<10240x128xf32, #tpu.memory_space<vmem_shared>>) offsets(%arg10 : memref<80xi32, #tpu.memory_space<vmem>>) semaphore(%arg18 : memref<!tpu.dma_semaphore, #tpu.memory_space<semaphore_mem>>) {add = true}
      %dma_wait3A_343 = arith.constant 0 : i32
      %dma_wait3A_344 = arith.constant 0 : i32
      %dma_wait3A_345 = tpu.memref_slice %arg13[%dma_wait3A_343, %dma_wait3A_344] : memref<160x128xf32, #tpu.memory_space<vmem>> -> memref<80x128xf32, #tpu.memory_space<vmem>>
      %dma_wait3A_346 = arith.constant 0 : i32
      %dma_wait3A_347 = arith.constant 0 : i32
      %dma_wait3A_348 = tpu.memref_slice %arg15[%dma_wait3A_346, %dma_wait3A_347] : memref<10240x128xf32, #tpu.memory_space<vmem_shared>> -> memref<10240x128xf32, #tpu.memory_space<vmem_shared>>
      tpu.wait_indirect_dma semaphore(%arg18 : memref<!tpu.dma_semaphore, #tpu.memory_space<semaphore_mem>>) src(%dma_wait3A_345 : memref<80x128xf32, #tpu.memory_space<vmem>>) dst(%dma_wait3A_348 : memref<10240x128xf32, #tpu.memory_space<vmem_shared>>)
      %dma_wait3A_349 = arith.constant 80 : i32
      %dma_wait3A_350 = arith.constant 0 : i32
      %dma_wait3A_351 = tpu.memref_slice %arg13[%dma_wait3A_349, %dma_wait3A_350] : memref<160x128xf32, #tpu.memory_space<vmem>> -> memref<80x128xf32, #tpu.memory_space<vmem>>
      %dma_wait3A_352 = arith.constant 0 : i32
      %dma_wait3A_353 = arith.constant 0 : i32
      %dma_wait3A_354 = tpu.memref_slice %arg15[%dma_wait3A_352, %dma_wait3A_353] : memref<10240x128xf32, #tpu.memory_space<vmem_shared>> -> memref<10240x128xf32, #tpu.memory_space<vmem_shared>>
      tpu.wait_indirect_dma semaphore(%arg18 : memref<!tpu.dma_semaphore, #tpu.memory_space<semaphore_mem>>) src(%dma_wait3A_351 : memref<80x128xf32, #tpu.memory_space<vmem>>) dst(%dma_wait3A_354 : memref<10240x128xf32, #tpu.memory_space<vmem_shared>>)
    } else {
    }
    %barrier3A_47 = arith.constant 0 : index
    tpu.barrier barrier_id(%barrier3A_47)
    %scan3A_48 = arith.constant 0 : i32
    %scan3A_49 = arith.constant 4 : i32
    %scan3A_50 = arith.addi %scan3A_48, %scan3A_49 : i32
    %scan3A_51 = arith.constant 1 : i32
    scf.for %scan3A_53 = %scan3A_48 to %scan3A_50 step %scan3A_51  : i32 {
      %mul3A_54 = arith.constant 640 : i32
      %mul3A_55 = arith.muli %arg1, %mul3A_54 : i32
      %mul3A_56 = arith.constant 160 : i32
      %mul3A_57 = arith.muli %scan3A_53, %mul3A_56 : i32
      %add3A_58 = arith.addi %mul3A_55, %mul3A_57 : i32
      "tpu.region"() ({
        %run_scoped3A = tpu.sem_alloc : memref<!tpu.dma_semaphore, #tpu.memory_space<semaphore_mem>>
        %dma_start3A_59 = arith.constant 0 : i32
        %dma_start3A_60 = tpu.memref_slice %arg15[%add3A_58, %dma_start3A_59] : memref<10240x128xf32, #tpu.memory_space<vmem_shared>> -> memref<160x128xf32, #tpu.memory_space<vmem_shared>>
        %dma_start3A_61 = arith.constant 0 : i32
        %dma_start3A_62 = tpu.memref_slice %arg15[%add3A_58, %dma_start3A_61] : memref<10240x128xf32, #tpu.memory_space<vmem_shared>> -> memref<160x128xf32, #tpu.memory_space<vmem_shared>>
        tpu.enqueue_dma source(%dma_start3A_62 : memref<160x128xf32, #tpu.memory_space<vmem_shared>>) target(%arg13 : memref<160x128xf32, #tpu.memory_space<vmem>>) target_semaphore(%run_scoped3A : memref<!tpu.dma_semaphore, #tpu.memory_space<semaphore_mem>>)
        %dma_wait3A = arith.constant 0 : i32
        %dma_wait3A_63 = tpu.memref_slice %arg15[%add3A_58, %dma_wait3A] : memref<10240x128xf32, #tpu.memory_space<vmem_shared>> -> memref<160x128xf32, #tpu.memory_space<vmem_shared>>
        %dma_wait3A_64 = arith.constant 0 : i32
        %dma_wait3A_65 = tpu.memref_slice %arg15[%add3A_58, %dma_wait3A_64] : memref<10240x128xf32, #tpu.memory_space<vmem_shared>> -> memref<160x128xf32, #tpu.memory_space<vmem_shared>>
        tpu.wait_dma2 semaphore(%run_scoped3A : memref<!tpu.dma_semaphore, #tpu.memory_space<semaphore_mem>>) src(%dma_wait3A_65 : memref<160x128xf32, #tpu.memory_space<vmem_shared>>) dst(%arg13 : memref<160x128xf32, #tpu.memory_space<vmem>>)
        tpu.yield
      }) : () -> ()
      "tpu.region"() ({
        %run_scoped3A = tpu.sem_alloc : memref<!tpu.dma_semaphore, #tpu.memory_space<semaphore_mem>>
        %dma_start3A_59 = arith.constant 0 : i32
        %dma_start3A_60 = tpu.memref_slice %arg6[%arg0, %add3A_58, %dma_start3A_59] : memref<2x10240x128xf32, #tpu.memory_space<hbm>> -> memref<1x160x128xf32, #tpu.memory_space<hbm>>
        %dma_start3A_61 = tpu.memref_squeeze %dma_start3A_60 : memref<1x160x128xf32, #tpu.memory_space<hbm>> -> memref<160x128xf32, #tpu.memory_space<hbm>>
        %dma_start3A_62 = arith.constant 0 : i32
        %dma_start3A_63 = tpu.memref_slice %arg6[%arg0, %add3A_58, %dma_start3A_62] : memref<2x10240x128xf32, #tpu.memory_space<hbm>> -> memref<1x160x128xf32, #tpu.memory_space<hbm>>
        %dma_start3A_64 = tpu.memref_squeeze %dma_start3A_63 : memref<1x160x128xf32, #tpu.memory_space<hbm>> -> memref<160x128xf32, #tpu.memory_space<hbm>>
        tpu.enqueue_dma source(%arg13 : memref<160x128xf32, #tpu.memory_space<vmem>>) target(%dma_start3A_64 : memref<160x128xf32, #tpu.memory_space<hbm>>) target_semaphore(%run_scoped3A : memref<!tpu.dma_semaphore, #tpu.memory_space<semaphore_mem>>)
        %dma_wait3A = arith.constant 0 : i32
        %dma_wait3A_65 = tpu.memref_slice %arg6[%arg0, %add3A_58, %dma_wait3A] : memref<2x10240x128xf32, #tpu.memory_space<hbm>> -> memref<1x160x128xf32, #tpu.memory_space<hbm>>
        %dma_wait3A_66 = tpu.memref_squeeze %dma_wait3A_65 : memref<1x160x128xf32, #tpu.memory_space<hbm>> -> memref<160x128xf32, #tpu.memory_space<hbm>>
        %dma_wait3A_67 = arith.constant 0 : i32
        %dma_wait3A_68 = tpu.memref_slice %arg6[%arg0, %add3A_58, %dma_wait3A_67] : memref<2x10240x128xf32, #tpu.memory_space<hbm>> -> memref<1x160x128xf32, #tpu.memory_space<hbm>>
        %dma_wait3A_69 = tpu.memref_squeeze %dma_wait3A_68 : memref<1x160x128xf32, #tpu.memory_space<hbm>> -> memref<160x128xf32, #tpu.memory_space<hbm>>
        tpu.wait_dma2 semaphore(%run_scoped3A : memref<!tpu.dma_semaphore, #tpu.memory_space<semaphore_mem>>) src(%arg13 : memref<160x128xf32, #tpu.memory_space<vmem>>) dst(%dma_wait3A_69 : memref<160x128xf32, #tpu.memory_space<hbm>>)
        tpu.yield
      }) : () -> ()
    }
    %scan3A_52 = arith.constant 4 : i32
    return
  }
}

module attributes {stable_mosaic.version = 14 : i64} {
  func.func @_pre_body(%arg0: i32, %arg1: memref<2000x128xf32, #tpu.memory_space<vmem>>, %arg2: memref<2000x128xf32, #tpu.memory_space<vmem>>, %arg3: memref<128x128xf32, #tpu.memory_space<vmem>>, %arg4: memref<1x128xf32, #tpu.memory_space<vmem>>, %arg5: memref<2000x128xf32, #tpu.memory_space<vmem>>) attributes {dimension_semantics = [#tpu.dimension_semantics<arbitrary>], iteration_bounds = array<i64: 5>, scalar_prefetch = 0 : i64, scratch_operands = 0 : i64, tpu.core_type = #tpu.core_type<tc>, window_params = [{transform_indices = @transform_0, window_bounds = array<i64: 2000, 128>}, {transform_indices = @transform_1, window_bounds = array<i64: 2000, 128>}, {pipeline_mode = #tpu.pipeline_mode<synchronous>, transform_indices = @transform_2, window_bounds = array<i64: 128, 128>}, {pipeline_mode = #tpu.pipeline_mode<synchronous>, transform_indices = @transform_3, window_bounds = array<i64: 1, 128>}, {transform_indices = @transform_4, window_bounds = array<i64: 2000, 128>}]} {
    %get3A = arith.constant 0 : index
    %get3A_0 = arith.constant 0 : index
    %get3A_1 = vector.load %arg1[%get3A, %get3A_0] : memref<2000x128xf32, #tpu.memory_space<vmem>>, vector<2000x128xf32>
    %get3A_2 = arith.constant 0 : index
    %get3A_3 = arith.constant 0 : index
    %get3A_4 = vector.load %arg3[%get3A_2, %get3A_3] : memref<128x128xf32, #tpu.memory_space<vmem>>, vector<128x128xf32>
    %dot_general3A = arith.constant dense<0.000000e+00> : vector<2000x128xf32>
    %dot_general3A_5 = tpu.matmul %get3A_1, %get3A_4, %dot_general3A {dimension_numbers = #tpu.dot_dimension_numbers<[1], [0], [0], [1], [0, 0, 1, 1], [], []>, transpose_lhs_hint = false} : vector<2000x128xf32>, vector<128x128xf32>, vector<2000x128xf32> -> vector<2000x128xf32>
    %get3A_6 = arith.constant 0 : index
    %get3A_7 = arith.constant 0 : index
    %get3A_8 = vector.load %arg4[%get3A_6, %get3A_7] : memref<1x128xf32, #tpu.memory_space<vmem>>, vector<1x128xf32>
    %add3A = vector.broadcast %get3A_8 : vector<1x128xf32> to vector<2000x128xf32>
    %add3A_9 = arith.addf %dot_general3A_5, %add3A : vector<2000x128xf32>
    %logistic3A = arith.negf %add3A_9 : vector<2000x128xf32>
    %logistic3A_10 = math.exp %logistic3A : vector<2000x128xf32>
    %logistic3A_11 = arith.constant 1.000000e+00 : f32
    %logistic3A_12 = vector.broadcast %logistic3A_11 : f32 to vector<2000x128xf32>
    %logistic3A_13 = arith.addf %logistic3A_12, %logistic3A_10 : vector<2000x128xf32>
    %logistic3A_14 = arith.divf %logistic3A_12, %logistic3A_13 : vector<2000x128xf32>
    %get3A_15 = arith.constant 0 : index
    %get3A_16 = arith.constant 0 : index
    %get3A_17 = vector.load %arg2[%get3A_15, %get3A_16] : memref<2000x128xf32, #tpu.memory_space<vmem>>, vector<2000x128xf32>
    %mul3A = arith.mulf %logistic3A_14, %get3A_17 : vector<2000x128xf32>
    %swap3A = arith.constant 0 : index
    %swap3A_18 = arith.constant 0 : index
    %swap3A_19 = vector.load %arg5[%swap3A, %swap3A_18] : memref<2000x128xf32, #tpu.memory_space<vmem>>, vector<2000x128xf32>
    tpu.vector_store %arg5[%swap3A, %swap3A_18], %mul3A {strides = array<i32>} : memref<2000x128xf32, #tpu.memory_space<vmem>>, vector<2000x128xf32>,
    return
  }
  func.func @transform_0(%arg0: i32) -> (i32, i32) {
    %c0_i32 = arith.constant 0 : i32
    %c0_i32_0 = arith.constant 0 : i32
    return %arg0, %c0_i32 : i32, i32
  }
  func.func @transform_1(%arg0: i32) -> (i32, i32) {
    %c0_i32 = arith.constant 0 : i32
    %c0_i32_0 = arith.constant 0 : i32
    return %arg0, %c0_i32 : i32, i32
  }
  func.func @transform_2(%arg0: i32) -> (i32, i32) {
    %c0_i32 = arith.constant 0 : i32
    %c0_i32_0 = arith.constant 0 : i32
    %c0_i32_1 = arith.constant 0 : i32
    return %c0_i32, %c0_i32_0 : i32, i32
  }
  func.func @transform_3(%arg0: i32) -> (i32, i32) {
    %c0_i32 = arith.constant 0 : i32
    %c0_i32_0 = arith.constant 0 : i32
    %c0_i32_1 = arith.constant 0 : i32
    return %c0_i32, %c0_i32_0 : i32, i32
  }
  func.func @transform_4(%arg0: i32) -> (i32, i32) {
    %c0_i32 = arith.constant 0 : i32
    %c0_i32_0 = arith.constant 0 : i32
    return %arg0, %c0_i32 : i32, i32
  }
}

module attributes {stable_mosaic.version = 14 : i64} {
  func.func @_post_body(%arg0: i32, %arg1: memref<1x2000x128xf32, #tpu.memory_space<vmem>>, %arg2: memref<1x2000x128xf32, #tpu.memory_space<vmem>>, %arg3: memref<2000x128xf32, #tpu.memory_space<vmem>>, %arg4: memref<128x384xf32, #tpu.memory_space<vmem>>, %arg5: memref<128x384xf32, #tpu.memory_space<vmem>>, %arg6: memref<1x384xf32, #tpu.memory_space<vmem>>, %arg7: memref<2000x128xf32, #tpu.memory_space<vmem>>, %arg8: memref<2000x128xf32, #tpu.memory_space<vmem>>) attributes {dimension_semantics = [#tpu.dimension_semantics<arbitrary>], iteration_bounds = array<i64: 5>, scalar_prefetch = 0 : i64, scratch_operands = 0 : i64, tpu.core_type = #tpu.core_type<tc>, window_params = [{transform_indices = @transform_0, window_bounds = array<i64: 1, 2000, 128>}, {transform_indices = @transform_1, window_bounds = array<i64: 1, 2000, 128>}, {transform_indices = @transform_2, window_bounds = array<i64: 2000, 128>}, {pipeline_mode = #tpu.pipeline_mode<synchronous>, transform_indices = @transform_3, window_bounds = array<i64: 128, 384>}, {pipeline_mode = #tpu.pipeline_mode<synchronous>, transform_indices = @transform_4, window_bounds = array<i64: 128, 384>}, {pipeline_mode = #tpu.pipeline_mode<synchronous>, transform_indices = @transform_5, window_bounds = array<i64: 1, 384>}, {transform_indices = @transform_6, window_bounds = array<i64: 2000, 128>}, {transform_indices = @transform_7, window_bounds = array<i64: 2000, 128>}]} {
    %get3A = arith.constant 0 : index
    %get3A_0 = arith.constant 0 : index
    %get3A_1 = arith.constant 0 : index
    %get3A_2 = vector.load %arg1[%get3A, %get3A_0, %get3A_1] : memref<1x2000x128xf32, #tpu.memory_space<vmem>>, vector<1x2000x128xf32>
    %get3A_3 = vector.shape_cast %get3A_2 : vector<1x2000x128xf32> to vector<2000x128xf32>
    %get3A_4 = arith.constant 0 : index
    %get3A_5 = arith.constant 0 : index
    %get3A_6 = vector.load %arg5[%get3A_4, %get3A_5] : memref<128x384xf32, #tpu.memory_space<vmem>>, vector<128x384xf32>
    %dot_general3A = arith.constant dense<0.000000e+00> : vector<2000x384xf32>
    %dot_general3A_7 = tpu.matmul %get3A_3, %get3A_6, %dot_general3A {dimension_numbers = #tpu.dot_dimension_numbers<[1], [0], [0], [1], [0, 0, 1, 1], [], []>, transpose_lhs_hint = false} : vector<2000x128xf32>, vector<128x384xf32>, vector<2000x384xf32> -> vector<2000x384xf32>
    %get3A_8 = arith.constant 0 : index
    %get3A_9 = arith.constant 0 : index
    %get3A_10 = vector.load %arg3[%get3A_8, %get3A_9] : memref<2000x128xf32, #tpu.memory_space<vmem>>, vector<2000x128xf32>
    %get3A_11 = arith.constant 0 : index
    %get3A_12 = arith.constant 0 : index
    %get3A_13 = vector.load %arg4[%get3A_11, %get3A_12] : memref<128x384xf32, #tpu.memory_space<vmem>>, vector<128x384xf32>
    %dot_general3A_14 = arith.constant dense<0.000000e+00> : vector<2000x384xf32>
    %dot_general3A_15 = tpu.matmul %get3A_10, %get3A_13, %dot_general3A_14 {dimension_numbers = #tpu.dot_dimension_numbers<[1], [0], [0], [1], [0, 0, 1, 1], [], []>, transpose_lhs_hint = false} : vector<2000x128xf32>, vector<128x384xf32>, vector<2000x384xf32> -> vector<2000x384xf32>
    %add3A = arith.addf %dot_general3A_15, %dot_general3A_7 : vector<2000x384xf32>
    %get3A_16 = arith.constant 0 : index
    %get3A_17 = arith.constant 0 : index
    %get3A_18 = vector.load %arg6[%get3A_16, %get3A_17] : memref<1x384xf32, #tpu.memory_space<vmem>>, vector<1x384xf32>
    %add3A_19 = vector.broadcast %get3A_18 : vector<1x384xf32> to vector<2000x384xf32>
    %add3A_20 = arith.addf %add3A, %add3A_19 : vector<2000x384xf32>
    %slice3A = vector.extract_strided_slice %add3A_20 {offsets = [0, 0], sizes = [2000, 128], strides = [1, 1]} : vector<2000x384xf32> to vector<2000x128xf32>
    %logistic3A = arith.negf %slice3A : vector<2000x128xf32>
    %logistic3A_21 = math.exp %logistic3A : vector<2000x128xf32>
    %logistic3A_22 = arith.constant 1.000000e+00 : f32
    %logistic3A_23 = vector.broadcast %logistic3A_22 : f32 to vector<2000x128xf32>
    %logistic3A_24 = arith.addf %logistic3A_23, %logistic3A_21 : vector<2000x128xf32>
    %logistic3A_25 = arith.divf %logistic3A_23, %logistic3A_24 : vector<2000x128xf32>
    %slice3A_26 = vector.extract_strided_slice %add3A_20 {offsets = [0, 128], sizes = [2000, 128], strides = [1, 1]} : vector<2000x384xf32> to vector<2000x128xf32>
    %logistic3A_27 = arith.negf %slice3A_26 : vector<2000x128xf32>
    %logistic3A_28 = math.exp %logistic3A_27 : vector<2000x128xf32>
    %logistic3A_29 = arith.constant 1.000000e+00 : f32
    %logistic3A_30 = vector.broadcast %logistic3A_29 : f32 to vector<2000x128xf32>
    %logistic3A_31 = arith.addf %logistic3A_30, %logistic3A_28 : vector<2000x128xf32>
    %logistic3A_32 = arith.divf %logistic3A_30, %logistic3A_31 : vector<2000x128xf32>
    %slice3A_33 = vector.extract_strided_slice %add3A_20 {offsets = [0, 256], sizes = [2000, 128], strides = [1, 1]} : vector<2000x384xf32> to vector<2000x128xf32>
    %tanh3A = math.tanh %slice3A_33 : vector<2000x128xf32>
    %mul3A = arith.mulf %logistic3A_25, %tanh3A : vector<2000x128xf32>
    %get3A_34 = arith.constant 0 : index
    %get3A_35 = arith.constant 0 : index
    %get3A_36 = arith.constant 0 : index
    %get3A_37 = vector.load %arg2[%get3A_34, %get3A_35, %get3A_36] : memref<1x2000x128xf32, #tpu.memory_space<vmem>>, vector<1x2000x128xf32>
    %get3A_38 = vector.shape_cast %get3A_37 : vector<1x2000x128xf32> to vector<2000x128xf32>
    %add3A_39 = arith.addf %mul3A, %get3A_38 : vector<2000x128xf32>
    %tanh3A_40 = math.tanh %add3A_39 : vector<2000x128xf32>
    %mul3A_41 = arith.mulf %logistic3A_32, %tanh3A_40 : vector<2000x128xf32>
    %swap3A = arith.constant 0 : index
    %swap3A_42 = arith.constant 0 : index
    %swap3A_43 = vector.load %arg7[%swap3A, %swap3A_42] : memref<2000x128xf32, #tpu.memory_space<vmem>>, vector<2000x128xf32>
    tpu.vector_store %arg7[%swap3A, %swap3A_42], %mul3A_41 {strides = array<i32>} : memref<2000x128xf32, #tpu.memory_space<vmem>>, vector<2000x128xf32>,
    %swap3A_44 = arith.constant 0 : index
    %swap3A_45 = arith.constant 0 : index
    %swap3A_46 = vector.load %arg8[%swap3A_44, %swap3A_45] : memref<2000x128xf32, #tpu.memory_space<vmem>>, vector<2000x128xf32>
    tpu.vector_store %arg8[%swap3A_44, %swap3A_45], %add3A_39 {strides = array<i32>} : memref<2000x128xf32, #tpu.memory_space<vmem>>, vector<2000x128xf32>,
    return
  }
  func.func @transform_0(%arg0: i32) -> (i32, i32, i32) {
    %c0_i32 = arith.constant 0 : i32
    %c0_i32_0 = arith.constant 0 : i32
    %c0_i32_1 = arith.constant 0 : i32
    return %c0_i32, %arg0, %c0_i32_0 : i32, i32, i32
  }
  func.func @transform_1(%arg0: i32) -> (i32, i32, i32) {
    %c1_i32 = arith.constant 1 : i32
    %c0_i32 = arith.constant 0 : i32
    %c0_i32_0 = arith.constant 0 : i32
    return %c1_i32, %arg0, %c0_i32 : i32, i32, i32
  }
  func.func @transform_2(%arg0: i32) -> (i32, i32) {
    %c0_i32 = arith.constant 0 : i32
    %c0_i32_0 = arith.constant 0 : i32
    return %arg0, %c0_i32 : i32, i32
  }
  func.func @transform_3(%arg0: i32) -> (i32, i32) {
    %c0_i32 = arith.constant 0 : i32
    %c0_i32_0 = arith.constant 0 : i32
    %c0_i32_1 = arith.constant 0 : i32
    return %c0_i32, %c0_i32_0 : i32, i32
  }
  func.func @transform_4(%arg0: i32) -> (i32, i32) {
    %c0_i32 = arith.constant 0 : i32
    %c0_i32_0 = arith.constant 0 : i32
    %c0_i32_1 = arith.constant 0 : i32
    return %c0_i32, %c0_i32_0 : i32, i32
  }
  func.func @transform_5(%arg0: i32) -> (i32, i32) {
    %c0_i32 = arith.constant 0 : i32
    %c0_i32_0 = arith.constant 0 : i32
    %c0_i32_1 = arith.constant 0 : i32
    return %c0_i32, %c0_i32_0 : i32, i32
  }
  func.func @transform_6(%arg0: i32) -> (i32, i32) {
    %c0_i32 = arith.constant 0 : i32
    %c0_i32_0 = arith.constant 0 : i32
    return %arg0, %c0_i32 : i32, i32
  }
  func.func @transform_7(%arg0: i32) -> (i32, i32) {
    %c0_i32 = arith.constant 0 : i32
    %c0_i32_0 = arith.constant 0 : i32
    return %arg0, %c0_i32 : i32, i32
  }
}

</mosaic_0001>

<sc_bundles>
// kernel: kernel.5.cloned.1.call-start
scs
__scs_entry_jumppad:
0x0: {  	(pc) =	sbr.rel $0x88, $3  }
0x1: {  	(tag) =	ssettag $0x0;
	lr =	simm.s32 $0x1  }
0x2: {  	[smem:$0x3F98] =	sst lr;
	_ =	strace $0xD0000000  }
0x3: {  	_ = 	snop  }
0x4: {  	_ = 	snop  }
0x5: {  	_ = 	snop  }
0x6: {  	_ = 	snop  }
0x7: {  	_ = 	snop  }
__scs_overlays_trampoline_lowered:
0x8: {  	[smem:$0x3FA7] =	sst s0  }
0x9: {  	[smem:$0x3FA8] =	sst s1  }
0xa: {  	[smem:$0x3FA9] =	sst s2  }
0xb: {  	[smem:$0x3FAA] =	sst s3  }
0xc: {  	[smem:$0x3FAB] =	sst s4  }
0xd: {  	[smem:$0x3FAC] =	sst s5  }
0xe: {  	[smem:$0x3FAD] =	sst s6  }
0xf: {  	[smem:$0x3FAE] =	sst s7  }
0x10: {  	[smem:$0x3FAF] =	sst s8  }
0x11: {  	[smem:$0x3FB0] =	sst s9;
	s0 =	simm.s32 @!p0 $0x0  }
0x12: {  	s1 =	sld [smem:$0x3F96];
	s0 =	simm.s32 @p0 $0x1  }
0x13: {  	[smem:$0x3FB1] =	sst s0;
	s0 =	simm.s32 @!p1 $0x0  }
0x14: {  	s2 =	sld [smem:$0x3F95];
	s0 =	simm.s32 @p1 $0x1  }
0x15: {  	[smem:$0x3FB2] =	sst s0;
	s0 =	simm.s32 @!p2 $0x0  }
0x16: {  	s3 =	sld [smem:$0x3FDB];
	s0 =	simm.s32 @p2 $0x1  }
0x17: {  	s4 =	simm.s32 $0x1BF5;
	[smem:$0x3FB4] =	sst s0  }
0x18: {  	s0 =	sld [smem:$0x3F97];
	_ =	swait.ge [sflag:s4], $0x0  }
0x19: {  	s7 =	sld [smem:$0x3F98]  }
0x1a: {  	s8 =	sadd.s32 $0xFFFFE003, lr  }
0x1b: {  	s9 =	sadd.s32 $0xFFFFFEF7, lr;
	s5 =	simm.s32 $0xFFFFFFFF;
	p2 =	slt.u32 s8, $0xFFFFF086  }
0x1c: {  	p1 =	slt.u32 s9, $0xF7A;
	s5 =	simm.s32 @!p2 $0x0  }
0x1d: {  	s5 =	simm.s32 @p1 $0x1;
	p0 =	seq.s32 s7, s2  }
0x1e: {  	s7 =	smul.u32 @!p0 $0xF7A, s2;
	p2 =	seq.s32 @!p0 s5, $0x0  }
0x1f: {  	s9 =	smul.u32 $0xF7A, s1;
	s8 =	simm.s32 @!p0 $0x1BF5;
	p2 =	por !p2, p0  }
0x20: {  	[sflag:s8] =	ssyncset.s32 @!p0 $0xFFFFF086;
	s6 =	sadd.s32 @!p0 s3, s7;
	s7 =	simm.s32 @!p0 $0x108  }
0x21: {  	s3 =	sadd.s32 s3, s9;
	s6 =	sadd.s32 @!p0 $0x88, s6;
	s7 =	simm.s32 @p2 $0x1082  }
0x22: {  	[simem:s7], [sflag:s8] =	dma.local @!p0 [hbm:s6], $0xF7A  }
0x23: {  	s9 =	sor.u32 $0xD0000000, s2;
	s6 =	simm.s32 $0x108;
	_ =	swait.ge @!p0 [sflag:s8], $0x0  }
0x24: {  	s3 =	sadd.s32 $0x88, s3;
	s6 =	simm.s32 @!p1 $0x1082;
	[sflag:s4] =	ssyncset.s32 $0xFFFFF086  }
0x25: {  	[simem:s6], [sflag:s4] =	dma.local [hbm:s3], $0xF7A  }
0x26: {  	[smem:$0x3F98] =	sst s1;
	(tag) =	ssettag s2;
	_ =	strace s9  }
0x27: {  	s1 =	sld [smem:$0x3FA8]  }
0x28: {  	s2 =	sld [smem:$0x3FA9]  }
0x29: {  	s4 =	sld [smem:$0x3FAB]  }
0x2a: {  	p0 =	seq.s32 s5, $0x0;
	s5 =	sld [smem:$0x3FAC]  }
0x2b: {  	s6 =	sld [smem:$0x3FAD]  }
0x2c: {  	s7 =	sld [smem:$0x3FAE]  }
0x2d: {  	s3 =	simm.s32 $0x108;
	s8 =	sld [smem:$0x3FAF]  }
0x2e: {  	s3 =	simm.s32 @!p0 $0x1082;
	s9 =	sld [smem:$0x3FB0]  }
0x2f: {  	lr =	sadd.s32 s0, s3;
	s0 =	sld [smem:$0x3FA7]  }
0x30: {  	s3 =	sld [smem:$0x3FAA]  }
0x31: {  	[smem:$0x3FB3] =	sst s10  }
0x32: {  	s10 =	sld [smem:$0x3FB1];
	_ =	sdelay $0x3  }
0x33: {  	p0 =	seq.s32 s10, $0x1;
	s10 =	sld [smem:$0x3FB3];
	_ =	sdelay $0x3  }
0x34: {  	[smem:$0x3FB3] =	sst s10  }
0x35: {  	s10 =	sld [smem:$0x3FB2];
	_ =	sdelay $0x3  }
0x36: {  	p1 =	seq.s32 s10, $0x1;
	s10 =	sld [smem:$0x3FB3];
	_ =	sdelay $0x3  }
0x37: {  	[smem:$0x3FB3] =	sst s10  }
0x38: {  	s10 =	sld [smem:$0x3FB4]  }
0x39: {  	_ = 	snop;
	(pc) =	sbr.ind lr, $3  }
0x3a: {  	_ = 	snop  }
0x3b: {  	_ = 	snop  }
0x3c: {  	p2 =	seq.s32 s10, $0x1;
	s10 =	sld [smem:$0x3FB3]  }
0x3d: {  	_ =	shalt  }
0x3e: {  	_ =	shalt  }
0x3f: {  	_ =	shalt  }
0x40: {  	_ =	shalt  }
0x41: {  	_ =	shalt  }
0x42: {  	_ =	shalt  }
0x43: {  	_ =	shalt  }
0x44: {  	_ =	shalt  }
0x45: {  	_ =	shalt  }
0x46: {  	_ =	shalt  }
0x47: {  	_ =	shalt  }
0x48: {  	_ =	shalt  }
0x49: {  	_ =	shalt  }
0x4a: {  	_ =	shalt  }
0x4b: {  	_ =	shalt  }
0x4c: {  	_ =	shalt  }
0x4d: {  	_ =	shalt  }
0x4e: {  	_ =	shalt  }
0x4f: {  	_ =	shalt  }
0x50: {  	_ =	shalt  }
0x51: {  	_ =	shalt  }
0x52: {  	_ =	shalt  }
0x53: {  	_ =	shalt  }
0x54: {  	_ =	shalt  }
0x55: {  	_ =	shalt  }
0x56: {  	_ =	shalt  }
0x57: {  	_ =	shalt  }
0x58: {  	_ =	shalt  }
0x59: {  	_ =	shalt  }
0x5a: {  	_ =	shalt  }
0x5b: {  	_ =	shalt  }
0x5c: {  	_ =	shalt  }
0x5d: {  	_ =	shalt  }
0x5e: {  	_ =	shalt  }
0x5f: {  	_ =	shalt  }
0x60: {  	_ =	shalt  }
0x61: {  	_ =	shalt  }
0x62: {  	_ =	shalt  }
0x63: {  	_ =	shalt  }
0x64: {  	_ =	shalt  }
0x65: {  	_ =	shalt  }
0x66: {  	_ =	shalt  }
0x67: {  	_ =	shalt  }
0x68: {  	_ =	shalt  }
0x69: {  	_ =	shalt  }
0x6a: {  	_ =	shalt  }
0x6b: {  	_ =	shalt  }
0x6c: {  	_ =	shalt  }
0x6d: {  	_ =	shalt  }
0x6e: {  	_ =	shalt  }
0x6f: {  	_ =	shalt  }
0x70: {  	_ =	shalt  }
0x71: {  	_ =	shalt  }
0x72: {  	_ =	shalt  }
0x73: {  	_ =	shalt  }
0x74: {  	_ =	shalt  }
0x75: {  	_ =	shalt  }
0x76: {  	_ =	shalt  }
0x77: {  	_ =	shalt  }
0x78: {  	_ =	shalt  }
0x79: {  	_ =	shalt  }
0x7a: {  	_ =	shalt  }
0x7b: {  	_ =	shalt  }
0x7c: {  	_ =	shalt  }
0x7d: {  	_ =	shalt  }
0x7e: {  	_ =	shalt  }
0x7f: {  	_ =	shalt  }
0x80: {  	_ =	shalt  }
0x81: {  	_ =	shalt  }
0x82: {  	_ =	shalt  }
0x83: {  	_ =	shalt  }
0x84: {  	_ =	shalt  }
0x85: {  	_ =	shalt  }
0x86: {  	_ =	shalt  }
0x87: {  	_ =	shalt  }
.Lfunc_end0:
.L_simem_size_0:
called_computation_lowered:
.L_overlay_start_0:
0x88: {  	s2 =	sld [smem:$0x3FD9]  }
0x89: {  	s3 =	sld [smem:$0x3FFE];
	_ =	sdelay $0x1  }
0x8a: {  	s1 =	srdreg.scid  }
0x8b: {  	s0 =	sand.u32 $0x1, s1  }
0x8c: {  	s14 =	sshll.u32 s0, $0xA;
	s2 =	sadd.s32 s3, s2  }
0x8d: {  	s2 =	sadd.s32 s2, s14  }
0x8e: {  	[smem:$0x3FBF] =	sst s2  }
0x8f: {  	_ = 	snop  }
0x90: {  	s2 =	sld [smem:$0x3FD0];
	_ =	sdelay $0x2  }
0x91: {  	s4 =	simm.s32 $0xA;
	s5 =	simm.s32 $0x10;
	s15 =	sld [smem:$0x3FC8]  }
0x92: {  	[smem:s5], [sflag:s4] =	dma.local [hbm:s2], $0x1  }
0x93: {  	_ =	swait.eq [sflag:s4], $0x1  }
0x94: {  	[sflag:s4] =	ssyncset.done $0x0  }
0x95: {  	s16 =	sld [smem:$0x10];
	[sflag:s4] =	ssyncadd.s32 $0xFFFFFFFF  }
0x96: {  	s17 =	sld [smem:$0x11];
	(tm) =	ssettm $0x1  }
0x97: {  	s18 =	sld [smem:$0x3FFB];
	_ =	sdelay $0x3  }
0x98: {  	_ =	strace s18  }
0x99: {  	s5 =	sld [smem:$0x3FFC];
	_ =	sdelay $0x3  }
0x9a: {  	_ =	strace s5  }
0x9b: {  	s5 =	sld [smem:$0x3FFD];
	_ =	sdelay $0x3  }
0x9c: {  	_ =	strace s5  }
0x9d: {  	_ =	strace $0x8FFFFFFF  }
0x9e: {  	s19 =	sld [smem:$0x3FDB];
	_ =	sdelay $0x1  }
0x9f: {  	s6 =	simm.s32 $_scs_section_size  }
0xa0: {  	s7 =	simm.s32 $_size__tile_overlayer_lowered;
	s8 =	simm.s32 $_tile_overlayer_lowered  }
0xa1: {  	s22 =	simm.s32 $0x1BFF;
	s21 =	sshll.u32 s8, $0x1;
	s5 =	sadd.s32 s6, s19  }
0xa2: {  	s9 =	simm.s32 $0x0;
	s20 =	sshll.u32 s7, $0x1;
	s7 =	sadd.s32 s21, s5  }
0xa3: {  	[timem:s9], [sflag:s22] =	dma.local [hbm:s7], s20  }
0xa4: {  	_ =	swait.ge [sflag:s22], s20  }
0xa5: {  	s6 =	ssub.s32 $0x0, s20;
	[sflag:s22] =	ssyncset.done $0x0  }
0xa6: {  	[sflag:s22] =	ssyncadd.s32 s6;
	_ =	sdelay $0x1  }
0xa7: {  	s23 =	simm.s32 $0x1B8B  }
0xa8: {  	_ =	swait.ge [sflag:s23], $0x1  }
0xa9: {  	[sflag:s23] =	ssyncset.done $0x0  }
0xaa: {  	s25 =	simm.s32 $0x1B8E;
	s24 =	sld [smem:$0x3FFE];
	[sflag:s23] =	ssyncadd.s32 $0xFFFFFFFF  }
0xab: {  	s26 =	simm.s32 $execute0_lowered;
	[smem:$0x3FD2] =	sst s25  }
0xac: {  	s7 =	sshll.u32 s26, $0x1;
	_ =	strace $0x80000046;
	[dreg:$0x1] =	wrdreg $0xFFFFFFFF  }
0xad: {  	s28 =	simm.s32 $_size_execute0_lowered;
	s5 =	sadd.s32 s5, s7;
	[dreg:$0x0] =	wrdreg $0x0  }
0xae: {  	s7 =	sshll.u32 s28, $0x1;
	[dreg:$0x2] =	wrdreg s5  }
0xaf: {  	[dreg:$0x3] =	wrdreg s7  }
0xb0: {  	[dreg:$0x4] =	wrdreg $0xC0  }
0xb1: {  	_ =	task [dreg:s9], $0x5FFFF  }
0xb2: {  	[dreg:$0x1] =	wrdreg $0xFFFFFFFF  }
0xb3: {  	[dreg:$0x0] =	wrdreg $0x60  }
0xb4: {  	[dreg:$0x2] =	wrdreg s15  }
0xb5: {  	[dreg:$0x3] =	wrdreg s17  }
0xb6: {  	[dreg:$0x4] =	wrdreg s24  }
0xb7: {  	[dreg:$0x5] =	wrdreg s16  }
0xb8: {  	[dreg:$0x6] =	wrdreg $0xA4000  }
0xb9: {  	[dreg:$0x7] =	wrdreg $0x9  }
0xba: {  	_ =	task.clear_ibuf [dreg:s9], $0x8FFFF;
	_ =	strace $0x90000046  }
0xbb: {  	s29 =	simm.s32 $0x9;
	_ =	strace $0x80000048  }
0xbc: {  	_ =	swait.ge [sflag:s29], $0x1  }
0xbd: {  	[sflag:s29] =	ssyncadd.s32 $0xFFFFFFFF  }
0xbe: {  	_ =	strace $0x90000048  }
0xbf: {  	_ =	sfence  }
0xc0: {  	s30 =	sld [smem:$0x0];
	_ =	sdelay $0x2  }
0xc1: {  	s31 =	sshll.u32 s1, $0xD;
	s1 =	sshrl.u32 s1, $0x2  }
0xc2: {  	s3 =	sand.u32 $0x4000, s31;
	s1 =	sadd.s32 s1, s30  }
0xc3: {  	s0 =	sor.u32 s3, s0;
	s1 =	sshll.u32 s1, $0x11  }
0xc4: {  	s0 =	sor.u32 s1, s0  }
0xc5: {  	s0 =	sadd.s32 $0x8F2B, s0  }
0xc6: {  	[sflag:s0] =	ssyncadd.remote.s32 $0x1  }
0xc7: {  	_ =	sfence.sel $0xFFFF  }
0xc8: {  	[dreg:$0x0] =	wrdreg $0xFFFFFFFF;
	(pc) =	sbr.abs _section_cstart, $3  }
0xc9: {  	[dreg:$0x1] =	wrdreg $0xFFFFFFFF  }
0xca: {  	_ =	task.clear_ibuf [dreg:s9], $0x2FFFF;
	_ =	strace $0x9FFFFFFF  }
0xcb: {  	(tm) =	ssettm $0x7FFFFFFF  }
tec
execute0_lowered:
.L_overlay_start_1:
0x0: {  	(tag) =	ssettag $0x1  }
0x1: {  	s1 =	rddreg [dreg:$0x0]  }
0x2: {  	s2 =	rddreg [dreg:$0x1]  }
0x3: {  	s0 =	rddreg [dreg:$0x2]  }
0x4: {  	s3 =	rddreg [dreg:$0x3]  }
0x5: {  	s4 =	rddreg [dreg:$0x4]  }
0x6: {  	s5 =	simm.s32 $0x0;
	s6 =	srdreg.scid;
	s16 =	stileid.u32  }
0x7: {  	s28 =	simm.s32 $0x280;
	s29 =	simm.s32 $0x100;
	s7 =	smul.u32 $0x4E20, s16  }
0x8: {  	s30 =	simm.s32 $0x300;
	s31 =	simm.s32 $0x380;
	s22 =	smul.u32 $0x14000, s16  }
0x9: {  	[smem:$0x7FF] =	sst s5;
	s6 =	sand.u32 $0x1, s6;
	s25 =	smul.u32 $0x50000, s16  }
0xa: {  	s9 =	sadd.s32 $0x1600, s0;
	s0 =	sadd.s32 $0xB400, s0;
	s16 =	smul.u32 $0x9C4, s16  }
0xb: {  	_ =	strace $0x80000047;
	s8 =	ssub.s32 $0x2, s6;
	s11 =	smul.u32 $0x140000, s6  }
0xc: {  	p0 =	seq.s32 s6, $0x1;
	s6 =	simm.s32 $0x5;
	s10 =	sshrl.u32 s8, $0x1  }
0xd: {  	s7 =	sshrl.u32 s7, $0x3;
	s13 =	sadd.s32 $0x5000, s22;
	s14 =	sadd.s32 $0xA000, s22  }
0xe: {  	s8 =	ssub.s32 s8, s10;
	s19 =	sadd.s32 s9, s7;
	s17 =	sadd.s32 s3, s7  }
0xf: {  	s20 =	sadd.s32 $0x14, s7;
	s24 =	sadd.s32 $0x9B0, s7;
	[dreg:$0x6] =	wrdreg s19  }
0x10: {  	s26 =	sadd.s32 s11, s22;
	s12 =	sadd.s32 $0xA, s17;
	[dreg:$0x7] =	wrdreg s17  }
0x11: {  	s15 =	sadd.s32 s11, s13;
	s21 =	sadd.s32 s9, s20;
	[dreg:$0x8] =	wrdreg s12  }
0x12: {  	s7 =	simm.s32 $0x4;
	s10 =	sadd.s32 s3, s20;
	[dreg:$0x9] =	wrdreg s21  }
0x13: {  	s23 =	sadd.s32 $0x1E, s17;
	s19 =	sadd.s32 s9, s24;
	[dreg:$0xa] =	wrdreg s10  }
0x14: {  	s20 =	sadd.s32 s3, s24;
	s24 =	sadd.s32 s13, s4;
	[dreg:$0xb] =	wrdreg s23  }
0x15: {  	s13 =	simm.s32 $0x2;
	s10 =	sshrl.u32 s26, $0x3;
	[dreg:$0x10] =	wrdreg s19  }
0x16: {  	s12 =	sadd.s32 $0xF000, s22;
	[dreg:$0x11] =	wrdreg s20;
	s19 =	sadd.s32 s16, s9  }
0x17: {  	s21 =	sadd.s32 $0x9BA, s17;
	s22 =	sshrl.u32 s25, $0x2;
	s23 =	smax.u32 s8, $0x1  }
0x18: {  	[dreg:$0x15] =	wrdreg s24;
	s25 =	sadd.s32 s14, s4;
	s8 =	simm.s32 $0x7  }
0x19: {  	s9 =	simm.s32 $0x28;
	s17 =	simm.s32 $0x6;
	[dreg:$0x12] =	wrdreg s21  }
0x1a: {  	s20 =	simm.s32 $0x8;
	s24 =	simm.s32 $0x7C00;
	[dreg:$0x14] =	wrdreg s23  }
0x1b: {  	s10 =	sadd.s32 s0, s10;
	[dreg:$0x16] =	wrdreg s25;
	s26 =	sadd.s32 s12, s4  }
0x1c: {  	[dreg:$0xc] =	wrdreg s10;
	s10 =	sshrl.u32 s15, $0x3;
	s15 =	sadd.s32 s11, s14  }
0x1d: {  	s11 =	sadd.s32 s11, s12;
	[dreg:$0x17] =	wrdreg s26;
	s26 =	simm.s32 $0x200  }
0x1e: {  	s12 =	simm.s32 $0x2C00;
	s14 =	simm.s32 $0xA;
	s10 =	sadd.s32 s0, s10  }
0x1f: {  	s15 =	sshrl.u32 s15, $0x3;
	s11 =	sshrl.u32 s11, $0x3;
	[dreg:$0xd] =	wrdreg s10  }
.Ltmp0:
0x20: {  	s18 =	sadd.s32 s0, s15;
	s0 =	sadd.s32 s0, s11;
	(pc) =	sbr.rel .LBB2_1-.Ltmp0, $4  }
0x21: {  	s11 =	simm.s32 $0x50;
	s15 =	simm.s32 $0x1;
	[dreg:$0xe] =	wrdreg s18  }
0x22: {  	s10 =	simm.s32 $0x3;
	[dreg:$0xf] =	wrdreg s0;
	s18 =	sadd.s32 s16, s3  }
0x23: {  	s0 =	sadd.s32 s22, s4;
	s16 =	simm.s32 $0x9;
	s22 =	simm.s32 $0x5400  }
0x24: {  	v0 =	vimm.f32 $0.0e+00;
	s3 =	simm.s32 $0x0;
	[dreg:$0x13] =	wrdreg s0;
	s0 =	simm.s32 $0x400  }
.LBB2_6:
0x25: {  	[tilespmem:s31], [sflag:$0x8] =	stream.linear.gather [hbm4b:s23+s5], $0x50, $0x38;
	[tilespmem:$0x1E400] =	vst v63  }
0x26: {  	s21 =	smov.u32 s1  }
.LBB2_10:
0x27: {  	_ =	swait.ge [sflag:s15], $0x1400  }
0x28: {  	[sflag:s15] =	ssyncset.done $0x0  }
0x29: {  	[sflag:s15] =	ssyncadd.s32 $0xFFFFEC00  }
0x2a: {  	_ =	swait.ge [sflag:s16], $0x1400  }
0x2b: {  	[sflag:s16] =	ssyncset.done $0x0  }
0x2c: {  	[sflag:s16] =	ssyncadd.s32 $0xFFFFEC00  }
0x2d: {  	[spmem:s4] =	stream.indirect.scatter.add.f32 [tilespmem:s0], [sflag:$0x3], $0x80, s26, s11, $0xb8;
	[tilespmem:$0x1E400] =	vst v63  }
0x2e: {  	_ =	swait.ge [sflag:s15], $0x1400  }
0x2f: {  	[sflag:s15] =	ssyncset.done $0x0  }
0x30: {  	[sflag:s15] =	ssyncadd.s32 $0xFFFFEC00  }
0x31: {  	_ =	swait.ge [sflag:s16], $0x1400  }
0x32: {  	[sflag:s16] =	ssyncset.done $0x0  }
0x33: {  	[sflag:s16] =	ssyncadd.s32 $0xFFFFEC00  }
0x34: {  	[spmem:s4] =	stream.indirect.scatter.add.f32 [tilespmem:s12], [sflag:$0x3], $0x80, s28, s11, $0xb8;
	[tilespmem:$0x1E400] =	vst v63  }
0x35: {  	s3 =	rddreg [dreg:$0x10]  }
0x36: {  	[tilespmem:s5], [sflag:$0x5] =	stream.linear.gather [hbm4b:s3+s5], $0xA0, $0x38;
	[tilespmem:$0x1E400] =	vst v63  }
0x37: {  	_ =	swait.ge [sflag:s17], $0xA0  }
0x38: {  	[sflag:s17] =	ssyncset.done $0x0  }
0x39: {  	[sflag:s17] =	ssyncadd.s32 $0xFFFFFF60  }
0x3a: {  	_ =	swait.ge [sflag:s20], $0x50  }
0x3b: {  	[sflag:s20] =	ssyncset.done $0x0  }
0x3c: {  	[sflag:s20] =	ssyncadd.s32 $0xFFFFFFB0  }
0x3d: {  	_ =	swait.ge [sflag:s20], $0x50  }
0x3e: {  	[sflag:s20] =	ssyncset.done $0x0  }
0x3f: {  	[sflag:s20] =	ssyncadd.s32 $0xFFFFFFB0  }
0x40: {  	[tilespmem:s22], [sflag:$0x2] =	stream.indirect.gather [hbm4b:s21+s9], $0x80, s29, s9, $0xb8;
	[tilespmem:$0x1E400] =	vst v63  }
0x41: {  	s23 =	simm.s32 $0x6800;
	s3 =	simm.s32 $0x128  }
0x42: {  	[tilespmem:s23], [sflag:$0xA] =	stream.indirect.gather [hbm4b:s21+s9], $0x80, s3, s9, $0xb8;
	[tilespmem:$0x1E400] =	vst v63  }
0x43: {  	s23 =	simm.s32 $0x150  }
0x44: {  	[tilespmem:s24], [sflag:$0x2] =	stream.indirect.gather [hbm4b:s21+s9], $0x80, s23, s9, $0xb8;
	[tilespmem:$0x1E400] =	vst v63  }
0x45: {  	s3 =	simm.s32 $0x178;
	s23 =	simm.s32 $0x9000  }
0x46: {  	[tilespmem:s23], [sflag:$0xA] =	stream.indirect.gather [hbm4b:s21+s9], $0x80, s3, s9, $0xb8;
	[tilespmem:$0x1E400] =	vst v63  }
0x47: {  	_ =	swait.ge [sflag:s10], $0x2800  }
0x48: {  	[sflag:s10] =	ssyncset.done $0x0  }
0x49: {  	[sflag:s10] =	ssyncadd.s32 $0xFFFFD800  }
0x4a: {  	_ =	swait.ge [sflag:s10], $0x2800  }
0x4b: {  	[sflag:s10] =	ssyncset.done $0x0  }
0x4c: {  	s23 =	rddreg [dreg:$0x11];
	[sflag:s10] =	ssyncadd.s32 $0xFFFFD800  }
0x4d: {  	[tilespmem:s26], [sflag:$0x7] =	stream.linear.gather [hbm4b:s23+s5], $0x50, $0x38;
	[tilespmem:$0x1E400] =	vst v63  }
0x4e: {  	s23 =	rddreg [dreg:$0x12]  }
0x4f: {  	[tilespmem:s28], [sflag:$0x7] =	stream.linear.gather [hbm4b:s23+s5], $0x50, $0x38;
	[tilespmem:$0x1E400] =	vst v63  }
0x50: {  	_ =	swait.ge [sflag:s13], $0x1400  }
0x51: {  	[sflag:s13] =	ssyncset.done $0x0  }
0x52: {  	[sflag:s13] =	ssyncadd.s32 $0xFFFFEC00  }
0x53: {  	_ =	swait.ge [sflag:s14], $0x1400  }
0x54: {  	[sflag:s14] =	ssyncset.done $0x0  }
0x55: {  	[sflag:s14] =	ssyncadd.s32 $0xFFFFEC00  }
0x56: {  	[spmem:s4] =	stream.indirect.scatter.add.f32 [tilespmem:s22], [sflag:$0x4], $0x80, s30, s11, $0xb8;
	[tilespmem:$0x1E400] =	vst v63  }
0x57: {  	_ =	swait.ge [sflag:s13], $0x1400  }
0x58: {  	[sflag:s13] =	ssyncset.done $0x0  }
0x59: {  	[sflag:s13] =	ssyncadd.s32 $0xFFFFEC00  }
0x5a: {  	_ =	swait.ge [sflag:s14], $0x1400  }
0x5b: {  	[sflag:s14] =	ssyncset.done $0x0  }
0x5c: {  	[sflag:s14] =	ssyncadd.s32 $0xFFFFEC00  }
0x5d: {  	[spmem:s4] =	stream.indirect.scatter.add.f32 [tilespmem:s24], [sflag:$0x4], $0x80, s31, s11, $0xb8;
	[tilespmem:$0x1E400] =	vst v63  }
0x5e: {  	_ =	swait.ge [sflag:s6], $0xA0  }
0x5f: {  	[sflag:s6] =	ssyncset.done $0x0  }
0x60: {  	[sflag:s6] =	ssyncadd.s32 $0xFFFFFF60  }
0x61: {  	_ =	swait.ge [sflag:s8], $0x50  }
0x62: {  	[sflag:s8] =	ssyncset.done $0x0  }
0x63: {  	[sflag:s8] =	ssyncadd.s32 $0xFFFFFFB0  }
0x64: {  	_ =	swait.ge [sflag:s8], $0x50  }
0x65: {  	[sflag:s8] =	ssyncset.done $0x0  }
0x66: {  	[sflag:s8] =	ssyncadd.s32 $0xFFFFFFB0  }
0x67: {  	[tilespmem:s0], [sflag:$0x1] =	stream.indirect.gather [hbm4b:s21+s9], $0x80, s5, s9, $0xb8;
	[tilespmem:$0x1E400] =	vst v63  }
0x68: {  	_ = 	snop  }
0x69: {  	[tilespmem:s25], [sflag:$0x9] =	stream.indirect.gather [hbm4b:s21+s9], $0x80, s9, s9, $0xb8;
	[tilespmem:$0x1E400] =	vst v63  }
0x6a: {  	_ = 	snop  }
0x6b: {  	[tilespmem:s12], [sflag:$0x1] =	stream.indirect.gather [hbm4b:s21+s9], $0x80, s11, s9, $0xb8;
	[tilespmem:$0x1E400] =	vst v63  }
0x6c: {  	s23 =	simm.s32 $0x78;
	s25 =	simm.s32 $0x4000  }
0x6d: {  	[tilespmem:s25], [sflag:$0x9] =	stream.indirect.gather [hbm4b:s21+s9], $0x80, s23, s9, $0xb8;
	[tilespmem:$0x1E400] =	vst v63  }
0x6e: {  	_ =	swait.ge [sflag:s7], $0x2800  }
0x6f: {  	[sflag:s7] =	ssyncset.done $0x0  }
0x70: {  	[sflag:s7] =	ssyncadd.s32 $0xFFFFD800  }
0x71: {  	_ =	swait.ge [sflag:s7], $0x2800  }
0x72: {  	[sflag:s7] =	ssyncset.done $0x0  }
0x73: {  	[sflag:s7] =	ssyncadd.s32 $0xFFFFD800  }
0x74: {  	_ =	swait.ge [sflag:s15], $0x1400  }
0x75: {  	[sflag:s15] =	ssyncset.done $0x0  }
0x76: {  	[sflag:s15] =	ssyncadd.s32 $0xFFFFEC00  }
0x77: {  	_ =	swait.ge [sflag:s16], $0x1400  }
0x78: {  	[sflag:s16] =	ssyncset.done $0x0  }
0x79: {  	[sflag:s16] =	ssyncadd.s32 $0xFFFFEC00  }
0x7a: {  	[spmem:s4] =	stream.indirect.scatter.add.f32 [tilespmem:s0], [sflag:$0x3], $0x80, s26, s11, $0xb8;
	[tilespmem:$0x1E400] =	vst v63  }
0x7b: {  	_ =	swait.ge [sflag:s15], $0x1400  }
0x7c: {  	[sflag:s15] =	ssyncset.done $0x0  }
0x7d: {  	[sflag:s15] =	ssyncadd.s32 $0xFFFFEC00  }
0x7e: {  	_ =	swait.ge [sflag:s16], $0x1400  }
0x7f: {  	[sflag:s16] =	ssyncset.done $0x0  }
0x80: {  	[sflag:s16] =	ssyncadd.s32 $0xFFFFEC00  }
0x81: {  	[spmem:s4] =	stream.indirect.scatter.add.f32 [tilespmem:s12], [sflag:$0x3], $0x80, s28, s11, $0xb8;
	[tilespmem:$0x1E400] =	vst v63  }
0x82: {  	_ =	swait.ge [sflag:s10], $0x2800  }
0x83: {  	[sflag:s10] =	ssyncset.done $0x0  }
0x84: {  	[sflag:s10] =	ssyncadd.s32 $0xFFFFD800  }
0x85: {  	_ =	swait.ge [sflag:s10], $0x2800  }
0x86: {  	[sflag:s10] =	ssyncset.done $0x0  }
0x87: {  	[sflag:s10] =	ssyncadd.s32 $0xFFFFD800  }
0x88: {  	[bflag:$0x0] =	sbarrier.arrive $0xFFFF  }
0x89: {  	s21 =	simm.s32 $0xB;
	s23 =	rddreg [dreg:$0x13]  }
0x8a: {  	[tilespmem:s0], [sflag:$0xB] =	stream.linear.gather [spmem:s23], $0x5000, $0x38;
	[tilespmem:$0x1E400] =	vst v63  }
0x8b: {  	_ =	swait.ge [sflag:s21], $0x5000  }
0x8c: {  	[sflag:s21] =	ssyncset.done $0x0  }
0x8d: {  	s25 =	rddreg [dreg:$0xc];
	[sflag:s21] =	ssyncadd.s32 $0xFFFFB000  }
0x8e: {  	[hbm4b:s25+s5] =	stream.linear.scatter [tilespmem:s0], [sflag:$0xB], $0x5000, $0x38;
	[tilespmem:$0x1E400] =	vst v63  }
0x8f: {  	_ =	swait.ge [sflag:s21], $0x5000  }
0x90: {  	[sflag:s21] =	ssyncset.done $0x0  }
0x91: {  	s23 =	rddreg [dreg:$0x15];
	[sflag:s21] =	ssyncadd.s32 $0xFFFFB000  }
0x92: {  	[tilespmem:s0], [sflag:$0xB] =	stream.linear.gather [spmem:s23], $0x5000, $0x38;
	[tilespmem:$0x1E400] =	vst v63  }
0x93: {  	_ =	swait.ge [sflag:s21], $0x5000  }
0x94: {  	[sflag:s21] =	ssyncset.done $0x0  }
0x95: {  	s25 =	rddreg [dreg:$0xd];
	[sflag:s21] =	ssyncadd.s32 $0xFFFFB000  }
0x96: {  	[hbm4b:s25+s5] =	stream.linear.scatter [tilespmem:s0], [sflag:$0xB], $0x5000, $0x38;
	[tilespmem:$0x1E400] =	vst v63  }
0x97: {  	_ =	swait.ge [sflag:s21], $0x5000  }
0x98: {  	[sflag:s21] =	ssyncset.done $0x0  }
0x99: {  	s23 =	rddreg [dreg:$0x16];
	[sflag:s21] =	ssyncadd.s32 $0xFFFFB000  }
0x9a: {  	[tilespmem:s0], [sflag:$0xB] =	stream.linear.gather [spmem:s23], $0x5000, $0x38;
	[tilespmem:$0x1E400] =	vst v63  }
0x9b: {  	_ =	swait.ge [sflag:s21], $0x5000  }
0x9c: {  	[sflag:s21] =	ssyncset.done $0x0  }
0x9d: {  	s25 =	rddreg [dreg:$0xe];
	[sflag:s21] =	ssyncadd.s32 $0xFFFFB000  }
0x9e: {  	[hbm4b:s25+s5] =	stream.linear.scatter [tilespmem:s0], [sflag:$0xB], $0x5000, $0x38;
	[tilespmem:$0x1E400] =	vst v63  }
0x9f: {  	_ =	swait.ge [sflag:s21], $0x5000  }
0xa0: {  	[sflag:s21] =	ssyncset.done $0x0  }
0xa1: {  	s23 =	rddreg [dreg:$0x17];
	[sflag:s21] =	ssyncadd.s32 $0xFFFFB000  }
0xa2: {  	[tilespmem:s0], [sflag:$0xB] =	stream.linear.gather [spmem:s23], $0x5000, $0x38;
	[tilespmem:$0x1E400] =	vst v63  }
0xa3: {  	_ =	swait.ge [sflag:s21], $0x5000  }
0xa4: {  	[sflag:s21] =	ssyncset.done $0x0  }
0xa5: {  	s25 =	rddreg [dreg:$0xf];
	[sflag:s21] =	ssyncadd.s32 $0xFFFFB000  }
0xa6: {  	[hbm4b:s25+s5] =	stream.linear.scatter [tilespmem:s0], [sflag:$0xB], $0x5000, $0x38;
	[tilespmem:$0x1E400] =	vst v63  }
0xa7: {  	_ =	swait.ge [sflag:s21], $0x5000  }
0xa8: {  	s3 =	rddreg [dreg:$0x18]  }
0xa9: {  	s25 =	rddreg [dreg:$0x14];
	s23 =	sadd.s32 $0x1, s3  }
0xaa: {  	p1 =	sne.s32 s23, s25  }
.Ltmp1:
0xab: {  	_ = 	snop;
	(pc) =	sbr.rel @!p1 .LBB2_11-.Ltmp1, $3  }
0xac: {  	_ =	sdelay $0x1  }
0xad: {  	[sflag:s21] =	ssyncset.done $0x0  }
0xae: {  	[sflag:s21] =	ssyncadd.s32 $0xFFFFB000;
	s3 =	smov.u32 s23  }
.LBB2_1:
0xaf: {  	s21 =	rddreg [dreg:$0x6]  }
0xb0: {  	[tilespmem:s5], [sflag:$0x5] =	stream.linear.gather [hbm4b:s21+s5], $0xA0, $0x38;
	[tilespmem:$0x1E400] =	vst v63  }
0xb1: {  	s23 =	rddreg [dreg:$0x7]  }
0xb2: {  	[tilespmem:s26], [sflag:$0x7] =	stream.linear.gather [hbm4b:s23+s5], $0x50, $0x38;
	[tilespmem:$0x1E400] =	vst v63  }
0xb3: {  	s25 =	rddreg [dreg:$0x8]  }
0xb4: {  	[tilespmem:s28], [sflag:$0x7] =	stream.linear.gather [hbm4b:s25+s5], $0x50, $0x38;
	[tilespmem:$0x1E400] =	vst v63  }
0xb5: {  	s21 =	rddreg [dreg:$0x9]  }
0xb6: {  	[tilespmem:s29], [sflag:$0x6] =	stream.linear.gather [hbm4b:s21+s5], $0xA0, $0x38;
	[tilespmem:$0x1E400] =	vst v63  }
0xb7: {  	s23 =	rddreg [dreg:$0xa]  }
0xb8: {  	[tilespmem:s30], [sflag:$0x8] =	stream.linear.gather [hbm4b:s23+s5], $0x50, $0x38;
	[tilespmem:$0x1E400] =	vst v63  }
0xb9: {  	s25 =	rddreg [dreg:$0xb];
	s21 =	sand.u32 $0x1FE00, s5  }
0xba: {  	[tilespmem:s31], [sflag:$0x8] =	stream.linear.gather [hbm4b:s25+s5], $0x50, $0x38;
	[tilespmem:$0x1E400] =	vst v63  }
0xbb: {  	[dreg:$0x18] =	wrdreg s3;
	s23 =	sand.u32 $0x70, s5;
	s25 =	sshrl.u32 s21, $0x2  }
0xbc: {  	s21 =	simm.s32 $0x40;
	s25 =	sor.u32 s23, s25;
	s23 =	simm.s32 $0x0  }
.LBB2_2:
0xbd: {  	p1 =	sne.s32 s21, $0x13FC0  }
0xbe: {  	[tilespmem:s25+$0x400] =	vst v0;
	s23 =	sadd.s32 $0x10, s23;
	s25 =	smov.u32 s21;
	s21 =	sadd.s32 $0x40, s21  }
.Ltmp2:
0xbf: {  	(pc) =	sbr.rel @p1 .LBB2_2-.Ltmp2, $4  }
0xc0: {  	_ = 	snop  }
0xc1: {  	s25 =	sand.u32 $0x1FE00, s25  }
0xc2: {  	s3 =	sand.u32 $0x70, s23;
	s25 =	sshrl.u32 s25, $0x2  }
0xc3: {  	s25 =	sor.u32 s3, s25  }
0xc4: {  	[tilespmem:s25+$0x400] =	vst v0;
	s3 =	rddreg [dreg:$0x13];
	s21 =	simm.s32 $0xB  }
0xc5: {  	[spmem:s3] =	stream.linear.scatter [tilespmem:s0], [sflag:$0xB], $0x5000, $0x38;
	[tilespmem:$0x1E400] =	vst v63  }
0xc6: {  	_ =	swait.ge [sflag:s21], $0x5000  }
0xc7: {  	[sflag:s21] =	ssyncset.done $0x0  }
0xc8: {  	s25 =	rddreg [dreg:$0x15];
	[sflag:s21] =	ssyncadd.s32 $0xFFFFB000  }
0xc9: {  	[spmem:s25] =	stream.linear.scatter [tilespmem:s0], [sflag:$0xB], $0x5000, $0x38;
	[tilespmem:$0x1E400] =	vst v63  }
0xca: {  	_ =	swait.ge [sflag:s21], $0x5000  }
0xcb: {  	[sflag:s21] =	ssyncset.done $0x0  }
0xcc: {  	s23 =	rddreg [dreg:$0x16];
	[sflag:s21] =	ssyncadd.s32 $0xFFFFB000  }
0xcd: {  	[spmem:s23] =	stream.linear.scatter [tilespmem:s0], [sflag:$0xB], $0x5000, $0x38;
	[tilespmem:$0x1E400] =	vst v63  }
0xce: {  	_ =	swait.ge [sflag:s21], $0x5000  }
0xcf: {  	[sflag:s21] =	ssyncset.done $0x0  }
0xd0: {  	s25 =	rddreg [dreg:$0x17];
	[sflag:s21] =	ssyncadd.s32 $0xFFFFB000  }
0xd1: {  	[spmem:s25] =	stream.linear.scatter [tilespmem:s0], [sflag:$0xB], $0x5000, $0x38;
	[tilespmem:$0x1E400] =	vst v63  }
0xd2: {  	_ =	swait.ge [sflag:s21], $0x5000  }
0xd3: {  	[sflag:s21] =	ssyncset.done $0x0  }
0xd4: {  	[sflag:s21] =	ssyncadd.s32 $0xFFFFB000  }
0xd5: {  	[bflag:$0x0] =	sbarrier.arrive $0xFFFF  }
0xd6: {  	_ =	swait.ge [sflag:s6], $0xA0  }
0xd7: {  	[sflag:s6] =	ssyncset.done $0x0  }
0xd8: {  	[sflag:s6] =	ssyncadd.s32 $0xFFFFFF60  }
0xd9: {  	_ =	swait.ge [sflag:s8], $0x50  }
.Ltmp3:
0xda: {  	[sflag:s8] =	ssyncset.done $0x0;
	(pc) =	sbr.rel @!p0 .LBB2_4-.Ltmp3, $4  }
0xdb: {  	[sflag:s8] =	ssyncadd.s32 $0xFFFFFFB0  }
0xdc: {  	_ =	swait.ge [sflag:s8], $0x50  }
0xdd: {  	[sflag:s8] =	ssyncset.done $0x0  }
0xde: {  	s3 =	simm.s32 $0x0;
	[sflag:s8] =	ssyncadd.s32 $0xFFFFFFB0  }
0xdf: {  	[tilespmem:s0], [sflag:$0x1] =	stream.indirect.gather [hbm4b:s2+s9], $0x80, s3, s9, $0xb8;
	[tilespmem:$0x1E400] =	vst v63  }
0xe0: {  	s21 =	simm.s32 $0x1800  }
0xe1: {  	[tilespmem:s21], [sflag:$0x9] =	stream.indirect.gather [hbm4b:s2+s9], $0x80, s9, s9, $0xb8;
	[tilespmem:$0x1E400] =	vst v63  }
0xe2: {  	_ = 	snop  }
0xe3: {  	[tilespmem:s12], [sflag:$0x1] =	stream.indirect.gather [hbm4b:s2+s9], $0x80, s11, s9, $0xb8;
	[tilespmem:$0x1E400] =	vst v63  }
0xe4: {  	s23 =	simm.s32 $0x78;
	s25 =	simm.s32 $0x4000  }
0xe5: {  	[tilespmem:s25], [sflag:$0x9] =	stream.indirect.gather [hbm4b:s2+s9], $0x80, s23, s9, $0xb8;
	[tilespmem:$0x1E400] =	vst v63  }
0xe6: {  	_ =	swait.ge [sflag:s15], $0x1400  }
0xe7: {  	[sflag:s15] =	ssyncset.done $0x0  }
0xe8: {  	[sflag:s15] =	ssyncadd.s32 $0xFFFFEC00  }
0xe9: {  	_ =	swait.ge [sflag:s16], $0x1400  }
0xea: {  	[sflag:s16] =	ssyncset.done $0x0  }
0xeb: {  	[sflag:s16] =	ssyncadd.s32 $0xFFFFEC00  }
0xec: {  	[spmem:s4] =	stream.indirect.scatter.add.f32 [tilespmem:s0], [sflag:$0x3], $0x80, s26, s11, $0xb8;
	[tilespmem:$0x1E400] =	vst v63  }
0xed: {  	_ =	swait.ge [sflag:s15], $0x1400  }
0xee: {  	[sflag:s15] =	ssyncset.done $0x0  }
0xef: {  	[sflag:s15] =	ssyncadd.s32 $0xFFFFEC00  }
0xf0: {  	_ =	swait.ge [sflag:s16], $0x1400  }
0xf1: {  	[sflag:s16] =	ssyncset.done $0x0  }
0xf2: {  	s3 =	sadd.s32 $0x0, s19;
	[sflag:s16] =	ssyncadd.s32 $0xFFFFEC00  }
0xf3: {  	[spmem:s4] =	stream.indirect.scatter.add.f32 [tilespmem:s12], [sflag:$0x3], $0x80, s28, s11, $0xb8;
	[tilespmem:$0x1E400] =	vst v63  }
0xf4: {  	s21 =	sadd.s32 $0x28, s3  }
0xf5: {  	[tilespmem:s5], [sflag:$0x5] =	stream.linear.gather [hbm4b:s21+s5], $0xA0, $0x38;
	[tilespmem:$0x1E400] =	vst v63  }
0xf6: {  	_ =	swait.ge [sflag:s17], $0xA0  }
0xf7: {  	[sflag:s17] =	ssyncset.done $0x0  }
0xf8: {  	[sflag:s17] =	ssyncadd.s32 $0xFFFFFF60  }
0xf9: {  	_ =	swait.ge [sflag:s20], $0x50  }
0xfa: {  	[sflag:s20] =	ssyncset.done $0x0  }
0xfb: {  	[sflag:s20] =	ssyncadd.s32 $0xFFFFFFB0  }
0xfc: {  	_ =	swait.ge [sflag:s20], $0x50  }
0xfd: {  	[sflag:s20] =	ssyncset.done $0x0  }
0xfe: {  	[sflag:s20] =	ssyncadd.s32 $0xFFFFFFB0  }
0xff: {  	[tilespmem:s22], [sflag:$0x2] =	stream.indirect.gather [hbm4b:s2+s9], $0x80, s29, s9, $0xb8;
	[tilespmem:$0x1E400] =	vst v63  }
0x100: {  	s23 =	simm.s32 $0x6800;
	s0 =	simm.s32 $0x128  }
0x101: {  	[tilespmem:s23], [sflag:$0xA] =	stream.indirect.gather [hbm4b:s2+s9], $0x80, s0, s9, $0xb8;
	[tilespmem:$0x1E400] =	vst v63  }
0x102: {  	s23 =	simm.s32 $0x150  }
0x103: {  	[tilespmem:s24], [sflag:$0x2] =	stream.indirect.gather [hbm4b:s2+s9], $0x80, s23, s9, $0xb8;
	[tilespmem:$0x1E400] =	vst v63  }
0x104: {  	s0 =	simm.s32 $0x178;
	s23 =	simm.s32 $0x9000  }
0x105: {  	[tilespmem:s23], [sflag:$0xA] =	stream.indirect.gather [hbm4b:s2+s9], $0x80, s0, s9, $0xb8;
	[tilespmem:$0x1E400] =	vst v63  }
0x106: {  	_ =	swait.ge [sflag:s10], $0x2800  }
0x107: {  	[sflag:s10] =	ssyncset.done $0x0  }
0x108: {  	[sflag:s10] =	ssyncadd.s32 $0xFFFFD800  }
0x109: {  	_ =	swait.ge [sflag:s10], $0x2800  }
0x10a: {  	s23 =	sadd.s32 $0x0, s18;
	[sflag:s10] =	ssyncset.done $0x0  }
0x10b: {  	s21 =	sadd.s32 $0x28, s23;
	[sflag:s10] =	ssyncadd.s32 $0xFFFFD800  }
0x10c: {  	[tilespmem:s26], [sflag:$0x7] =	stream.linear.gather [hbm4b:s21+s5], $0x50, $0x38;
	[tilespmem:$0x1E400] =	vst v63  }
0x10d: {  	s21 =	sadd.s32 $0x32, s23  }
0x10e: {  	[tilespmem:s28], [sflag:$0x7] =	stream.linear.gather [hbm4b:s21+s5], $0x50, $0x38;
	[tilespmem:$0x1E400] =	vst v63  }
0x10f: {  	_ =	swait.ge [sflag:s13], $0x1400  }
0x110: {  	[sflag:s13] =	ssyncset.done $0x0  }
0x111: {  	[sflag:s13] =	ssyncadd.s32 $0xFFFFEC00  }
0x112: {  	_ =	swait.ge [sflag:s14], $0x1400  }
0x113: {  	[sflag:s14] =	ssyncset.done $0x0  }
0x114: {  	[sflag:s14] =	ssyncadd.s32 $0xFFFFEC00  }
0x115: {  	[spmem:s4] =	stream.indirect.scatter.add.f32 [tilespmem:s22], [sflag:$0x4], $0x80, s30, s11, $0xb8;
	[tilespmem:$0x1E400] =	vst v63  }
0x116: {  	_ =	swait.ge [sflag:s13], $0x1400  }
0x117: {  	[sflag:s13] =	ssyncset.done $0x0  }
0x118: {  	[sflag:s13] =	ssyncadd.s32 $0xFFFFEC00  }
0x119: {  	_ =	swait.ge [sflag:s14], $0x1400  }
0x11a: {  	[sflag:s14] =	ssyncset.done $0x0  }
0x11b: {  	[sflag:s14] =	ssyncadd.s32 $0xFFFFEC00  }
0x11c: {  	[spmem:s4] =	stream.indirect.scatter.add.f32 [tilespmem:s24], [sflag:$0x4], $0x80, s31, s11, $0xb8;
	[tilespmem:$0x1E400] =	vst v63  }
0x11d: {  	s3 =	sadd.s32 $0x3C, s3  }
0x11e: {  	[tilespmem:s29], [sflag:$0x6] =	stream.linear.gather [hbm4b:s3+s5], $0xA0, $0x38;
	[tilespmem:$0x1E400] =	vst v63  }
0x11f: {  	_ =	swait.ge [sflag:s6], $0xA0  }
0x120: {  	[sflag:s6] =	ssyncset.done $0x0  }
0x121: {  	[sflag:s6] =	ssyncadd.s32 $0xFFFFFF60  }
0x122: {  	_ =	swait.ge [sflag:s8], $0x50  }
0x123: {  	[sflag:s8] =	ssyncset.done $0x0  }
0x124: {  	[sflag:s8] =	ssyncadd.s32 $0xFFFFFFB0  }
0x125: {  	_ =	swait.ge [sflag:s8], $0x50  }
0x126: {  	[sflag:s8] =	ssyncset.done $0x0  }
0x127: {  	s0 =	simm.s32 $0x400;
	[sflag:s8] =	ssyncadd.s32 $0xFFFFFFB0  }
0x128: {  	[tilespmem:s0], [sflag:$0x1] =	stream.indirect.gather [hbm4b:s2+s9], $0x80, s5, s9, $0xb8;
	[tilespmem:$0x1E400] =	vst v63  }
0x129: {  	s21 =	simm.s32 $0x1800  }
0x12a: {  	[tilespmem:s21], [sflag:$0x9] =	stream.indirect.gather [hbm4b:s2+s9], $0x80, s9, s9, $0xb8;
	[tilespmem:$0x1E400] =	vst v63  }
0x12b: {  	_ = 	snop  }
0x12c: {  	[tilespmem:s12], [sflag:$0x1] =	stream.indirect.gather [hbm4b:s2+s9], $0x80, s11, s9, $0xb8;
	[tilespmem:$0x1E400] =	vst v63  }
0x12d: {  	s21 =	simm.s32 $0x78  }
0x12e: {  	[tilespmem:s25], [sflag:$0x9] =	stream.indirect.gather [hbm4b:s2+s9], $0x80, s21, s9, $0xb8;
	[tilespmem:$0x1E400] =	vst v63  }
0x12f: {  	_ =	swait.ge [sflag:s7], $0x2800  }
0x130: {  	[sflag:s7] =	ssyncset.done $0x0  }
0x131: {  	[sflag:s7] =	ssyncadd.s32 $0xFFFFD800  }
0x132: {  	_ =	swait.ge [sflag:s7], $0x2800  }
0x133: {  	s25 =	sadd.s32 $0x3C, s23;
	[sflag:s7] =	ssyncset.done $0x0  }
0x134: {  	s21 =	simm.s32 $0x28;
	s23 =	sadd.s32 $0x46, s23;
	[sflag:s7] =	ssyncadd.s32 $0xFFFFD800  }
0x135: {  	[tilespmem:s30], [sflag:$0x8] =	stream.linear.gather [hbm4b:s25+s5], $0x50, $0x38;
	[tilespmem:$0x1E400] =	vst v63  }
.LBB2_8:
0x136: {  	[tilespmem:s31], [sflag:$0x8] =	stream.linear.gather [hbm4b:s23+s5], $0x50, $0x38;
	[tilespmem:$0x1E400] =	vst v63  }
0x137: {  	s23 =	smov.u32 s21  }
0x138: {  	p1 =	sne.s32 s21, $0x960;
	s21 =	sadd.s32 $0x28, s21;
	_ =	swait.ge [sflag:s15], $0x1400  }
0x139: {  	[sflag:s15] =	ssyncset.done $0x0  }
0x13a: {  	[sflag:s15] =	ssyncadd.s32 $0xFFFFEC00  }
0x13b: {  	_ =	swait.ge [sflag:s16], $0x1400  }
0x13c: {  	[sflag:s16] =	ssyncset.done $0x0  }
0x13d: {  	[sflag:s16] =	ssyncadd.s32 $0xFFFFEC00  }
0x13e: {  	[spmem:s4] =	stream.indirect.scatter.add.f32 [tilespmem:s0], [sflag:$0x3], $0x80, s26, s11, $0xb8;
	[tilespmem:$0x1E400] =	vst v63  }
0x13f: {  	_ =	swait.ge [sflag:s15], $0x1400  }
0x140: {  	[sflag:s15] =	ssyncset.done $0x0  }
0x141: {  	[sflag:s15] =	ssyncadd.s32 $0xFFFFEC00  }
0x142: {  	_ =	swait.ge [sflag:s16], $0x1400  }
0x143: {  	[sflag:s16] =	ssyncset.done $0x0  }
0x144: {  	s25 =	sadd.s32 s23, s19;
	[sflag:s16] =	ssyncadd.s32 $0xFFFFEC00  }
0x145: {  	[spmem:s4] =	stream.indirect.scatter.add.f32 [tilespmem:s12], [sflag:$0x3], $0x80, s28, s11, $0xb8;
	[tilespmem:$0x1E400] =	vst v63  }
0x146: {  	s3 =	sadd.s32 $0x28, s25  }
0x147: {  	[tilespmem:s5], [sflag:$0x5] =	stream.linear.gather [hbm4b:s3+s5], $0xA0, $0x38;
	[tilespmem:$0x1E400] =	vst v63  }
0x148: {  	_ =	swait.ge [sflag:s17], $0xA0  }
0x149: {  	[sflag:s17] =	ssyncset.done $0x0  }
0x14a: {  	[sflag:s17] =	ssyncadd.s32 $0xFFFFFF60  }
0x14b: {  	_ =	swait.ge [sflag:s20], $0x50  }
0x14c: {  	[sflag:s20] =	ssyncset.done $0x0  }
0x14d: {  	[sflag:s20] =	ssyncadd.s32 $0xFFFFFFB0  }
0x14e: {  	_ =	swait.ge [sflag:s20], $0x50  }
0x14f: {  	[sflag:s20] =	ssyncset.done $0x0  }
0x150: {  	[sflag:s20] =	ssyncadd.s32 $0xFFFFFFB0  }
0x151: {  	[tilespmem:s22], [sflag:$0x2] =	stream.indirect.gather [hbm4b:s2+s9], $0x80, s29, s9, $0xb8;
	[tilespmem:$0x1E400] =	vst v63  }
0x152: {  	s30 =	simm.s32 $0x6800;
	s3 =	simm.s32 $0x128  }
0x153: {  	[tilespmem:s30], [sflag:$0xA] =	stream.indirect.gather [hbm4b:s2+s9], $0x80, s3, s9, $0xb8;
	[tilespmem:$0x1E400] =	vst v63  }
0x154: {  	s30 =	simm.s32 $0x300  }
0x155: {  	s3 =	simm.s32 $0x150  }
0x156: {  	[tilespmem:s24], [sflag:$0x2] =	stream.indirect.gather [hbm4b:s2+s9], $0x80, s3, s9, $0xb8;
	[tilespmem:$0x1E400] =	vst v63  }
0x157: {  	s0 =	simm.s32 $0x9000;
	s3 =	simm.s32 $0x178  }
0x158: {  	[tilespmem:s0], [sflag:$0xA] =	stream.indirect.gather [hbm4b:s2+s9], $0x80, s3, s9, $0xb8;
	[tilespmem:$0x1E400] =	vst v63  }
0x159: {  	s0 =	simm.s32 $0x400  }
0x15a: {  	_ =	swait.ge [sflag:s10], $0x2800  }
0x15b: {  	[sflag:s10] =	ssyncset.done $0x0  }
0x15c: {  	[sflag:s10] =	ssyncadd.s32 $0xFFFFD800  }
0x15d: {  	_ =	swait.ge [sflag:s10], $0x2800  }
0x15e: {  	s23 =	sadd.s32 s23, s18;
	[sflag:s10] =	ssyncset.done $0x0  }
0x15f: {  	s3 =	sadd.s32 $0x28, s23;
	[sflag:s10] =	ssyncadd.s32 $0xFFFFD800  }
0x160: {  	[tilespmem:s26], [sflag:$0x7] =	stream.linear.gather [hbm4b:s3+s5], $0x50, $0x38;
	[tilespmem:$0x1E400] =	vst v63  }
0x161: {  	s3 =	sadd.s32 $0x32, s23  }
0x162: {  	[tilespmem:s28], [sflag:$0x7] =	stream.linear.gather [hbm4b:s3+s5], $0x50, $0x38;
	[tilespmem:$0x1E400] =	vst v63  }
0x163: {  	_ =	swait.ge [sflag:s13], $0x1400  }
0x164: {  	[sflag:s13] =	ssyncset.done $0x0  }
0x165: {  	[sflag:s13] =	ssyncadd.s32 $0xFFFFEC00  }
0x166: {  	_ =	swait.ge [sflag:s14], $0x1400  }
0x167: {  	[sflag:s14] =	ssyncset.done $0x0  }
0x168: {  	[sflag:s14] =	ssyncadd.s32 $0xFFFFEC00  }
0x169: {  	[spmem:s4] =	stream.indirect.scatter.add.f32 [tilespmem:s22], [sflag:$0x4], $0x80, s30, s11, $0xb8;
	[tilespmem:$0x1E400] =	vst v63  }
0x16a: {  	_ =	swait.ge [sflag:s13], $0x1400  }
0x16b: {  	[sflag:s13] =	ssyncset.done $0x0  }
0x16c: {  	[sflag:s13] =	ssyncadd.s32 $0xFFFFEC00  }
0x16d: {  	_ =	swait.ge [sflag:s14], $0x1400  }
0x16e: {  	[sflag:s14] =	ssyncset.done $0x0  }
0x16f: {  	[sflag:s14] =	ssyncadd.s32 $0xFFFFEC00  }
0x170: {  	[spmem:s4] =	stream.indirect.scatter.add.f32 [tilespmem:s24], [sflag:$0x4], $0x80, s31, s11, $0xb8;
	[tilespmem:$0x1E400] =	vst v63  }
0x171: {  	s3 =	sadd.s32 $0x3C, s25;
	s25 =	simm.s32 $0x1800  }
0x172: {  	[tilespmem:s29], [sflag:$0x6] =	stream.linear.gather [hbm4b:s3+s5], $0xA0, $0x38;
	[tilespmem:$0x1E400] =	vst v63  }
0x173: {  	_ =	swait.ge [sflag:s6], $0xA0  }
0x174: {  	[sflag:s6] =	ssyncset.done $0x0  }
0x175: {  	[sflag:s6] =	ssyncadd.s32 $0xFFFFFF60  }
0x176: {  	_ =	swait.ge [sflag:s8], $0x50  }
0x177: {  	[sflag:s8] =	ssyncset.done $0x0  }
0x178: {  	[sflag:s8] =	ssyncadd.s32 $0xFFFFFFB0  }
0x179: {  	_ =	swait.ge [sflag:s8], $0x50  }
0x17a: {  	[sflag:s8] =	ssyncset.done $0x0  }
0x17b: {  	[sflag:s8] =	ssyncadd.s32 $0xFFFFFFB0  }
0x17c: {  	[tilespmem:s0], [sflag:$0x1] =	stream.indirect.gather [hbm4b:s2+s9], $0x80, s5, s9, $0xb8;
	[tilespmem:$0x1E400] =	vst v63  }
0x17d: {  	_ = 	snop  }
0x17e: {  	[tilespmem:s25], [sflag:$0x9] =	stream.indirect.gather [hbm4b:s2+s9], $0x80, s9, s9, $0xb8;
	[tilespmem:$0x1E400] =	vst v63  }
0x17f: {  	_ = 	snop  }
0x180: {  	[tilespmem:s12], [sflag:$0x1] =	stream.indirect.gather [hbm4b:s2+s9], $0x80, s11, s9, $0xb8;
	[tilespmem:$0x1E400] =	vst v63  }
0x181: {  	s28 =	simm.s32 $0x4000;
	s3 =	simm.s32 $0x78  }
0x182: {  	[tilespmem:s28], [sflag:$0x9] =	stream.indirect.gather [hbm4b:s2+s9], $0x80, s3, s9, $0xb8;
	[tilespmem:$0x1E400] =	vst v63  }
0x183: {  	s28 =	simm.s32 $0x280  }
0x184: {  	_ =	swait.ge [sflag:s7], $0x2800  }
0x185: {  	[sflag:s7] =	ssyncset.done $0x0  }
0x186: {  	[sflag:s7] =	ssyncadd.s32 $0xFFFFD800  }
.Ltmp4:
0x187: {  	_ =	swait.ge [sflag:s7], $0x2800;
	(pc) =	sbr.rel @p1 .LBB2_8-.Ltmp4, $4  }
0x188: {  	[sflag:s7] =	ssyncset.done $0x0  }
0x189: {  	s3 =	sadd.s32 $0x3C, s23;
	[sflag:s7] =	ssyncadd.s32 $0xFFFFD800  }
0x18a: {  	[tilespmem:s30], [sflag:$0x8] =	stream.linear.gather [hbm4b:s3+s5], $0x50, $0x38;
	[tilespmem:$0x1E400] =	vst v63  }
0x18b: {  	s23 =	sadd.s32 $0x46, s23  }
.Ltmp5:
0x18c: {  	(pc) =	sbr.rel .LBB2_10-.Ltmp5, $3  }
0x18d: {  	_ =	sdelay $0x1  }
0x18e: {  	[tilespmem:s31], [sflag:$0x8] =	stream.linear.gather [hbm4b:s23+s5], $0x50, $0x38;
	[tilespmem:$0x1E400] =	vst v63  }
0x18f: {  	s21 =	smov.u32 s2  }
.LBB2_4:
0x190: {  	[tilespmem:s0], [sflag:$0x1] =	stream.indirect.gather [hbm4b:s1+s9], $0x80, s3, s9, $0xb8;
	[tilespmem:$0x1E400] =	vst v63  }
0x191: {  	s25 =	simm.s32 $0x1800  }
0x192: {  	[tilespmem:s25], [sflag:$0x9] =	stream.indirect.gather [hbm4b:s1+s9], $0x80, s9, s9, $0xb8;
	[tilespmem:$0x1E400] =	vst v63  }
0x193: {  	_ = 	snop  }
0x194: {  	[tilespmem:s12], [sflag:$0x1] =	stream.indirect.gather [hbm4b:s1+s9], $0x80, s11, s9, $0xb8;
	[tilespmem:$0x1E400] =	vst v63  }
0x195: {  	s21 =	simm.s32 $0x78;
	s25 =	simm.s32 $0x4000  }
0x196: {  	[tilespmem:s25], [sflag:$0x9] =	stream.indirect.gather [hbm4b:s1+s9], $0x80, s21, s9, $0xb8;
	[tilespmem:$0x1E400] =	vst v63  }
0x197: {  	_ =	swait.ge [sflag:s15], $0x1400  }
0x198: {  	[sflag:s15] =	ssyncset.done $0x0  }
0x199: {  	[sflag:s15] =	ssyncadd.s32 $0xFFFFEC00  }
0x19a: {  	_ =	swait.ge [sflag:s16], $0x1400  }
0x19b: {  	[sflag:s16] =	ssyncset.done $0x0  }
0x19c: {  	[sflag:s16] =	ssyncadd.s32 $0xFFFFEC00  }
0x19d: {  	[spmem:s4] =	stream.indirect.scatter.add.f32 [tilespmem:s0], [sflag:$0x3], $0x80, s26, s11, $0xb8;
	[tilespmem:$0x1E400] =	vst v63  }
0x19e: {  	_ =	swait.ge [sflag:s15], $0x1400  }
0x19f: {  	[sflag:s15] =	ssyncset.done $0x0  }
0x1a0: {  	[sflag:s15] =	ssyncadd.s32 $0xFFFFEC00  }
0x1a1: {  	_ =	swait.ge [sflag:s16], $0x1400  }
0x1a2: {  	[sflag:s16] =	ssyncset.done $0x0  }
0x1a3: {  	s3 =	sadd.s32 $0x0, s19;
	[sflag:s16] =	ssyncadd.s32 $0xFFFFEC00  }
0x1a4: {  	[spmem:s4] =	stream.indirect.scatter.add.f32 [tilespmem:s12], [sflag:$0x3], $0x80, s28, s11, $0xb8;
	[tilespmem:$0x1E400] =	vst v63  }
0x1a5: {  	s21 =	sadd.s32 $0x28, s3  }
0x1a6: {  	[tilespmem:s5], [sflag:$0x5] =	stream.linear.gather [hbm4b:s21+s5], $0xA0, $0x38;
	[tilespmem:$0x1E400] =	vst v63  }
0x1a7: {  	_ =	swait.ge [sflag:s17], $0xA0  }
0x1a8: {  	[sflag:s17] =	ssyncset.done $0x0  }
0x1a9: {  	[sflag:s17] =	ssyncadd.s32 $0xFFFFFF60  }
0x1aa: {  	_ =	swait.ge [sflag:s20], $0x50  }
0x1ab: {  	[sflag:s20] =	ssyncset.done $0x0  }
0x1ac: {  	[sflag:s20] =	ssyncadd.s32 $0xFFFFFFB0  }
0x1ad: {  	_ =	swait.ge [sflag:s20], $0x50  }
0x1ae: {  	[sflag:s20] =	ssyncset.done $0x0  }
0x1af: {  	[sflag:s20] =	ssyncadd.s32 $0xFFFFFFB0  }
0x1b0: {  	[tilespmem:s22], [sflag:$0x2] =	stream.indirect.gather [hbm4b:s1+s9], $0x80, s29, s9, $0xb8;
	[tilespmem:$0x1E400] =	vst v63  }
0x1b1: {  	s23 =	simm.s32 $0x6800;
	s21 =	simm.s32 $0x128  }
0x1b2: {  	[tilespmem:s23], [sflag:$0xA] =	stream.indirect.gather [hbm4b:s1+s9], $0x80, s21, s9, $0xb8;
	[tilespmem:$0x1E400] =	vst v63  }
0x1b3: {  	s23 =	simm.s32 $0x150  }
0x1b4: {  	[tilespmem:s24], [sflag:$0x2] =	stream.indirect.gather [hbm4b:s1+s9], $0x80, s23, s9, $0xb8;
	[tilespmem:$0x1E400] =	vst v63  }
0x1b5: {  	s21 =	simm.s32 $0x178;
	s23 =	simm.s32 $0x9000  }
0x1b6: {  	[tilespmem:s23], [sflag:$0xA] =	stream.indirect.gather [hbm4b:s1+s9], $0x80, s21, s9, $0xb8;
	[tilespmem:$0x1E400] =	vst v63  }
0x1b7: {  	_ =	swait.ge [sflag:s10], $0x2800  }
0x1b8: {  	[sflag:s10] =	ssyncset.done $0x0  }
0x1b9: {  	[sflag:s10] =	ssyncadd.s32 $0xFFFFD800  }
0x1ba: {  	_ =	swait.ge [sflag:s10], $0x2800  }
0x1bb: {  	s23 =	sadd.s32 $0x0, s18;
	[sflag:s10] =	ssyncset.done $0x0  }
0x1bc: {  	s21 =	sadd.s32 $0x28, s23;
	[sflag:s10] =	ssyncadd.s32 $0xFFFFD800  }
0x1bd: {  	[tilespmem:s26], [sflag:$0x7] =	stream.linear.gather [hbm4b:s21+s5], $0x50, $0x38;
	[tilespmem:$0x1E400] =	vst v63  }
0x1be: {  	s21 =	sadd.s32 $0x32, s23  }
0x1bf: {  	[tilespmem:s28], [sflag:$0x7] =	stream.linear.gather [hbm4b:s21+s5], $0x50, $0x38;
	[tilespmem:$0x1E400] =	vst v63  }
0x1c0: {  	_ =	swait.ge [sflag:s13], $0x1400  }
0x1c1: {  	[sflag:s13] =	ssyncset.done $0x0  }
0x1c2: {  	[sflag:s13] =	ssyncadd.s32 $0xFFFFEC00  }
0x1c3: {  	_ =	swait.ge [sflag:s14], $0x1400  }
0x1c4: {  	[sflag:s14] =	ssyncset.done $0x0  }
0x1c5: {  	[sflag:s14] =	ssyncadd.s32 $0xFFFFEC00  }
0x1c6: {  	[spmem:s4] =	stream.indirect.scatter.add.f32 [tilespmem:s22], [sflag:$0x4], $0x80, s30, s11, $0xb8;
	[tilespmem:$0x1E400] =	vst v63  }
0x1c7: {  	_ =	swait.ge [sflag:s13], $0x1400  }
0x1c8: {  	[sflag:s13] =	ssyncset.done $0x0  }
0x1c9: {  	[sflag:s13] =	ssyncadd.s32 $0xFFFFEC00  }
0x1ca: {  	_ =	swait.ge [sflag:s14], $0x1400  }
0x1cb: {  	[sflag:s14] =	ssyncset.done $0x0  }
0x1cc: {  	[sflag:s14] =	ssyncadd.s32 $0xFFFFEC00  }
0x1cd: {  	[spmem:s4] =	stream.indirect.scatter.add.f32 [tilespmem:s24], [sflag:$0x4], $0x80, s31, s11, $0xb8;
	[tilespmem:$0x1E400] =	vst v63  }
0x1ce: {  	s3 =	sadd.s32 $0x3C, s3  }
0x1cf: {  	[tilespmem:s29], [sflag:$0x6] =	stream.linear.gather [hbm4b:s3+s5], $0xA0, $0x38;
	[tilespmem:$0x1E400] =	vst v63  }
0x1d0: {  	_ =	swait.ge [sflag:s6], $0xA0  }
0x1d1: {  	[sflag:s6] =	ssyncset.done $0x0  }
0x1d2: {  	[sflag:s6] =	ssyncadd.s32 $0xFFFFFF60  }
0x1d3: {  	_ =	swait.ge [sflag:s8], $0x50  }
0x1d4: {  	[sflag:s8] =	ssyncset.done $0x0  }
0x1d5: {  	[sflag:s8] =	ssyncadd.s32 $0xFFFFFFB0  }
0x1d6: {  	_ =	swait.ge [sflag:s8], $0x50  }
0x1d7: {  	[sflag:s8] =	ssyncset.done $0x0  }
0x1d8: {  	[sflag:s8] =	ssyncadd.s32 $0xFFFFFFB0  }
0x1d9: {  	[tilespmem:s0], [sflag:$0x1] =	stream.indirect.gather [hbm4b:s1+s9], $0x80, s5, s9, $0xb8;
	[tilespmem:$0x1E400] =	vst v63  }
0x1da: {  	s21 =	simm.s32 $0x1800  }
0x1db: {  	[tilespmem:s21], [sflag:$0x9] =	stream.indirect.gather [hbm4b:s1+s9], $0x80, s9, s9, $0xb8;
	[tilespmem:$0x1E400] =	vst v63  }
0x1dc: {  	_ = 	snop  }
0x1dd: {  	[tilespmem:s12], [sflag:$0x1] =	stream.indirect.gather [hbm4b:s1+s9], $0x80, s11, s9, $0xb8;
	[tilespmem:$0x1E400] =	vst v63  }
0x1de: {  	s21 =	simm.s32 $0x78  }
0x1df: {  	[tilespmem:s25], [sflag:$0x9] =	stream.indirect.gather [hbm4b:s1+s9], $0x80, s21, s9, $0xb8;
	[tilespmem:$0x1E400] =	vst v63  }
0x1e0: {  	_ =	swait.ge [sflag:s7], $0x2800  }
0x1e1: {  	[sflag:s7] =	ssyncset.done $0x0  }
0x1e2: {  	[sflag:s7] =	ssyncadd.s32 $0xFFFFD800  }
0x1e3: {  	_ =	swait.ge [sflag:s7], $0x2800  }
0x1e4: {  	s25 =	sadd.s32 $0x3C, s23;
	[sflag:s7] =	ssyncset.done $0x0  }
0x1e5: {  	s21 =	simm.s32 $0x28;
	s23 =	sadd.s32 $0x46, s23;
	[sflag:s7] =	ssyncadd.s32 $0xFFFFD800  }
0x1e6: {  	[tilespmem:s30], [sflag:$0x8] =	stream.linear.gather [hbm4b:s25+s5], $0x50, $0x38;
	[tilespmem:$0x1E400] =	vst v63  }
.LBB2_5:
0x1e7: {  	[tilespmem:s31], [sflag:$0x8] =	stream.linear.gather [hbm4b:s23+s5], $0x50, $0x38;
	[tilespmem:$0x1E400] =	vst v63  }
0x1e8: {  	s23 =	smov.u32 s21  }
0x1e9: {  	p1 =	seq.s32 s21, $0x960;
	s21 =	sadd.s32 $0x28, s21;
	_ =	swait.ge [sflag:s15], $0x1400  }
0x1ea: {  	[sflag:s15] =	ssyncset.done $0x0  }
0x1eb: {  	[sflag:s15] =	ssyncadd.s32 $0xFFFFEC00  }
0x1ec: {  	_ =	swait.ge [sflag:s16], $0x1400  }
0x1ed: {  	[sflag:s16] =	ssyncset.done $0x0  }
0x1ee: {  	[sflag:s16] =	ssyncadd.s32 $0xFFFFEC00  }
0x1ef: {  	[spmem:s4] =	stream.indirect.scatter.add.f32 [tilespmem:s0], [sflag:$0x3], $0x80, s26, s11, $0xb8;
	[tilespmem:$0x1E400] =	vst v63  }
0x1f0: {  	_ =	swait.ge [sflag:s15], $0x1400  }
0x1f1: {  	[sflag:s15] =	ssyncset.done $0x0  }
0x1f2: {  	[sflag:s15] =	ssyncadd.s32 $0xFFFFEC00  }
0x1f3: {  	_ =	swait.ge [sflag:s16], $0x1400  }
0x1f4: {  	[sflag:s16] =	ssyncset.done $0x0  }
0x1f5: {  	s25 =	sadd.s32 s23, s19;
	[sflag:s16] =	ssyncadd.s32 $0xFFFFEC00  }
0x1f6: {  	[spmem:s4] =	stream.indirect.scatter.add.f32 [tilespmem:s12], [sflag:$0x3], $0x80, s28, s11, $0xb8;
	[tilespmem:$0x1E400] =	vst v63  }
0x1f7: {  	s3 =	sadd.s32 $0x28, s25  }
0x1f8: {  	[tilespmem:s5], [sflag:$0x5] =	stream.linear.gather [hbm4b:s3+s5], $0xA0, $0x38;
	[tilespmem:$0x1E400] =	vst v63  }
0x1f9: {  	_ =	swait.ge [sflag:s17], $0xA0  }
0x1fa: {  	[sflag:s17] =	ssyncset.done $0x0  }
0x1fb: {  	[sflag:s17] =	ssyncadd.s32 $0xFFFFFF60  }
0x1fc: {  	_ =	swait.ge [sflag:s20], $0x50  }
0x1fd: {  	[sflag:s20] =	ssyncset.done $0x0  }
0x1fe: {  	[sflag:s20] =	ssyncadd.s32 $0xFFFFFFB0  }
0x1ff: {  	_ =	swait.ge [sflag:s20], $0x50  }
0x200: {  	[sflag:s20] =	ssyncset.done $0x0  }
0x201: {  	[sflag:s20] =	ssyncadd.s32 $0xFFFFFFB0  }
0x202: {  	[tilespmem:s22], [sflag:$0x2] =	stream.indirect.gather [hbm4b:s1+s9], $0x80, s29, s9, $0xb8;
	[tilespmem:$0x1E400] =	vst v63  }
0x203: {  	s3 =	simm.s32 $0x128;
	s29 =	simm.s32 $0x6800  }
0x204: {  	[tilespmem:s29], [sflag:$0xA] =	stream.indirect.gather [hbm4b:s1+s9], $0x80, s3, s9, $0xb8;
	[tilespmem:$0x1E400] =	vst v63  }
0x205: {  	s29 =	simm.s32 $0x100  }
0x206: {  	s3 =	simm.s32 $0x150  }
0x207: {  	[tilespmem:s24], [sflag:$0x2] =	stream.indirect.gather [hbm4b:s1+s9], $0x80, s3, s9, $0xb8;
	[tilespmem:$0x1E400] =	vst v63  }
0x208: {  	s31 =	simm.s32 $0x9000;
	s3 =	simm.s32 $0x178  }
0x209: {  	[tilespmem:s31], [sflag:$0xA] =	stream.indirect.gather [hbm4b:s1+s9], $0x80, s3, s9, $0xb8;
	[tilespmem:$0x1E400] =	vst v63  }
0x20a: {  	s31 =	simm.s32 $0x380  }
0x20b: {  	_ =	swait.ge [sflag:s10], $0x2800  }
0x20c: {  	[sflag:s10] =	ssyncset.done $0x0  }
0x20d: {  	[sflag:s10] =	ssyncadd.s32 $0xFFFFD800  }
0x20e: {  	_ =	swait.ge [sflag:s10], $0x2800  }
0x20f: {  	s23 =	sadd.s32 s23, s18;
	[sflag:s10] =	ssyncset.done $0x0  }
0x210: {  	s3 =	sadd.s32 $0x28, s23;
	[sflag:s10] =	ssyncadd.s32 $0xFFFFD800  }
0x211: {  	[tilespmem:s26], [sflag:$0x7] =	stream.linear.gather [hbm4b:s3+s5], $0x50, $0x38;
	[tilespmem:$0x1E400] =	vst v63  }
0x212: {  	s3 =	sadd.s32 $0x32, s23  }
0x213: {  	[tilespmem:s28], [sflag:$0x7] =	stream.linear.gather [hbm4b:s3+s5], $0x50, $0x38;
	[tilespmem:$0x1E400] =	vst v63  }
0x214: {  	_ =	swait.ge [sflag:s13], $0x1400  }
0x215: {  	[sflag:s13] =	ssyncset.done $0x0  }
0x216: {  	[sflag:s13] =	ssyncadd.s32 $0xFFFFEC00  }
0x217: {  	_ =	swait.ge [sflag:s14], $0x1400  }
0x218: {  	[sflag:s14] =	ssyncset.done $0x0  }
0x219: {  	[sflag:s14] =	ssyncadd.s32 $0xFFFFEC00  }
0x21a: {  	[spmem:s4] =	stream.indirect.scatter.add.f32 [tilespmem:s22], [sflag:$0x4], $0x80, s30, s11, $0xb8;
	[tilespmem:$0x1E400] =	vst v63  }
0x21b: {  	_ =	swait.ge [sflag:s13], $0x1400  }
0x21c: {  	[sflag:s13] =	ssyncset.done $0x0  }
0x21d: {  	[sflag:s13] =	ssyncadd.s32 $0xFFFFEC00  }
0x21e: {  	_ =	swait.ge [sflag:s14], $0x1400  }
0x21f: {  	[sflag:s14] =	ssyncset.done $0x0  }
0x220: {  	[sflag:s14] =	ssyncadd.s32 $0xFFFFEC00  }
0x221: {  	[spmem:s4] =	stream.indirect.scatter.add.f32 [tilespmem:s24], [sflag:$0x4], $0x80, s31, s11, $0xb8;
	[tilespmem:$0x1E400] =	vst v63  }
0x222: {  	s3 =	sadd.s32 $0x3C, s25;
	s25 =	simm.s32 $0x1800  }
0x223: {  	[tilespmem:s29], [sflag:$0x6] =	stream.linear.gather [hbm4b:s3+s5], $0xA0, $0x38;
	[tilespmem:$0x1E400] =	vst v63  }
0x224: {  	_ =	swait.ge [sflag:s6], $0xA0  }
0x225: {  	[sflag:s6] =	ssyncset.done $0x0  }
0x226: {  	[sflag:s6] =	ssyncadd.s32 $0xFFFFFF60  }
0x227: {  	_ =	swait.ge [sflag:s8], $0x50  }
0x228: {  	[sflag:s8] =	ssyncset.done $0x0  }
0x229: {  	[sflag:s8] =	ssyncadd.s32 $0xFFFFFFB0  }
0x22a: {  	_ =	swait.ge [sflag:s8], $0x50  }
0x22b: {  	[sflag:s8] =	ssyncset.done $0x0  }
0x22c: {  	[sflag:s8] =	ssyncadd.s32 $0xFFFFFFB0  }
0x22d: {  	[tilespmem:s0], [sflag:$0x1] =	stream.indirect.gather [hbm4b:s1+s9], $0x80, s5, s9, $0xb8;
	[tilespmem:$0x1E400] =	vst v63  }
0x22e: {  	_ = 	snop  }
0x22f: {  	[tilespmem:s25], [sflag:$0x9] =	stream.indirect.gather [hbm4b:s1+s9], $0x80, s9, s9, $0xb8;
	[tilespmem:$0x1E400] =	vst v63  }
0x230: {  	s26 =	smov.u32 s19  }
0x231: {  	[tilespmem:s12], [sflag:$0x1] =	stream.indirect.gather [hbm4b:s1+s9], $0x80, s11, s9, $0xb8;
	[tilespmem:$0x1E400] =	vst v63  }
0x232: {  	s19 =	smov.u32 s18;
	s18 =	simm.s32 $0x4000;
	s3 =	simm.s32 $0x78  }
0x233: {  	[tilespmem:s18], [sflag:$0x9] =	stream.indirect.gather [hbm4b:s1+s9], $0x80, s3, s9, $0xb8;
	[tilespmem:$0x1E400] =	vst v63  }
0x234: {  	s18 =	smov.u32 s19;
	s19 =	smov.u32 s26;
	s26 =	simm.s32 $0x200  }
0x235: {  	_ =	swait.ge [sflag:s7], $0x2800  }
0x236: {  	[sflag:s7] =	ssyncset.done $0x0  }
0x237: {  	[sflag:s7] =	ssyncadd.s32 $0xFFFFD800  }
.Ltmp6:
0x238: {  	_ =	swait.ge [sflag:s7], $0x2800;
	(pc) =	sbr.rel @!p1 .LBB2_5-.Ltmp6, $4  }
0x239: {  	[sflag:s7] =	ssyncset.done $0x0  }
0x23a: {  	s3 =	sadd.s32 $0x3C, s23;
	[sflag:s7] =	ssyncadd.s32 $0xFFFFD800  }
0x23b: {  	[tilespmem:s30], [sflag:$0x8] =	stream.linear.gather [hbm4b:s3+s5], $0x50, $0x38;
	[tilespmem:$0x1E400] =	vst v63  }
0x23c: {  	s23 =	sadd.s32 $0x46, s23  }
.Ltmp7:
0x23d: {  	_ = 	snop;
	(pc) =	sbr.rel .LBB2_6-.Ltmp7, $1  }
0x23e: {  	_ =	sdelay $0x3  }
.LBB2_11:
0x23f: {  	_ =	sfence.sel $0x180000  }
0x240: {  	[bflag:$0x0] =	sbarrier.arrive $0xFFFF  }
0x241: {  	_ =	strace $0x90000047  }
0x242: {  	s0 =	stileid.u32;
	[bflag:$0x2] =	sbarrier.arrive $0xFFFF  }
0x243: {  	p0 =	sne.s32 s0, $0x0;
	s0 =	rddreg [dreg:$0x5]  }
0x244: {  	s0 =	sadd.s32 @!p0 $0x100000, s0  }
0x245: {  	[sflag:s0] =	ssyncadd.tile.s32 @!p0 $0x1;
	_ =	shalt  }
.Lfunc_end2:
_tile_overlayer_lowered:
.L_overlay_start_2:
0x246: {  	(tag) =	ssettag $0x2  }
0x247: {  	s0 =	rddreg [dreg:$0x0];
	s2 =	stileid.u32  }
0x248: {  	s1 =	rddreg [dreg:$0x1];
	p0 =	sne.s32 s2, $0x0  }
0x249: {  	s3 =	rddreg [dreg:$0x2];
	[bflag:$0x3] =	sbarrier.arrive $0xFFFF;
	s2 =	simm.s32 @!p0 $0x1C0B  }
0x24a: {  	[timem:s3], [sflag:s2] =	dma.local @!p0 [hbm:s0], s1  }
0x24b: {  	s0 =	simm.s32 @!p0 $0xB  }
0x24c: {  	_ =	swait.ge @!p0 [sflag:s0], s1  }
0x24d: {  	s1 =	ssub.s32 @!p0 $0x0, s1;
	[sflag:s0] =	ssyncset.done @!p0 $0x0  }
0x24e: {  	[sflag:s0] =	ssyncadd.s32 @!p0 s1  }
0x24f: {  	[bflag:$0x3] =	sbarrier.arrive $0xFFFF  }
0x250: {  	_ =	shalt  }

</sc_bundles>
